<compile_context>
chip_gen: v7x
topology: tpu7x:2x2x1
jax: 0.10.2.dev20260603
libtpu: 0.0.44.dev20260713+nightly
codegen_flags: <defaults>
</compile_context>

<pallas_src>
import functools

import jax
import jax.numpy as jnp
from jax import lax
from jax.experimental import pallas as pl
from jax.experimental.pallas import tpu as pltpu
from jax.experimental.pallas import tpu_sc as plsc

_LANES = 16

try:
    _INFO = plsc.get_sparse_core_info()
    _NC, _NS = _INFO.num_cores, _INFO.num_subcores
except Exception:
    _NC, _NS = 2, 16
_NW = _NC * _NS


@functools.lru_cache(maxsize=None)
def _build(N, T, D, SIDE):
    B = SIDE * N
    assert B % _NW == 0
    bpw = B // _NW
    C = 128
    S = 2 * C
    assert bpw % S == 0
    n_super = bpw // S

    mesh = plsc.VectorSubcoreMesh(core_axis_name="c", subcore_axis_name="s")

    @functools.partial(
        pl.kernel,
        mesh=mesh,
        out_type=jax.ShapeDtypeStruct((B // S, S, D), jnp.float32),
        scratch_types=[
            pltpu.VMEM((N,), jnp.int32),
            pltpu.VMEM((2, C), jnp.int32),
            pltpu.VMEM((2, C), jnp.int32),
            pltpu.VMEM((2, C), jnp.int32),
            pltpu.VMEM((S, D), jnp.float32),
            pltpu.VMEM((S, D), jnp.float32),
            pltpu.VMEM((S, D), jnp.float32),
            pltpu.SemaphoreType.DMA,
            pltpu.SemaphoreType.DMA,
            pltpu.SemaphoreType.DMA,
            pltpu.SemaphoreType.DMA,
            pltpu.SemaphoreType.DMA,
            pltpu.SemaphoreType.DMA,
        ],
    )
    def crop(grid_hbm, top_hbm, out_hbm, top_v, i0, i1, i2,
             b0, b1, b2, g0, g1, g2, s0, s1, s2):
        wid = lax.axis_index("s") * _NC + lax.axis_index("c")
        sbase = wid * n_super
        base = wid * bpw
        pltpu.sync_copy(top_hbm, top_v)
        lanes = lax.broadcasted_iota(jnp.int32, (_LANES,), 0)
        idx = (i0, i1, i2)
        buf = (b0, b1, b2)
        gsem = (g0, g1, g2)
        ssem = (s0, s1, s2)

        def compute_idx(c, b, k):
            row0 = base + c * S + k * C
            t = lax.div(row0, N)
            n0 = lax.rem(row0, N)
            for j in range(C // _LANES):
                nv = n0 + j * _LANES + lanes
                tv = top_v[pl.ds(n0 + j * _LANES, _LANES)]
                idx[b][k, pl.ds(j * _LANES, _LANES)] = nv * T + tv + t

        def start_gathers(b):
            for k in range(2):
                pltpu.async_copy(grid_hbm.at[idx[b].at[k]],
                                 buf[b].at[pl.ds(k * C, C)], gsem[b])

        def wait_gathers(b):
            for k in range(2):
                pltpu.make_async_copy(grid_hbm.at[idx[b].at[k]],
                                      buf[b].at[pl.ds(k * C, C)],
                                      gsem[b]).wait()

        def start_scatter(c, b):
            pltpu.async_copy(buf[b], out_hbm.at[sbase + c], ssem[b])

        def wait_scatter(c, b):
            pltpu.make_async_copy(buf[b], out_hbm.at[sbase + c],
                                  ssem[b]).wait()

        def body(c, b, b2, first=False):
            wait_gathers(b)
            start_scatter(c, b)
            compute_idx(c + 2, b2, 0)
            compute_idx(c + 2, b2, 1)
            if not first:
                wait_scatter(c - 1, b2)
            start_gathers(b2)

        for c in range(2):
            compute_idx(c, c, 0)
            compute_idx(c, c, 1)
            start_gathers(c)

        body(0, 0, 2, first=True)

        def steady(i, carry):
            for j in range(3):
                c = 1 + 3 * i + j
                body(c, (1 + j) % 3, j)
            return carry

        lax.fori_loop(0, (n_super - 4) // 3, steady, 0)

        body(n_super - 3, (n_super - 3) % 3, (n_super - 1) % 3)
        for c in range(n_super - 2, n_super):
            wait_gathers(c % 3)
            start_scatter(c, c % 3)
        for c in range(n_super - 3, n_super):
            wait_scatter(c, c % 3)

    return crop


def kernel(grid, top, steps):
    N, T, D = grid.shape
    SIDE = steps.shape[0]
    crop = _build(N, T, D, SIDE)
    out = crop(grid.reshape(N * T, D), top)
    return out.reshape(SIDE, N, D)

# --- scband reference (transcript-rebuilt; emitter-appended) ---
"""Pipeline reference for scband-time-crop-12824772346584 (READ-ONLY COPY).

The authoritative reference and input builder live on the scoring server;
editing this copy changes nothing except your own understanding.
"""

import jax, jax.numpy as jnp
import numpy as np

N = 256
T = 4096
D = 128
SIDE = 512


def setup_inputs(seed: int = 0) -> dict:
    key = jax.random.key(seed)
    k1, k2 = jax.random.split(key)
    grid = jax.random.normal(k1, (N, T, D), dtype=jnp.float32)
    top = jax.random.randint(k2, (N,), 0, T - SIDE, dtype=jnp.int32)
    # non-learnable buffer from __init__: steps = arange(side)
    steps = jnp.arange(SIDE, dtype=jnp.int32)
    return {"grid": grid, "top": top, "steps": steps}


def reference(grid, top, steps):
    # Faithful translation of TimeCrop.forward
    n = top.shape[0]
    side = steps.shape[0]
    indices = steps[None, :] + top[:, None]            # [N, side]
    rows = jnp.repeat(jnp.arange(n, dtype=jnp.int32), side)  # [N*side]
    flat = grid[rows, indices.reshape(-1), :]           # [N*side, D] gather
    out = flat.reshape(n, side, -1).transpose(1, 0, 2)  # [side, N, D]
    return out

if __name__ == "__main__":
    import jax
    _d = setup_inputs()
    print(jax.jit(kernel)(*tuple(_d.values())))

</pallas_src>

<mosaic_0001>
#map = affine_map<(d0, d1) -> (0, 0)>
#map1 = affine_map<(d0, d1) -> (0)>
#map2 = affine_map<(d0, d1) -> (0, 0, 0)>
module attributes {stable_mosaic.version = 14 : i64} {
  func.func @crop(%arg0: i32, %arg1: i32, %arg2: memref<1048576x128xf32, #tpu.memory_space<hbm>>, %arg3: memref<256xi32, #tpu.memory_space<hbm>>, %arg4: memref<512x256x128xf32, #tpu.memory_space<hbm>>, %arg5: memref<256xi32, #tpu.memory_space<vmem>>, %arg6: memref<2x128xi32, #tpu.memory_space<vmem>>, %arg7: memref<2x128xi32, #tpu.memory_space<vmem>>, %arg8: memref<2x128xi32, #tpu.memory_space<vmem>>, %arg9: memref<256x128xf32, #tpu.memory_space<vmem>>, %arg10: memref<256x128xf32, #tpu.memory_space<vmem>>, %arg11: memref<256x128xf32, #tpu.memory_space<vmem>>, %arg12: memref<!tpu.dma_semaphore, #tpu.memory_space<semaphore_mem>>, %arg13: memref<!tpu.dma_semaphore, #tpu.memory_space<semaphore_mem>>, %arg14: memref<!tpu.dma_semaphore, #tpu.memory_space<semaphore_mem>>, %arg15: memref<!tpu.dma_semaphore, #tpu.memory_space<semaphore_mem>>, %arg16: memref<!tpu.dma_semaphore, #tpu.memory_space<semaphore_mem>>, %arg17: memref<!tpu.dma_semaphore, #tpu.memory_space<semaphore_mem>>) attributes {dimension_semantics = [#tpu.dimension_semantics<core_parallel>, #tpu.dimension_semantics<subcore_parallel>], iteration_bounds = array<i64: 2, 16>, scalar_prefetch = 0 : i64, scratch_operands = 13 : i64, tpu.core_type = #tpu.core_type<sc_vector_subcore>, window_params = [{transform_indices = #map}, {transform_indices = #map1}, {transform_indices = #map2}]} {
    %mul3A = arith.constant 2 : i32
    %mul3A_0 = arith.muli %arg1, %mul3A : i32
    %add3A = arith.addi %mul3A_0, %arg0 : i32
    %mul3A_1 = arith.constant 16 : i32
    %mul3A_2 = arith.muli %add3A, %mul3A_1 : i32
    %mul3A_3 = arith.constant 4096 : i32
    %mul3A_4 = arith.muli %add3A, %mul3A_3 : i32
    "tpu.region"() ({
      %run_scoped3A = tpu.sem_alloc : memref<!tpu.dma_semaphore, #tpu.memory_space<semaphore_mem>>
      tpu.enqueue_dma source(%arg3 : memref<256xi32, #tpu.memory_space<hbm>>) target(%arg5 : memref<256xi32, #tpu.memory_space<vmem>>) target_semaphore(%run_scoped3A : memref<!tpu.dma_semaphore, #tpu.memory_space<semaphore_mem>>)
      tpu.wait_dma2 semaphore(%run_scoped3A : memref<!tpu.dma_semaphore, #tpu.memory_space<semaphore_mem>>) src(%arg3 : memref<256xi32, #tpu.memory_space<hbm>>) dst(%arg5 : memref<256xi32, #tpu.memory_space<vmem>>)
      tpu.yield
    }) : () -> ()
    %iota3A = tpu.iota {dimensions = array<i32: 0>} : vector<16xi32>
    %add3A_5 = arith.constant 0 : i32
    %add3A_6 = arith.addi %mul3A_4, %add3A_5 : i32
    %add3A_7 = arith.constant 0 : i32
    %add3A_8 = arith.addi %add3A_6, %add3A_7 : i32
    %div3A = arith.constant 256 : i32
    %div3A_9 = arith.divsi %add3A_8, %div3A : i32
    %rem3A = arith.constant 256 : i32
    %rem3A_10 = arith.remsi %add3A_8, %rem3A : i32
    %add3A_11 = arith.constant 0 : i32
    %add3A_12 = arith.addi %rem3A_10, %add3A_11 : i32
    %add3A_13 = vector.broadcast %add3A_12 : i32 to vector<16xi32>
    %add3A_14 = arith.addi %add3A_13, %iota3A : vector<16xi32>
    %add3A_15 = arith.constant 0 : i32
    %add3A_16 = arith.addi %rem3A_10, %add3A_15 : i32
    %get3A = arith.index_cast %add3A_16 : i32 to index
    %get3A_17 = tpu.vector_load %arg5[%get3A] {strides = array<i32>} : memref<256xi32, #tpu.memory_space<vmem>>, vector<16xi32>,
    %get3A_18 = vector.shape_cast %get3A_17 : vector<16xi32> to vector<16xi32>
    %mul3A_19 = arith.constant 4096 : i32
    %mul3A_20 = vector.broadcast %mul3A_19 : i32 to vector<16xi32>
    %mul3A_21 = arith.muli %add3A_14, %mul3A_20 : vector<16xi32>
    %add3A_22 = arith.addi %mul3A_21, %get3A_18 : vector<16xi32>
    %add3A_23 = vector.broadcast %div3A_9 : i32 to vector<16xi32>
    %add3A_24 = arith.addi %add3A_22, %add3A_23 : vector<16xi32>
    %swap3A = arith.constant 0 : i32
    %swap3A_25 = arith.index_cast %swap3A : i32 to index
    %swap3A_26 = arith.constant 0 : index
    %swap3A_27 = tpu.vector_load %arg6[%swap3A_25, %swap3A_26] {strides = array<i32>} : memref<2x128xi32, #tpu.memory_space<vmem>>, vector<1x16xi32>,
    %swap3A_28 = vector.shape_cast %swap3A_27 : vector<1x16xi32> to vector<16xi32>
    %swap3A_29 = vector.shape_cast %add3A_24 : vector<16xi32> to vector<1x16xi32>
    tpu.vector_store %arg6[%swap3A_25, %swap3A_26], %swap3A_29 {strides = array<i32>} : memref<2x128xi32, #tpu.memory_space<vmem>>, vector<1x16xi32>,
    %add3A_30 = arith.constant 16 : i32
    %add3A_31 = arith.addi %rem3A_10, %add3A_30 : i32
    %add3A_32 = vector.broadcast %add3A_31 : i32 to vector<16xi32>
    %add3A_33 = arith.addi %add3A_32, %iota3A : vector<16xi32>
    %add3A_34 = arith.constant 16 : i32
    %add3A_35 = arith.addi %rem3A_10, %add3A_34 : i32
    %get3A_36 = arith.index_cast %add3A_35 : i32 to index
    %get3A_37 = tpu.vector_load %arg5[%get3A_36] {strides = array<i32>} : memref<256xi32, #tpu.memory_space<vmem>>, vector<16xi32>,
    %get3A_38 = vector.shape_cast %get3A_37 : vector<16xi32> to vector<16xi32>
    %mul3A_39 = arith.constant 4096 : i32
    %mul3A_40 = vector.broadcast %mul3A_39 : i32 to vector<16xi32>
    %mul3A_41 = arith.muli %add3A_33, %mul3A_40 : vector<16xi32>
    %add3A_42 = arith.addi %mul3A_41, %get3A_38 : vector<16xi32>
    %add3A_43 = vector.broadcast %div3A_9 : i32 to vector<16xi32>
    %add3A_44 = arith.addi %add3A_42, %add3A_43 : vector<16xi32>
    %swap3A_45 = arith.constant 0 : i32
    %swap3A_46 = arith.index_cast %swap3A_45 : i32 to index
    %swap3A_47 = arith.constant 16 : index
    %swap3A_48 = tpu.vector_load %arg6[%swap3A_46, %swap3A_47] {strides = array<i32>} : memref<2x128xi32, #tpu.memory_space<vmem>>, vector<1x16xi32>,
    %swap3A_49 = vector.shape_cast %swap3A_48 : vector<1x16xi32> to vector<16xi32>
    %swap3A_50 = vector.shape_cast %add3A_44 : vector<16xi32> to vector<1x16xi32>
    tpu.vector_store %arg6[%swap3A_46, %swap3A_47], %swap3A_50 {strides = array<i32>} : memref<2x128xi32, #tpu.memory_space<vmem>>, vector<1x16xi32>,
    %add3A_51 = arith.constant 32 : i32
    %add3A_52 = arith.addi %rem3A_10, %add3A_51 : i32
    %add3A_53 = vector.broadcast %add3A_52 : i32 to vector<16xi32>
    %add3A_54 = arith.addi %add3A_53, %iota3A : vector<16xi32>
    %add3A_55 = arith.constant 32 : i32
    %add3A_56 = arith.addi %rem3A_10, %add3A_55 : i32
    %get3A_57 = arith.index_cast %add3A_56 : i32 to index
    %get3A_58 = tpu.vector_load %arg5[%get3A_57] {strides = array<i32>} : memref<256xi32, #tpu.memory_space<vmem>>, vector<16xi32>,
    %get3A_59 = vector.shape_cast %get3A_58 : vector<16xi32> to vector<16xi32>
    %mul3A_60 = arith.constant 4096 : i32
    %mul3A_61 = vector.broadcast %mul3A_60 : i32 to vector<16xi32>
    %mul3A_62 = arith.muli %add3A_54, %mul3A_61 : vector<16xi32>
    %add3A_63 = arith.addi %mul3A_62, %get3A_59 : vector<16xi32>
    %add3A_64 = vector.broadcast %div3A_9 : i32 to vector<16xi32>
    %add3A_65 = arith.addi %add3A_63, %add3A_64 : vector<16xi32>
    %swap3A_66 = arith.constant 0 : i32
    %swap3A_67 = arith.index_cast %swap3A_66 : i32 to index
    %swap3A_68 = arith.constant 32 : index
    %swap3A_69 = tpu.vector_load %arg6[%swap3A_67, %swap3A_68] {strides = array<i32>} : memref<2x128xi32, #tpu.memory_space<vmem>>, vector<1x16xi32>,
    %swap3A_70 = vector.shape_cast %swap3A_69 : vector<1x16xi32> to vector<16xi32>
    %swap3A_71 = vector.shape_cast %add3A_65 : vector<16xi32> to vector<1x16xi32>
    tpu.vector_store %arg6[%swap3A_67, %swap3A_68], %swap3A_71 {strides = array<i32>} : memref<2x128xi32, #tpu.memory_space<vmem>>, vector<1x16xi32>,
    %add3A_72 = arith.constant 48 : i32
    %add3A_73 = arith.addi %rem3A_10, %add3A_72 : i32
    %add3A_74 = vector.broadcast %add3A_73 : i32 to vector<16xi32>
    %add3A_75 = arith.addi %add3A_74, %iota3A : vector<16xi32>
    %add3A_76 = arith.constant 48 : i32
    %add3A_77 = arith.addi %rem3A_10, %add3A_76 : i32
    %get3A_78 = arith.index_cast %add3A_77 : i32 to index
    %get3A_79 = tpu.vector_load %arg5[%get3A_78] {strides = array<i32>} : memref<256xi32, #tpu.memory_space<vmem>>, vector<16xi32>,
    %get3A_80 = vector.shape_cast %get3A_79 : vector<16xi32> to vector<16xi32>
    %mul3A_81 = arith.constant 4096 : i32
    %mul3A_82 = vector.broadcast %mul3A_81 : i32 to vector<16xi32>
    %mul3A_83 = arith.muli %add3A_75, %mul3A_82 : vector<16xi32>
    %add3A_84 = arith.addi %mul3A_83, %get3A_80 : vector<16xi32>
    %add3A_85 = vector.broadcast %div3A_9 : i32 to vector<16xi32>
    %add3A_86 = arith.addi %add3A_84, %add3A_85 : vector<16xi32>
    %swap3A_87 = arith.constant 0 : i32
    %swap3A_88 = arith.index_cast %swap3A_87 : i32 to index
    %swap3A_89 = arith.constant 48 : index
    %swap3A_90 = tpu.vector_load %arg6[%swap3A_88, %swap3A_89] {strides = array<i32>} : memref<2x128xi32, #tpu.memory_space<vmem>>, vector<1x16xi32>,
    %swap3A_91 = vector.shape_cast %swap3A_90 : vector<1x16xi32> to vector<16xi32>
    %swap3A_92 = vector.shape_cast %add3A_86 : vector<16xi32> to vector<1x16xi32>
    tpu.vector_store %arg6[%swap3A_88, %swap3A_89], %swap3A_92 {strides = array<i32>} : memref<2x128xi32, #tpu.memory_space<vmem>>, vector<1x16xi32>,
    %add3A_93 = arith.constant 64 : i32
    %add3A_94 = arith.addi %rem3A_10, %add3A_93 : i32
    %add3A_95 = vector.broadcast %add3A_94 : i32 to vector<16xi32>
    %add3A_96 = arith.addi %add3A_95, %iota3A : vector<16xi32>
    %add3A_97 = arith.constant 64 : i32
    %add3A_98 = arith.addi %rem3A_10, %add3A_97 : i32
    %get3A_99 = arith.index_cast %add3A_98 : i32 to index
    %get3A_100 = tpu.vector_load %arg5[%get3A_99] {strides = array<i32>} : memref<256xi32, #tpu.memory_space<vmem>>, vector<16xi32>,
    %get3A_101 = vector.shape_cast %get3A_100 : vector<16xi32> to vector<16xi32>
    %mul3A_102 = arith.constant 4096 : i32
    %mul3A_103 = vector.broadcast %mul3A_102 : i32 to vector<16xi32>
    %mul3A_104 = arith.muli %add3A_96, %mul3A_103 : vector<16xi32>
    %add3A_105 = arith.addi %mul3A_104, %get3A_101 : vector<16xi32>
    %add3A_106 = vector.broadcast %div3A_9 : i32 to vector<16xi32>
    %add3A_107 = arith.addi %add3A_105, %add3A_106 : vector<16xi32>
    %swap3A_108 = arith.constant 0 : i32
    %swap3A_109 = arith.index_cast %swap3A_108 : i32 to index
    %swap3A_110 = arith.constant 64 : index
    %swap3A_111 = tpu.vector_load %arg6[%swap3A_109, %swap3A_110] {strides = array<i32>} : memref<2x128xi32, #tpu.memory_space<vmem>>, vector<1x16xi32>,
    %swap3A_112 = vector.shape_cast %swap3A_111 : vector<1x16xi32> to vector<16xi32>
    %swap3A_113 = vector.shape_cast %add3A_107 : vector<16xi32> to vector<1x16xi32>
    tpu.vector_store %arg6[%swap3A_109, %swap3A_110], %swap3A_113 {strides = array<i32>} : memref<2x128xi32, #tpu.memory_space<vmem>>, vector<1x16xi32>,
    %add3A_114 = arith.constant 80 : i32
    %add3A_115 = arith.addi %rem3A_10, %add3A_114 : i32
    %add3A_116 = vector.broadcast %add3A_115 : i32 to vector<16xi32>
    %add3A_117 = arith.addi %add3A_116, %iota3A : vector<16xi32>
    %add3A_118 = arith.constant 80 : i32
    %add3A_119 = arith.addi %rem3A_10, %add3A_118 : i32
    %get3A_120 = arith.index_cast %add3A_119 : i32 to index
    %get3A_121 = tpu.vector_load %arg5[%get3A_120] {strides = array<i32>} : memref<256xi32, #tpu.memory_space<vmem>>, vector<16xi32>,
    %get3A_122 = vector.shape_cast %get3A_121 : vector<16xi32> to vector<16xi32>
    %mul3A_123 = arith.constant 4096 : i32
    %mul3A_124 = vector.broadcast %mul3A_123 : i32 to vector<16xi32>
    %mul3A_125 = arith.muli %add3A_117, %mul3A_124 : vector<16xi32>
    %add3A_126 = arith.addi %mul3A_125, %get3A_122 : vector<16xi32>
    %add3A_127 = vector.broadcast %div3A_9 : i32 to vector<16xi32>
    %add3A_128 = arith.addi %add3A_126, %add3A_127 : vector<16xi32>
    %swap3A_129 = arith.constant 0 : i32
    %swap3A_130 = arith.index_cast %swap3A_129 : i32 to index
    %swap3A_131 = arith.constant 80 : index
    %swap3A_132 = tpu.vector_load %arg6[%swap3A_130, %swap3A_131] {strides = array<i32>} : memref<2x128xi32, #tpu.memory_space<vmem>>, vector<1x16xi32>,
    %swap3A_133 = vector.shape_cast %swap3A_132 : vector<1x16xi32> to vector<16xi32>
    %swap3A_134 = vector.shape_cast %add3A_128 : vector<16xi32> to vector<1x16xi32>
    tpu.vector_store %arg6[%swap3A_130, %swap3A_131], %swap3A_134 {strides = array<i32>} : memref<2x128xi32, #tpu.memory_space<vmem>>, vector<1x16xi32>,
    %add3A_135 = arith.constant 96 : i32
    %add3A_136 = arith.addi %rem3A_10, %add3A_135 : i32
    %add3A_137 = vector.broadcast %add3A_136 : i32 to vector<16xi32>
    %add3A_138 = arith.addi %add3A_137, %iota3A : vector<16xi32>
    %add3A_139 = arith.constant 96 : i32
    %add3A_140 = arith.addi %rem3A_10, %add3A_139 : i32
    %get3A_141 = arith.index_cast %add3A_140 : i32 to index
    %get3A_142 = tpu.vector_load %arg5[%get3A_141] {strides = array<i32>} : memref<256xi32, #tpu.memory_space<vmem>>, vector<16xi32>,
    %get3A_143 = vector.shape_cast %get3A_142 : vector<16xi32> to vector<16xi32>
    %mul3A_144 = arith.constant 4096 : i32
    %mul3A_145 = vector.broadcast %mul3A_144 : i32 to vector<16xi32>
    %mul3A_146 = arith.muli %add3A_138, %mul3A_145 : vector<16xi32>
    %add3A_147 = arith.addi %mul3A_146, %get3A_143 : vector<16xi32>
    %add3A_148 = vector.broadcast %div3A_9 : i32 to vector<16xi32>
    %add3A_149 = arith.addi %add3A_147, %add3A_148 : vector<16xi32>
    %swap3A_150 = arith.constant 0 : i32
    %swap3A_151 = arith.index_cast %swap3A_150 : i32 to index
    %swap3A_152 = arith.constant 96 : index
    %swap3A_153 = tpu.vector_load %arg6[%swap3A_151, %swap3A_152] {strides = array<i32>} : memref<2x128xi32, #tpu.memory_space<vmem>>, vector<1x16xi32>,
    %swap3A_154 = vector.shape_cast %swap3A_153 : vector<1x16xi32> to vector<16xi32>
    %swap3A_155 = vector.shape_cast %add3A_149 : vector<16xi32> to vector<1x16xi32>
    tpu.vector_store %arg6[%swap3A_151, %swap3A_152], %swap3A_155 {strides = array<i32>} : memref<2x128xi32, #tpu.memory_space<vmem>>, vector<1x16xi32>,
    %add3A_156 = arith.constant 112 : i32
    %add3A_157 = arith.addi %rem3A_10, %add3A_156 : i32
    %add3A_158 = vector.broadcast %add3A_157 : i32 to vector<16xi32>
    %add3A_159 = arith.addi %add3A_158, %iota3A : vector<16xi32>
    %add3A_160 = arith.constant 112 : i32
    %add3A_161 = arith.addi %rem3A_10, %add3A_160 : i32
    %get3A_162 = arith.index_cast %add3A_161 : i32 to index
    %get3A_163 = tpu.vector_load %arg5[%get3A_162] {strides = array<i32>} : memref<256xi32, #tpu.memory_space<vmem>>, vector<16xi32>,
    %get3A_164 = vector.shape_cast %get3A_163 : vector<16xi32> to vector<16xi32>
    %mul3A_165 = arith.constant 4096 : i32
    %mul3A_166 = vector.broadcast %mul3A_165 : i32 to vector<16xi32>
    %mul3A_167 = arith.muli %add3A_159, %mul3A_166 : vector<16xi32>
    %add3A_168 = arith.addi %mul3A_167, %get3A_164 : vector<16xi32>
    %add3A_169 = vector.broadcast %div3A_9 : i32 to vector<16xi32>
    %add3A_170 = arith.addi %add3A_168, %add3A_169 : vector<16xi32>
    %swap3A_171 = arith.constant 0 : i32
    %swap3A_172 = arith.index_cast %swap3A_171 : i32 to index
    %swap3A_173 = arith.constant 112 : index
    %swap3A_174 = tpu.vector_load %arg6[%swap3A_172, %swap3A_173] {strides = array<i32>} : memref<2x128xi32, #tpu.memory_space<vmem>>, vector<1x16xi32>,
    %swap3A_175 = vector.shape_cast %swap3A_174 : vector<1x16xi32> to vector<16xi32>
    %swap3A_176 = vector.shape_cast %add3A_170 : vector<16xi32> to vector<1x16xi32>
    tpu.vector_store %arg6[%swap3A_172, %swap3A_173], %swap3A_176 {strides = array<i32>} : memref<2x128xi32, #tpu.memory_space<vmem>>, vector<1x16xi32>,
    %add3A_177 = arith.constant 0 : i32
    %add3A_178 = arith.addi %mul3A_4, %add3A_177 : i32
    %add3A_179 = arith.constant 128 : i32
    %add3A_180 = arith.addi %add3A_178, %add3A_179 : i32
    %div3A_181 = arith.constant 256 : i32
    %div3A_182 = arith.divsi %add3A_180, %div3A_181 : i32
    %rem3A_183 = arith.constant 256 : i32
    %rem3A_184 = arith.remsi %add3A_180, %rem3A_183 : i32
    %add3A_185 = arith.constant 0 : i32
    %add3A_186 = arith.addi %rem3A_184, %add3A_185 : i32
    %add3A_187 = vector.broadcast %add3A_186 : i32 to vector<16xi32>
    %add3A_188 = arith.addi %add3A_187, %iota3A : vector<16xi32>
    %add3A_189 = arith.constant 0 : i32
    %add3A_190 = arith.addi %rem3A_184, %add3A_189 : i32
    %get3A_191 = arith.index_cast %add3A_190 : i32 to index
    %get3A_192 = tpu.vector_load %arg5[%get3A_191] {strides = array<i32>} : memref<256xi32, #tpu.memory_space<vmem>>, vector<16xi32>,
    %get3A_193 = vector.shape_cast %get3A_192 : vector<16xi32> to vector<16xi32>
    %mul3A_194 = arith.constant 4096 : i32
    %mul3A_195 = vector.broadcast %mul3A_194 : i32 to vector<16xi32>
    %mul3A_196 = arith.muli %add3A_188, %mul3A_195 : vector<16xi32>
    %add3A_197 = arith.addi %mul3A_196, %get3A_193 : vector<16xi32>
    %add3A_198 = vector.broadcast %div3A_182 : i32 to vector<16xi32>
    %add3A_199 = arith.addi %add3A_197, %add3A_198 : vector<16xi32>
    %swap3A_200 = arith.constant 1 : i32
    %swap3A_201 = arith.index_cast %swap3A_200 : i32 to index
    %swap3A_202 = arith.constant 0 : index
    %swap3A_203 = tpu.vector_load %arg6[%swap3A_201, %swap3A_202] {strides = array<i32>} : memref<2x128xi32, #tpu.memory_space<vmem>>, vector<1x16xi32>,
    %swap3A_204 = vector.shape_cast %swap3A_203 : vector<1x16xi32> to vector<16xi32>
    %swap3A_205 = vector.shape_cast %add3A_199 : vector<16xi32> to vector<1x16xi32>
    tpu.vector_store %arg6[%swap3A_201, %swap3A_202], %swap3A_205 {strides = array<i32>} : memref<2x128xi32, #tpu.memory_space<vmem>>, vector<1x16xi32>,
    %add3A_206 = arith.constant 16 : i32
    %add3A_207 = arith.addi %rem3A_184, %add3A_206 : i32
    %add3A_208 = vector.broadcast %add3A_207 : i32 to vector<16xi32>
    %add3A_209 = arith.addi %add3A_208, %iota3A : vector<16xi32>
    %add3A_210 = arith.constant 16 : i32
    %add3A_211 = arith.addi %rem3A_184, %add3A_210 : i32
    %get3A_212 = arith.index_cast %add3A_211 : i32 to index
    %get3A_213 = tpu.vector_load %arg5[%get3A_212] {strides = array<i32>} : memref<256xi32, #tpu.memory_space<vmem>>, vector<16xi32>,
    %get3A_214 = vector.shape_cast %get3A_213 : vector<16xi32> to vector<16xi32>
    %mul3A_215 = arith.constant 4096 : i32
    %mul3A_216 = vector.broadcast %mul3A_215 : i32 to vector<16xi32>
    %mul3A_217 = arith.muli %add3A_209, %mul3A_216 : vector<16xi32>
    %add3A_218 = arith.addi %mul3A_217, %get3A_214 : vector<16xi32>
    %add3A_219 = vector.broadcast %div3A_182 : i32 to vector<16xi32>
    %add3A_220 = arith.addi %add3A_218, %add3A_219 : vector<16xi32>
    %swap3A_221 = arith.constant 1 : i32
    %swap3A_222 = arith.index_cast %swap3A_221 : i32 to index
    %swap3A_223 = arith.constant 16 : index
    %swap3A_224 = tpu.vector_load %arg6[%swap3A_222, %swap3A_223] {strides = array<i32>} : memref<2x128xi32, #tpu.memory_space<vmem>>, vector<1x16xi32>,
    %swap3A_225 = vector.shape_cast %swap3A_224 : vector<1x16xi32> to vector<16xi32>
    %swap3A_226 = vector.shape_cast %add3A_220 : vector<16xi32> to vector<1x16xi32>
    tpu.vector_store %arg6[%swap3A_222, %swap3A_223], %swap3A_226 {strides = array<i32>} : memref<2x128xi32, #tpu.memory_space<vmem>>, vector<1x16xi32>,
    %add3A_227 = arith.constant 32 : i32
    %add3A_228 = arith.addi %rem3A_184, %add3A_227 : i32
    %add3A_229 = vector.broadcast %add3A_228 : i32 to vector<16xi32>
    %add3A_230 = arith.addi %add3A_229, %iota3A : vector<16xi32>
    %add3A_231 = arith.constant 32 : i32
    %add3A_232 = arith.addi %rem3A_184, %add3A_231 : i32
    %get3A_233 = arith.index_cast %add3A_232 : i32 to index
    %get3A_234 = tpu.vector_load %arg5[%get3A_233] {strides = array<i32>} : memref<256xi32, #tpu.memory_space<vmem>>, vector<16xi32>,
    %get3A_235 = vector.shape_cast %get3A_234 : vector<16xi32> to vector<16xi32>
    %mul3A_236 = arith.constant 4096 : i32
    %mul3A_237 = vector.broadcast %mul3A_236 : i32 to vector<16xi32>
    %mul3A_238 = arith.muli %add3A_230, %mul3A_237 : vector<16xi32>
    %add3A_239 = arith.addi %mul3A_238, %get3A_235 : vector<16xi32>
    %add3A_240 = vector.broadcast %div3A_182 : i32 to vector<16xi32>
    %add3A_241 = arith.addi %add3A_239, %add3A_240 : vector<16xi32>
    %swap3A_242 = arith.constant 1 : i32
    %swap3A_243 = arith.index_cast %swap3A_242 : i32 to index
    %swap3A_244 = arith.constant 32 : index
    %swap3A_245 = tpu.vector_load %arg6[%swap3A_243, %swap3A_244] {strides = array<i32>} : memref<2x128xi32, #tpu.memory_space<vmem>>, vector<1x16xi32>,
    %swap3A_246 = vector.shape_cast %swap3A_245 : vector<1x16xi32> to vector<16xi32>
    %swap3A_247 = vector.shape_cast %add3A_241 : vector<16xi32> to vector<1x16xi32>
    tpu.vector_store %arg6[%swap3A_243, %swap3A_244], %swap3A_247 {strides = array<i32>} : memref<2x128xi32, #tpu.memory_space<vmem>>, vector<1x16xi32>,
    %add3A_248 = arith.constant 48 : i32
    %add3A_249 = arith.addi %rem3A_184, %add3A_248 : i32
    %add3A_250 = vector.broadcast %add3A_249 : i32 to vector<16xi32>
    %add3A_251 = arith.addi %add3A_250, %iota3A : vector<16xi32>
    %add3A_252 = arith.constant 48 : i32
    %add3A_253 = arith.addi %rem3A_184, %add3A_252 : i32
    %get3A_254 = arith.index_cast %add3A_253 : i32 to index
    %get3A_255 = tpu.vector_load %arg5[%get3A_254] {strides = array<i32>} : memref<256xi32, #tpu.memory_space<vmem>>, vector<16xi32>,
    %get3A_256 = vector.shape_cast %get3A_255 : vector<16xi32> to vector<16xi32>
    %mul3A_257 = arith.constant 4096 : i32
    %mul3A_258 = vector.broadcast %mul3A_257 : i32 to vector<16xi32>
    %mul3A_259 = arith.muli %add3A_251, %mul3A_258 : vector<16xi32>
    %add3A_260 = arith.addi %mul3A_259, %get3A_256 : vector<16xi32>
    %add3A_261 = vector.broadcast %div3A_182 : i32 to vector<16xi32>
    %add3A_262 = arith.addi %add3A_260, %add3A_261 : vector<16xi32>
    %swap3A_263 = arith.constant 1 : i32
    %swap3A_264 = arith.index_cast %swap3A_263 : i32 to index
    %swap3A_265 = arith.constant 48 : index
    %swap3A_266 = tpu.vector_load %arg6[%swap3A_264, %swap3A_265] {strides = array<i32>} : memref<2x128xi32, #tpu.memory_space<vmem>>, vector<1x16xi32>,
    %swap3A_267 = vector.shape_cast %swap3A_266 : vector<1x16xi32> to vector<16xi32>
    %swap3A_268 = vector.shape_cast %add3A_262 : vector<16xi32> to vector<1x16xi32>
    tpu.vector_store %arg6[%swap3A_264, %swap3A_265], %swap3A_268 {strides = array<i32>} : memref<2x128xi32, #tpu.memory_space<vmem>>, vector<1x16xi32>,
    %add3A_269 = arith.constant 64 : i32
    %add3A_270 = arith.addi %rem3A_184, %add3A_269 : i32
    %add3A_271 = vector.broadcast %add3A_270 : i32 to vector<16xi32>
    %add3A_272 = arith.addi %add3A_271, %iota3A : vector<16xi32>
    %add3A_273 = arith.constant 64 : i32
    %add3A_274 = arith.addi %rem3A_184, %add3A_273 : i32
    %get3A_275 = arith.index_cast %add3A_274 : i32 to index
    %get3A_276 = tpu.vector_load %arg5[%get3A_275] {strides = array<i32>} : memref<256xi32, #tpu.memory_space<vmem>>, vector<16xi32>,
    %get3A_277 = vector.shape_cast %get3A_276 : vector<16xi32> to vector<16xi32>
    %mul3A_278 = arith.constant 4096 : i32
    %mul3A_279 = vector.broadcast %mul3A_278 : i32 to vector<16xi32>
    %mul3A_280 = arith.muli %add3A_272, %mul3A_279 : vector<16xi32>
    %add3A_281 = arith.addi %mul3A_280, %get3A_277 : vector<16xi32>
    %add3A_282 = vector.broadcast %div3A_182 : i32 to vector<16xi32>
    %add3A_283 = arith.addi %add3A_281, %add3A_282 : vector<16xi32>
    %swap3A_284 = arith.constant 1 : i32
    %swap3A_285 = arith.index_cast %swap3A_284 : i32 to index
    %swap3A_286 = arith.constant 64 : index
    %swap3A_287 = tpu.vector_load %arg6[%swap3A_285, %swap3A_286] {strides = array<i32>} : memref<2x128xi32, #tpu.memory_space<vmem>>, vector<1x16xi32>,
    %swap3A_288 = vector.shape_cast %swap3A_287 : vector<1x16xi32> to vector<16xi32>
    %swap3A_289 = vector.shape_cast %add3A_283 : vector<16xi32> to vector<1x16xi32>
    tpu.vector_store %arg6[%swap3A_285, %swap3A_286], %swap3A_289 {strides = array<i32>} : memref<2x128xi32, #tpu.memory_space<vmem>>, vector<1x16xi32>,
    %add3A_290 = arith.constant 80 : i32
    %add3A_291 = arith.addi %rem3A_184, %add3A_290 : i32
    %add3A_292 = vector.broadcast %add3A_291 : i32 to vector<16xi32>
    %add3A_293 = arith.addi %add3A_292, %iota3A : vector<16xi32>
    %add3A_294 = arith.constant 80 : i32
    %add3A_295 = arith.addi %rem3A_184, %add3A_294 : i32
    %get3A_296 = arith.index_cast %add3A_295 : i32 to index
    %get3A_297 = tpu.vector_load %arg5[%get3A_296] {strides = array<i32>} : memref<256xi32, #tpu.memory_space<vmem>>, vector<16xi32>,
    %get3A_298 = vector.shape_cast %get3A_297 : vector<16xi32> to vector<16xi32>
    %mul3A_299 = arith.constant 4096 : i32
    %mul3A_300 = vector.broadcast %mul3A_299 : i32 to vector<16xi32>
    %mul3A_301 = arith.muli %add3A_293, %mul3A_300 : vector<16xi32>
    %add3A_302 = arith.addi %mul3A_301, %get3A_298 : vector<16xi32>
    %add3A_303 = vector.broadcast %div3A_182 : i32 to vector<16xi32>
    %add3A_304 = arith.addi %add3A_302, %add3A_303 : vector<16xi32>
    %swap3A_305 = arith.constant 1 : i32
    %swap3A_306 = arith.index_cast %swap3A_305 : i32 to index
    %swap3A_307 = arith.constant 80 : index
    %swap3A_308 = tpu.vector_load %arg6[%swap3A_306, %swap3A_307] {strides = array<i32>} : memref<2x128xi32, #tpu.memory_space<vmem>>, vector<1x16xi32>,
    %swap3A_309 = vector.shape_cast %swap3A_308 : vector<1x16xi32> to vector<16xi32>
    %swap3A_310 = vector.shape_cast %add3A_304 : vector<16xi32> to vector<1x16xi32>
    tpu.vector_store %arg6[%swap3A_306, %swap3A_307], %swap3A_310 {strides = array<i32>} : memref<2x128xi32, #tpu.memory_space<vmem>>, vector<1x16xi32>,
    %add3A_311 = arith.constant 96 : i32
    %add3A_312 = arith.addi %rem3A_184, %add3A_311 : i32
    %add3A_313 = vector.broadcast %add3A_312 : i32 to vector<16xi32>
    %add3A_314 = arith.addi %add3A_313, %iota3A : vector<16xi32>
    %add3A_315 = arith.constant 96 : i32
    %add3A_316 = arith.addi %rem3A_184, %add3A_315 : i32
    %get3A_317 = arith.index_cast %add3A_316 : i32 to index
    %get3A_318 = tpu.vector_load %arg5[%get3A_317] {strides = array<i32>} : memref<256xi32, #tpu.memory_space<vmem>>, vector<16xi32>,
    %get3A_319 = vector.shape_cast %get3A_318 : vector<16xi32> to vector<16xi32>
    %mul3A_320 = arith.constant 4096 : i32
    %mul3A_321 = vector.broadcast %mul3A_320 : i32 to vector<16xi32>
    %mul3A_322 = arith.muli %add3A_314, %mul3A_321 : vector<16xi32>
    %add3A_323 = arith.addi %mul3A_322, %get3A_319 : vector<16xi32>
    %add3A_324 = vector.broadcast %div3A_182 : i32 to vector<16xi32>
    %add3A_325 = arith.addi %add3A_323, %add3A_324 : vector<16xi32>
    %swap3A_326 = arith.constant 1 : i32
    %swap3A_327 = arith.index_cast %swap3A_326 : i32 to index
    %swap3A_328 = arith.constant 96 : index
    %swap3A_329 = tpu.vector_load %arg6[%swap3A_327, %swap3A_328] {strides = array<i32>} : memref<2x128xi32, #tpu.memory_space<vmem>>, vector<1x16xi32>,
    %swap3A_330 = vector.shape_cast %swap3A_329 : vector<1x16xi32> to vector<16xi32>
    %swap3A_331 = vector.shape_cast %add3A_325 : vector<16xi32> to vector<1x16xi32>
    tpu.vector_store %arg6[%swap3A_327, %swap3A_328], %swap3A_331 {strides = array<i32>} : memref<2x128xi32, #tpu.memory_space<vmem>>, vector<1x16xi32>,
    %add3A_332 = arith.constant 112 : i32
    %add3A_333 = arith.addi %rem3A_184, %add3A_332 : i32
    %add3A_334 = vector.broadcast %add3A_333 : i32 to vector<16xi32>
    %add3A_335 = arith.addi %add3A_334, %iota3A : vector<16xi32>
    %add3A_336 = arith.constant 112 : i32
    %add3A_337 = arith.addi %rem3A_184, %add3A_336 : i32
    %get3A_338 = arith.index_cast %add3A_337 : i32 to index
    %get3A_339 = tpu.vector_load %arg5[%get3A_338] {strides = array<i32>} : memref<256xi32, #tpu.memory_space<vmem>>, vector<16xi32>,
    %get3A_340 = vector.shape_cast %get3A_339 : vector<16xi32> to vector<16xi32>
    %mul3A_341 = arith.constant 4096 : i32
    %mul3A_342 = vector.broadcast %mul3A_341 : i32 to vector<16xi32>
    %mul3A_343 = arith.muli %add3A_335, %mul3A_342 : vector<16xi32>
    %add3A_344 = arith.addi %mul3A_343, %get3A_340 : vector<16xi32>
    %add3A_345 = vector.broadcast %div3A_182 : i32 to vector<16xi32>
    %add3A_346 = arith.addi %add3A_344, %add3A_345 : vector<16xi32>
    %swap3A_347 = arith.constant 1 : i32
    %swap3A_348 = arith.index_cast %swap3A_347 : i32 to index
    %swap3A_349 = arith.constant 112 : index
    %swap3A_350 = tpu.vector_load %arg6[%swap3A_348, %swap3A_349] {strides = array<i32>} : memref<2x128xi32, #tpu.memory_space<vmem>>, vector<1x16xi32>,
    %swap3A_351 = vector.shape_cast %swap3A_350 : vector<1x16xi32> to vector<16xi32>
    %swap3A_352 = vector.shape_cast %add3A_346 : vector<16xi32> to vector<1x16xi32>
    tpu.vector_store %arg6[%swap3A_348, %swap3A_349], %swap3A_352 {strides = array<i32>} : memref<2x128xi32, #tpu.memory_space<vmem>>, vector<1x16xi32>,
    %dma_start3A = arith.constant 0 : i32
    %dma_start3A_353 = arith.constant 0 : i32
    %dma_start3A_354 = arith.constant 0 : i32
    %dma_start3A_355 = tpu.memref_slice %arg9[%dma_start3A_353, %dma_start3A_354] : memref<256x128xf32, #tpu.memory_space<vmem>> -> memref<128x128xf32, #tpu.memory_space<vmem>>
    %dma_start3A_356 = arith.constant 0 : i32
    %dma_start3A_357 = tpu.memref_slice %arg6[%dma_start3A, %dma_start3A_356] : memref<2x128xi32, #tpu.memory_space<vmem>> -> memref<1x128xi32, #tpu.memory_space<vmem>>
    %dma_start3A_358 = tpu.memref_squeeze %dma_start3A_357 : memref<1x128xi32, #tpu.memory_space<vmem>> -> memref<128xi32, #tpu.memory_space<vmem>>
    %dma_start3A_359 = arith.constant 0 : i32
    %dma_start3A_360 = arith.constant 0 : i32
    %dma_start3A_361 = tpu.memref_slice %arg2[%dma_start3A_359, %dma_start3A_360] : memref<1048576x128xf32, #tpu.memory_space<hbm>> -> memref<1048576x128xf32, #tpu.memory_space<hbm>>
    tpu.enqueue_indirect_dma source(%dma_start3A_361 : memref<1048576x128xf32, #tpu.memory_space<hbm>>) target(%dma_start3A_355 : memref<128x128xf32, #tpu.memory_space<vmem>>) offsets(%dma_start3A_358 : memref<128xi32, #tpu.memory_space<vmem>>) semaphore(%arg12 : memref<!tpu.dma_semaphore, #tpu.memory_space<semaphore_mem>>)
    %dma_start3A_362 = arith.constant 1 : i32
    %dma_start3A_363 = arith.constant 128 : i32
    %dma_start3A_364 = arith.constant 0 : i32
    %dma_start3A_365 = tpu.memref_slice %arg9[%dma_start3A_363, %dma_start3A_364] : memref<256x128xf32, #tpu.memory_space<vmem>> -> memref<128x128xf32, #tpu.memory_space<vmem>>
    %dma_start3A_366 = arith.constant 0 : i32
    %dma_start3A_367 = tpu.memref_slice %arg6[%dma_start3A_362, %dma_start3A_366] : memref<2x128xi32, #tpu.memory_space<vmem>> -> memref<1x128xi32, #tpu.memory_space<vmem>>
    %dma_start3A_368 = tpu.memref_squeeze %dma_start3A_367 : memref<1x128xi32, #tpu.memory_space<vmem>> -> memref<128xi32, #tpu.memory_space<vmem>>
    %dma_start3A_369 = arith.constant 0 : i32
    %dma_start3A_370 = arith.constant 0 : i32
    %dma_start3A_371 = tpu.memref_slice %arg2[%dma_start3A_369, %dma_start3A_370] : memref<1048576x128xf32, #tpu.memory_space<hbm>> -> memref<1048576x128xf32, #tpu.memory_space<hbm>>
    tpu.enqueue_indirect_dma source(%dma_start3A_371 : memref<1048576x128xf32, #tpu.memory_space<hbm>>) target(%dma_start3A_365 : memref<128x128xf32, #tpu.memory_space<vmem>>) offsets(%dma_start3A_368 : memref<128xi32, #tpu.memory_space<vmem>>) semaphore(%arg12 : memref<!tpu.dma_semaphore, #tpu.memory_space<semaphore_mem>>)
    %add3A_372 = arith.constant 256 : i32
    %add3A_373 = arith.addi %mul3A_4, %add3A_372 : i32
    %add3A_374 = arith.constant 0 : i32
    %add3A_375 = arith.addi %add3A_373, %add3A_374 : i32
    %div3A_376 = arith.constant 256 : i32
    %div3A_377 = arith.divsi %add3A_375, %div3A_376 : i32
    %rem3A_378 = arith.constant 256 : i32
    %rem3A_379 = arith.remsi %add3A_375, %rem3A_378 : i32
    %add3A_380 = arith.constant 0 : i32
    %add3A_381 = arith.addi %rem3A_379, %add3A_380 : i32
    %add3A_382 = vector.broadcast %add3A_381 : i32 to vector<16xi32>
    %add3A_383 = arith.addi %add3A_382, %iota3A : vector<16xi32>
    %add3A_384 = arith.constant 0 : i32
    %add3A_385 = arith.addi %rem3A_379, %add3A_384 : i32
    %get3A_386 = arith.index_cast %add3A_385 : i32 to index
    %get3A_387 = tpu.vector_load %arg5[%get3A_386] {strides = array<i32>} : memref<256xi32, #tpu.memory_space<vmem>>, vector<16xi32>,
    %get3A_388 = vector.shape_cast %get3A_387 : vector<16xi32> to vector<16xi32>
    %mul3A_389 = arith.constant 4096 : i32
    %mul3A_390 = vector.broadcast %mul3A_389 : i32 to vector<16xi32>
    %mul3A_391 = arith.muli %add3A_383, %mul3A_390 : vector<16xi32>
    %add3A_392 = arith.addi %mul3A_391, %get3A_388 : vector<16xi32>
    %add3A_393 = vector.broadcast %div3A_377 : i32 to vector<16xi32>
    %add3A_394 = arith.addi %add3A_392, %add3A_393 : vector<16xi32>
    %swap3A_395 = arith.constant 0 : i32
    %swap3A_396 = arith.index_cast %swap3A_395 : i32 to index
    %swap3A_397 = arith.constant 0 : index
    %swap3A_398 = tpu.vector_load %arg7[%swap3A_396, %swap3A_397] {strides = array<i32>} : memref<2x128xi32, #tpu.memory_space<vmem>>, vector<1x16xi32>,
    %swap3A_399 = vector.shape_cast %swap3A_398 : vector<1x16xi32> to vector<16xi32>
    %swap3A_400 = vector.shape_cast %add3A_394 : vector<16xi32> to vector<1x16xi32>
    tpu.vector_store %arg7[%swap3A_396, %swap3A_397], %swap3A_400 {strides = array<i32>} : memref<2x128xi32, #tpu.memory_space<vmem>>, vector<1x16xi32>,
    %add3A_401 = arith.constant 16 : i32
    %add3A_402 = arith.addi %rem3A_379, %add3A_401 : i32
    %add3A_403 = vector.broadcast %add3A_402 : i32 to vector<16xi32>
    %add3A_404 = arith.addi %add3A_403, %iota3A : vector<16xi32>
    %add3A_405 = arith.constant 16 : i32
    %add3A_406 = arith.addi %rem3A_379, %add3A_405 : i32
    %get3A_407 = arith.index_cast %add3A_406 : i32 to index
    %get3A_408 = tpu.vector_load %arg5[%get3A_407] {strides = array<i32>} : memref<256xi32, #tpu.memory_space<vmem>>, vector<16xi32>,
    %get3A_409 = vector.shape_cast %get3A_408 : vector<16xi32> to vector<16xi32>
    %mul3A_410 = arith.constant 4096 : i32
    %mul3A_411 = vector.broadcast %mul3A_410 : i32 to vector<16xi32>
    %mul3A_412 = arith.muli %add3A_404, %mul3A_411 : vector<16xi32>
    %add3A_413 = arith.addi %mul3A_412, %get3A_409 : vector<16xi32>
    %add3A_414 = vector.broadcast %div3A_377 : i32 to vector<16xi32>
    %add3A_415 = arith.addi %add3A_413, %add3A_414 : vector<16xi32>
    %swap3A_416 = arith.constant 0 : i32
    %swap3A_417 = arith.index_cast %swap3A_416 : i32 to index
    %swap3A_418 = arith.constant 16 : index
    %swap3A_419 = tpu.vector_load %arg7[%swap3A_417, %swap3A_418] {strides = array<i32>} : memref<2x128xi32, #tpu.memory_space<vmem>>, vector<1x16xi32>,
    %swap3A_420 = vector.shape_cast %swap3A_419 : vector<1x16xi32> to vector<16xi32>
    %swap3A_421 = vector.shape_cast %add3A_415 : vector<16xi32> to vector<1x16xi32>
    tpu.vector_store %arg7[%swap3A_417, %swap3A_418], %swap3A_421 {strides = array<i32>} : memref<2x128xi32, #tpu.memory_space<vmem>>, vector<1x16xi32>,
    %add3A_422 = arith.constant 32 : i32
    %add3A_423 = arith.addi %rem3A_379, %add3A_422 : i32
    %add3A_424 = vector.broadcast %add3A_423 : i32 to vector<16xi32>
    %add3A_425 = arith.addi %add3A_424, %iota3A : vector<16xi32>
    %add3A_426 = arith.constant 32 : i32
    %add3A_427 = arith.addi %rem3A_379, %add3A_426 : i32
    %get3A_428 = arith.index_cast %add3A_427 : i32 to index
    %get3A_429 = tpu.vector_load %arg5[%get3A_428] {strides = array<i32>} : memref<256xi32, #tpu.memory_space<vmem>>, vector<16xi32>,
    %get3A_430 = vector.shape_cast %get3A_429 : vector<16xi32> to vector<16xi32>
    %mul3A_431 = arith.constant 4096 : i32
    %mul3A_432 = vector.broadcast %mul3A_431 : i32 to vector<16xi32>
    %mul3A_433 = arith.muli %add3A_425, %mul3A_432 : vector<16xi32>
    %add3A_434 = arith.addi %mul3A_433, %get3A_430 : vector<16xi32>
    %add3A_435 = vector.broadcast %div3A_377 : i32 to vector<16xi32>
    %add3A_436 = arith.addi %add3A_434, %add3A_435 : vector<16xi32>
    %swap3A_437 = arith.constant 0 : i32
    %swap3A_438 = arith.index_cast %swap3A_437 : i32 to index
    %swap3A_439 = arith.constant 32 : index
    %swap3A_440 = tpu.vector_load %arg7[%swap3A_438, %swap3A_439] {strides = array<i32>} : memref<2x128xi32, #tpu.memory_space<vmem>>, vector<1x16xi32>,
    %swap3A_441 = vector.shape_cast %swap3A_440 : vector<1x16xi32> to vector<16xi32>
    %swap3A_442 = vector.shape_cast %add3A_436 : vector<16xi32> to vector<1x16xi32>
    tpu.vector_store %arg7[%swap3A_438, %swap3A_439], %swap3A_442 {strides = array<i32>} : memref<2x128xi32, #tpu.memory_space<vmem>>, vector<1x16xi32>,
    %add3A_443 = arith.constant 48 : i32
    %add3A_444 = arith.addi %rem3A_379, %add3A_443 : i32
    %add3A_445 = vector.broadcast %add3A_444 : i32 to vector<16xi32>
    %add3A_446 = arith.addi %add3A_445, %iota3A : vector<16xi32>
    %add3A_447 = arith.constant 48 : i32
    %add3A_448 = arith.addi %rem3A_379, %add3A_447 : i32
    %get3A_449 = arith.index_cast %add3A_448 : i32 to index
    %get3A_450 = tpu.vector_load %arg5[%get3A_449] {strides = array<i32>} : memref<256xi32, #tpu.memory_space<vmem>>, vector<16xi32>,
    %get3A_451 = vector.shape_cast %get3A_450 : vector<16xi32> to vector<16xi32>
    %mul3A_452 = arith.constant 4096 : i32
    %mul3A_453 = vector.broadcast %mul3A_452 : i32 to vector<16xi32>
    %mul3A_454 = arith.muli %add3A_446, %mul3A_453 : vector<16xi32>
    %add3A_455 = arith.addi %mul3A_454, %get3A_451 : vector<16xi32>
    %add3A_456 = vector.broadcast %div3A_377 : i32 to vector<16xi32>
    %add3A_457 = arith.addi %add3A_455, %add3A_456 : vector<16xi32>
    %swap3A_458 = arith.constant 0 : i32
    %swap3A_459 = arith.index_cast %swap3A_458 : i32 to index
    %swap3A_460 = arith.constant 48 : index
    %swap3A_461 = tpu.vector_load %arg7[%swap3A_459, %swap3A_460] {strides = array<i32>} : memref<2x128xi32, #tpu.memory_space<vmem>>, vector<1x16xi32>,
    %swap3A_462 = vector.shape_cast %swap3A_461 : vector<1x16xi32> to vector<16xi32>
    %swap3A_463 = vector.shape_cast %add3A_457 : vector<16xi32> to vector<1x16xi32>
    tpu.vector_store %arg7[%swap3A_459, %swap3A_460], %swap3A_463 {strides = array<i32>} : memref<2x128xi32, #tpu.memory_space<vmem>>, vector<1x16xi32>,
    %add3A_464 = arith.constant 64 : i32
    %add3A_465 = arith.addi %rem3A_379, %add3A_464 : i32
    %add3A_466 = vector.broadcast %add3A_465 : i32 to vector<16xi32>
    %add3A_467 = arith.addi %add3A_466, %iota3A : vector<16xi32>
    %add3A_468 = arith.constant 64 : i32
    %add3A_469 = arith.addi %rem3A_379, %add3A_468 : i32
    %get3A_470 = arith.index_cast %add3A_469 : i32 to index
    %get3A_471 = tpu.vector_load %arg5[%get3A_470] {strides = array<i32>} : memref<256xi32, #tpu.memory_space<vmem>>, vector<16xi32>,
    %get3A_472 = vector.shape_cast %get3A_471 : vector<16xi32> to vector<16xi32>
    %mul3A_473 = arith.constant 4096 : i32
    %mul3A_474 = vector.broadcast %mul3A_473 : i32 to vector<16xi32>
    %mul3A_475 = arith.muli %add3A_467, %mul3A_474 : vector<16xi32>
    %add3A_476 = arith.addi %mul3A_475, %get3A_472 : vector<16xi32>
    %add3A_477 = vector.broadcast %div3A_377 : i32 to vector<16xi32>
    %add3A_478 = arith.addi %add3A_476, %add3A_477 : vector<16xi32>
    %swap3A_479 = arith.constant 0 : i32
    %swap3A_480 = arith.index_cast %swap3A_479 : i32 to index
    %swap3A_481 = arith.constant 64 : index
    %swap3A_482 = tpu.vector_load %arg7[%swap3A_480, %swap3A_481] {strides = array<i32>} : memref<2x128xi32, #tpu.memory_space<vmem>>, vector<1x16xi32>,
    %swap3A_483 = vector.shape_cast %swap3A_482 : vector<1x16xi32> to vector<16xi32>
    %swap3A_484 = vector.shape_cast %add3A_478 : vector<16xi32> to vector<1x16xi32>
    tpu.vector_store %arg7[%swap3A_480, %swap3A_481], %swap3A_484 {strides = array<i32>} : memref<2x128xi32, #tpu.memory_space<vmem>>, vector<1x16xi32>,
    %add3A_485 = arith.constant 80 : i32
    %add3A_486 = arith.addi %rem3A_379, %add3A_485 : i32
    %add3A_487 = vector.broadcast %add3A_486 : i32 to vector<16xi32>
    %add3A_488 = arith.addi %add3A_487, %iota3A : vector<16xi32>
    %add3A_489 = arith.constant 80 : i32
    %add3A_490 = arith.addi %rem3A_379, %add3A_489 : i32
    %get3A_491 = arith.index_cast %add3A_490 : i32 to index
    %get3A_492 = tpu.vector_load %arg5[%get3A_491] {strides = array<i32>} : memref<256xi32, #tpu.memory_space<vmem>>, vector<16xi32>,
    %get3A_493 = vector.shape_cast %get3A_492 : vector<16xi32> to vector<16xi32>
    %mul3A_494 = arith.constant 4096 : i32
    %mul3A_495 = vector.broadcast %mul3A_494 : i32 to vector<16xi32>
    %mul3A_496 = arith.muli %add3A_488, %mul3A_495 : vector<16xi32>
    %add3A_497 = arith.addi %mul3A_496, %get3A_493 : vector<16xi32>
    %add3A_498 = vector.broadcast %div3A_377 : i32 to vector<16xi32>
    %add3A_499 = arith.addi %add3A_497, %add3A_498 : vector<16xi32>
    %swap3A_500 = arith.constant 0 : i32
    %swap3A_501 = arith.index_cast %swap3A_500 : i32 to index
    %swap3A_502 = arith.constant 80 : index
    %swap3A_503 = tpu.vector_load %arg7[%swap3A_501, %swap3A_502] {strides = array<i32>} : memref<2x128xi32, #tpu.memory_space<vmem>>, vector<1x16xi32>,
    %swap3A_504 = vector.shape_cast %swap3A_503 : vector<1x16xi32> to vector<16xi32>
    %swap3A_505 = vector.shape_cast %add3A_499 : vector<16xi32> to vector<1x16xi32>
    tpu.vector_store %arg7[%swap3A_501, %swap3A_502], %swap3A_505 {strides = array<i32>} : memref<2x128xi32, #tpu.memory_space<vmem>>, vector<1x16xi32>,
    %add3A_506 = arith.constant 96 : i32
    %add3A_507 = arith.addi %rem3A_379, %add3A_506 : i32
    %add3A_508 = vector.broadcast %add3A_507 : i32 to vector<16xi32>
    %add3A_509 = arith.addi %add3A_508, %iota3A : vector<16xi32>
    %add3A_510 = arith.constant 96 : i32
    %add3A_511 = arith.addi %rem3A_379, %add3A_510 : i32
    %get3A_512 = arith.index_cast %add3A_511 : i32 to index
    %get3A_513 = tpu.vector_load %arg5[%get3A_512] {strides = array<i32>} : memref<256xi32, #tpu.memory_space<vmem>>, vector<16xi32>,
    %get3A_514 = vector.shape_cast %get3A_513 : vector<16xi32> to vector<16xi32>
    %mul3A_515 = arith.constant 4096 : i32
    %mul3A_516 = vector.broadcast %mul3A_515 : i32 to vector<16xi32>
    %mul3A_517 = arith.muli %add3A_509, %mul3A_516 : vector<16xi32>
    %add3A_518 = arith.addi %mul3A_517, %get3A_514 : vector<16xi32>
    %add3A_519 = vector.broadcast %div3A_377 : i32 to vector<16xi32>
    %add3A_520 = arith.addi %add3A_518, %add3A_519 : vector<16xi32>
    %swap3A_521 = arith.constant 0 : i32
    %swap3A_522 = arith.index_cast %swap3A_521 : i32 to index
    %swap3A_523 = arith.constant 96 : index
    %swap3A_524 = tpu.vector_load %arg7[%swap3A_522, %swap3A_523] {strides = array<i32>} : memref<2x128xi32, #tpu.memory_space<vmem>>, vector<1x16xi32>,
    %swap3A_525 = vector.shape_cast %swap3A_524 : vector<1x16xi32> to vector<16xi32>
    %swap3A_526 = vector.shape_cast %add3A_520 : vector<16xi32> to vector<1x16xi32>
    tpu.vector_store %arg7[%swap3A_522, %swap3A_523], %swap3A_526 {strides = array<i32>} : memref<2x128xi32, #tpu.memory_space<vmem>>, vector<1x16xi32>,
    %add3A_527 = arith.constant 112 : i32
    %add3A_528 = arith.addi %rem3A_379, %add3A_527 : i32
    %add3A_529 = vector.broadcast %add3A_528 : i32 to vector<16xi32>
    %add3A_530 = arith.addi %add3A_529, %iota3A : vector<16xi32>
    %add3A_531 = arith.constant 112 : i32
    %add3A_532 = arith.addi %rem3A_379, %add3A_531 : i32
    %get3A_533 = arith.index_cast %add3A_532 : i32 to index
    %get3A_534 = tpu.vector_load %arg5[%get3A_533] {strides = array<i32>} : memref<256xi32, #tpu.memory_space<vmem>>, vector<16xi32>,
    %get3A_535 = vector.shape_cast %get3A_534 : vector<16xi32> to vector<16xi32>
    %mul3A_536 = arith.constant 4096 : i32
    %mul3A_537 = vector.broadcast %mul3A_536 : i32 to vector<16xi32>
    %mul3A_538 = arith.muli %add3A_530, %mul3A_537 : vector<16xi32>
    %add3A_539 = arith.addi %mul3A_538, %get3A_535 : vector<16xi32>
    %add3A_540 = vector.broadcast %div3A_377 : i32 to vector<16xi32>
    %add3A_541 = arith.addi %add3A_539, %add3A_540 : vector<16xi32>
    %swap3A_542 = arith.constant 0 : i32
    %swap3A_543 = arith.index_cast %swap3A_542 : i32 to index
    %swap3A_544 = arith.constant 112 : index
    %swap3A_545 = tpu.vector_load %arg7[%swap3A_543, %swap3A_544] {strides = array<i32>} : memref<2x128xi32, #tpu.memory_space<vmem>>, vector<1x16xi32>,
    %swap3A_546 = vector.shape_cast %swap3A_545 : vector<1x16xi32> to vector<16xi32>
    %swap3A_547 = vector.shape_cast %add3A_541 : vector<16xi32> to vector<1x16xi32>
    tpu.vector_store %arg7[%swap3A_543, %swap3A_544], %swap3A_547 {strides = array<i32>} : memref<2x128xi32, #tpu.memory_space<vmem>>, vector<1x16xi32>,
    %add3A_548 = arith.constant 256 : i32
    %add3A_549 = arith.addi %mul3A_4, %add3A_548 : i32
    %add3A_550 = arith.constant 128 : i32
    %add3A_551 = arith.addi %add3A_549, %add3A_550 : i32
    %div3A_552 = arith.constant 256 : i32
    %div3A_553 = arith.divsi %add3A_551, %div3A_552 : i32
    %rem3A_554 = arith.constant 256 : i32
    %rem3A_555 = arith.remsi %add3A_551, %rem3A_554 : i32
    %add3A_556 = arith.constant 0 : i32
    %add3A_557 = arith.addi %rem3A_555, %add3A_556 : i32
    %add3A_558 = vector.broadcast %add3A_557 : i32 to vector<16xi32>
    %add3A_559 = arith.addi %add3A_558, %iota3A : vector<16xi32>
    %add3A_560 = arith.constant 0 : i32
    %add3A_561 = arith.addi %rem3A_555, %add3A_560 : i32
    %get3A_562 = arith.index_cast %add3A_561 : i32 to index
    %get3A_563 = tpu.vector_load %arg5[%get3A_562] {strides = array<i32>} : memref<256xi32, #tpu.memory_space<vmem>>, vector<16xi32>,
    %get3A_564 = vector.shape_cast %get3A_563 : vector<16xi32> to vector<16xi32>
    %mul3A_565 = arith.constant 4096 : i32
    %mul3A_566 = vector.broadcast %mul3A_565 : i32 to vector<16xi32>
    %mul3A_567 = arith.muli %add3A_559, %mul3A_566 : vector<16xi32>
    %add3A_568 = arith.addi %mul3A_567, %get3A_564 : vector<16xi32>
    %add3A_569 = vector.broadcast %div3A_553 : i32 to vector<16xi32>
    %add3A_570 = arith.addi %add3A_568, %add3A_569 : vector<16xi32>
    %swap3A_571 = arith.constant 1 : i32
    %swap3A_572 = arith.index_cast %swap3A_571 : i32 to index
    %swap3A_573 = arith.constant 0 : index
    %swap3A_574 = tpu.vector_load %arg7[%swap3A_572, %swap3A_573] {strides = array<i32>} : memref<2x128xi32, #tpu.memory_space<vmem>>, vector<1x16xi32>,
    %swap3A_575 = vector.shape_cast %swap3A_574 : vector<1x16xi32> to vector<16xi32>
    %swap3A_576 = vector.shape_cast %add3A_570 : vector<16xi32> to vector<1x16xi32>
    tpu.vector_store %arg7[%swap3A_572, %swap3A_573], %swap3A_576 {strides = array<i32>} : memref<2x128xi32, #tpu.memory_space<vmem>>, vector<1x16xi32>,
    %add3A_577 = arith.constant 16 : i32
    %add3A_578 = arith.addi %rem3A_555, %add3A_577 : i32
    %add3A_579 = vector.broadcast %add3A_578 : i32 to vector<16xi32>
    %add3A_580 = arith.addi %add3A_579, %iota3A : vector<16xi32>
    %add3A_581 = arith.constant 16 : i32
    %add3A_582 = arith.addi %rem3A_555, %add3A_581 : i32
    %get3A_583 = arith.index_cast %add3A_582 : i32 to index
    %get3A_584 = tpu.vector_load %arg5[%get3A_583] {strides = array<i32>} : memref<256xi32, #tpu.memory_space<vmem>>, vector<16xi32>,
    %get3A_585 = vector.shape_cast %get3A_584 : vector<16xi32> to vector<16xi32>
    %mul3A_586 = arith.constant 4096 : i32
    %mul3A_587 = vector.broadcast %mul3A_586 : i32 to vector<16xi32>
    %mul3A_588 = arith.muli %add3A_580, %mul3A_587 : vector<16xi32>
    %add3A_589 = arith.addi %mul3A_588, %get3A_585 : vector<16xi32>
    %add3A_590 = vector.broadcast %div3A_553 : i32 to vector<16xi32>
    %add3A_591 = arith.addi %add3A_589, %add3A_590 : vector<16xi32>
    %swap3A_592 = arith.constant 1 : i32
    %swap3A_593 = arith.index_cast %swap3A_592 : i32 to index
    %swap3A_594 = arith.constant 16 : index
    %swap3A_595 = tpu.vector_load %arg7[%swap3A_593, %swap3A_594] {strides = array<i32>} : memref<2x128xi32, #tpu.memory_space<vmem>>, vector<1x16xi32>,
    %swap3A_596 = vector.shape_cast %swap3A_595 : vector<1x16xi32> to vector<16xi32>
    %swap3A_597 = vector.shape_cast %add3A_591 : vector<16xi32> to vector<1x16xi32>
    tpu.vector_store %arg7[%swap3A_593, %swap3A_594], %swap3A_597 {strides = array<i32>} : memref<2x128xi32, #tpu.memory_space<vmem>>, vector<1x16xi32>,
    %add3A_598 = arith.constant 32 : i32
    %add3A_599 = arith.addi %rem3A_555, %add3A_598 : i32
    %add3A_600 = vector.broadcast %add3A_599 : i32 to vector<16xi32>
    %add3A_601 = arith.addi %add3A_600, %iota3A : vector<16xi32>
    %add3A_602 = arith.constant 32 : i32
    %add3A_603 = arith.addi %rem3A_555, %add3A_602 : i32
    %get3A_604 = arith.index_cast %add3A_603 : i32 to index
    %get3A_605 = tpu.vector_load %arg5[%get3A_604] {strides = array<i32>} : memref<256xi32, #tpu.memory_space<vmem>>, vector<16xi32>,
    %get3A_606 = vector.shape_cast %get3A_605 : vector<16xi32> to vector<16xi32>
    %mul3A_607 = arith.constant 4096 : i32
    %mul3A_608 = vector.broadcast %mul3A_607 : i32 to vector<16xi32>
    %mul3A_609 = arith.muli %add3A_601, %mul3A_608 : vector<16xi32>
    %add3A_610 = arith.addi %mul3A_609, %get3A_606 : vector<16xi32>
    %add3A_611 = vector.broadcast %div3A_553 : i32 to vector<16xi32>
    %add3A_612 = arith.addi %add3A_610, %add3A_611 : vector<16xi32>
    %swap3A_613 = arith.constant 1 : i32
    %swap3A_614 = arith.index_cast %swap3A_613 : i32 to index
    %swap3A_615 = arith.constant 32 : index
    %swap3A_616 = tpu.vector_load %arg7[%swap3A_614, %swap3A_615] {strides = array<i32>} : memref<2x128xi32, #tpu.memory_space<vmem>>, vector<1x16xi32>,
    %swap3A_617 = vector.shape_cast %swap3A_616 : vector<1x16xi32> to vector<16xi32>
    %swap3A_618 = vector.shape_cast %add3A_612 : vector<16xi32> to vector<1x16xi32>
    tpu.vector_store %arg7[%swap3A_614, %swap3A_615], %swap3A_618 {strides = array<i32>} : memref<2x128xi32, #tpu.memory_space<vmem>>, vector<1x16xi32>,
    %add3A_619 = arith.constant 48 : i32
    %add3A_620 = arith.addi %rem3A_555, %add3A_619 : i32
    %add3A_621 = vector.broadcast %add3A_620 : i32 to vector<16xi32>
    %add3A_622 = arith.addi %add3A_621, %iota3A : vector<16xi32>
    %add3A_623 = arith.constant 48 : i32
    %add3A_624 = arith.addi %rem3A_555, %add3A_623 : i32
    %get3A_625 = arith.index_cast %add3A_624 : i32 to index
    %get3A_626 = tpu.vector_load %arg5[%get3A_625] {strides = array<i32>} : memref<256xi32, #tpu.memory_space<vmem>>, vector<16xi32>,
    %get3A_627 = vector.shape_cast %get3A_626 : vector<16xi32> to vector<16xi32>
    %mul3A_628 = arith.constant 4096 : i32
    %mul3A_629 = vector.broadcast %mul3A_628 : i32 to vector<16xi32>
    %mul3A_630 = arith.muli %add3A_622, %mul3A_629 : vector<16xi32>
    %add3A_631 = arith.addi %mul3A_630, %get3A_627 : vector<16xi32>
    %add3A_632 = vector.broadcast %div3A_553 : i32 to vector<16xi32>
    %add3A_633 = arith.addi %add3A_631, %add3A_632 : vector<16xi32>
    %swap3A_634 = arith.constant 1 : i32
    %swap3A_635 = arith.index_cast %swap3A_634 : i32 to index
    %swap3A_636 = arith.constant 48 : index
    %swap3A_637 = tpu.vector_load %arg7[%swap3A_635, %swap3A_636] {strides = array<i32>} : memref<2x128xi32, #tpu.memory_space<vmem>>, vector<1x16xi32>,
    %swap3A_638 = vector.shape_cast %swap3A_637 : vector<1x16xi32> to vector<16xi32>
    %swap3A_639 = vector.shape_cast %add3A_633 : vector<16xi32> to vector<1x16xi32>
    tpu.vector_store %arg7[%swap3A_635, %swap3A_636], %swap3A_639 {strides = array<i32>} : memref<2x128xi32, #tpu.memory_space<vmem>>, vector<1x16xi32>,
    %add3A_640 = arith.constant 64 : i32
    %add3A_641 = arith.addi %rem3A_555, %add3A_640 : i32
    %add3A_642 = vector.broadcast %add3A_641 : i32 to vector<16xi32>
    %add3A_643 = arith.addi %add3A_642, %iota3A : vector<16xi32>
    %add3A_644 = arith.constant 64 : i32
    %add3A_645 = arith.addi %rem3A_555, %add3A_644 : i32
    %get3A_646 = arith.index_cast %add3A_645 : i32 to index
    %get3A_647 = tpu.vector_load %arg5[%get3A_646] {strides = array<i32>} : memref<256xi32, #tpu.memory_space<vmem>>, vector<16xi32>,
    %get3A_648 = vector.shape_cast %get3A_647 : vector<16xi32> to vector<16xi32>
    %mul3A_649 = arith.constant 4096 : i32
    %mul3A_650 = vector.broadcast %mul3A_649 : i32 to vector<16xi32>
    %mul3A_651 = arith.muli %add3A_643, %mul3A_650 : vector<16xi32>
    %add3A_652 = arith.addi %mul3A_651, %get3A_648 : vector<16xi32>
    %add3A_653 = vector.broadcast %div3A_553 : i32 to vector<16xi32>
    %add3A_654 = arith.addi %add3A_652, %add3A_653 : vector<16xi32>
    %swap3A_655 = arith.constant 1 : i32
    %swap3A_656 = arith.index_cast %swap3A_655 : i32 to index
    %swap3A_657 = arith.constant 64 : index
    %swap3A_658 = tpu.vector_load %arg7[%swap3A_656, %swap3A_657] {strides = array<i32>} : memref<2x128xi32, #tpu.memory_space<vmem>>, vector<1x16xi32>,
    %swap3A_659 = vector.shape_cast %swap3A_658 : vector<1x16xi32> to vector<16xi32>
    %swap3A_660 = vector.shape_cast %add3A_654 : vector<16xi32> to vector<1x16xi32>
    tpu.vector_store %arg7[%swap3A_656, %swap3A_657], %swap3A_660 {strides = array<i32>} : memref<2x128xi32, #tpu.memory_space<vmem>>, vector<1x16xi32>,
    %add3A_661 = arith.constant 80 : i32
    %add3A_662 = arith.addi %rem3A_555, %add3A_661 : i32
    %add3A_663 = vector.broadcast %add3A_662 : i32 to vector<16xi32>
    %add3A_664 = arith.addi %add3A_663, %iota3A : vector<16xi32>
    %add3A_665 = arith.constant 80 : i32
    %add3A_666 = arith.addi %rem3A_555, %add3A_665 : i32
    %get3A_667 = arith.index_cast %add3A_666 : i32 to index
    %get3A_668 = tpu.vector_load %arg5[%get3A_667] {strides = array<i32>} : memref<256xi32, #tpu.memory_space<vmem>>, vector<16xi32>,
    %get3A_669 = vector.shape_cast %get3A_668 : vector<16xi32> to vector<16xi32>
    %mul3A_670 = arith.constant 4096 : i32
    %mul3A_671 = vector.broadcast %mul3A_670 : i32 to vector<16xi32>
    %mul3A_672 = arith.muli %add3A_664, %mul3A_671 : vector<16xi32>
    %add3A_673 = arith.addi %mul3A_672, %get3A_669 : vector<16xi32>
    %add3A_674 = vector.broadcast %div3A_553 : i32 to vector<16xi32>
    %add3A_675 = arith.addi %add3A_673, %add3A_674 : vector<16xi32>
    %swap3A_676 = arith.constant 1 : i32
    %swap3A_677 = arith.index_cast %swap3A_676 : i32 to index
    %swap3A_678 = arith.constant 80 : index
    %swap3A_679 = tpu.vector_load %arg7[%swap3A_677, %swap3A_678] {strides = array<i32>} : memref<2x128xi32, #tpu.memory_space<vmem>>, vector<1x16xi32>,
    %swap3A_680 = vector.shape_cast %swap3A_679 : vector<1x16xi32> to vector<16xi32>
    %swap3A_681 = vector.shape_cast %add3A_675 : vector<16xi32> to vector<1x16xi32>
    tpu.vector_store %arg7[%swap3A_677, %swap3A_678], %swap3A_681 {strides = array<i32>} : memref<2x128xi32, #tpu.memory_space<vmem>>, vector<1x16xi32>,
    %add3A_682 = arith.constant 96 : i32
    %add3A_683 = arith.addi %rem3A_555, %add3A_682 : i32
    %add3A_684 = vector.broadcast %add3A_683 : i32 to vector<16xi32>
    %add3A_685 = arith.addi %add3A_684, %iota3A : vector<16xi32>
    %add3A_686 = arith.constant 96 : i32
    %add3A_687 = arith.addi %rem3A_555, %add3A_686 : i32
    %get3A_688 = arith.index_cast %add3A_687 : i32 to index
    %get3A_689 = tpu.vector_load %arg5[%get3A_688] {strides = array<i32>} : memref<256xi32, #tpu.memory_space<vmem>>, vector<16xi32>,
    %get3A_690 = vector.shape_cast %get3A_689 : vector<16xi32> to vector<16xi32>
    %mul3A_691 = arith.constant 4096 : i32
    %mul3A_692 = vector.broadcast %mul3A_691 : i32 to vector<16xi32>
    %mul3A_693 = arith.muli %add3A_685, %mul3A_692 : vector<16xi32>
    %add3A_694 = arith.addi %mul3A_693, %get3A_690 : vector<16xi32>
    %add3A_695 = vector.broadcast %div3A_553 : i32 to vector<16xi32>
    %add3A_696 = arith.addi %add3A_694, %add3A_695 : vector<16xi32>
    %swap3A_697 = arith.constant 1 : i32
    %swap3A_698 = arith.index_cast %swap3A_697 : i32 to index
    %swap3A_699 = arith.constant 96 : index
    %swap3A_700 = tpu.vector_load %arg7[%swap3A_698, %swap3A_699] {strides = array<i32>} : memref<2x128xi32, #tpu.memory_space<vmem>>, vector<1x16xi32>,
    %swap3A_701 = vector.shape_cast %swap3A_700 : vector<1x16xi32> to vector<16xi32>
    %swap3A_702 = vector.shape_cast %add3A_696 : vector<16xi32> to vector<1x16xi32>
    tpu.vector_store %arg7[%swap3A_698, %swap3A_699], %swap3A_702 {strides = array<i32>} : memref<2x128xi32, #tpu.memory_space<vmem>>, vector<1x16xi32>,
    %add3A_703 = arith.constant 112 : i32
    %add3A_704 = arith.addi %rem3A_555, %add3A_703 : i32
    %add3A_705 = vector.broadcast %add3A_704 : i32 to vector<16xi32>
    %add3A_706 = arith.addi %add3A_705, %iota3A : vector<16xi32>
    %add3A_707 = arith.constant 112 : i32
    %add3A_708 = arith.addi %rem3A_555, %add3A_707 : i32
    %get3A_709 = arith.index_cast %add3A_708 : i32 to index
    %get3A_710 = tpu.vector_load %arg5[%get3A_709] {strides = array<i32>} : memref<256xi32, #tpu.memory_space<vmem>>, vector<16xi32>,
    %get3A_711 = vector.shape_cast %get3A_710 : vector<16xi32> to vector<16xi32>
    %mul3A_712 = arith.constant 4096 : i32
    %mul3A_713 = vector.broadcast %mul3A_712 : i32 to vector<16xi32>
    %mul3A_714 = arith.muli %add3A_706, %mul3A_713 : vector<16xi32>
    %add3A_715 = arith.addi %mul3A_714, %get3A_711 : vector<16xi32>
    %add3A_716 = vector.broadcast %div3A_553 : i32 to vector<16xi32>
    %add3A_717 = arith.addi %add3A_715, %add3A_716 : vector<16xi32>
    %swap3A_718 = arith.constant 1 : i32
    %swap3A_719 = arith.index_cast %swap3A_718 : i32 to index
    %swap3A_720 = arith.constant 112 : index
    %swap3A_721 = tpu.vector_load %arg7[%swap3A_719, %swap3A_720] {strides = array<i32>} : memref<2x128xi32, #tpu.memory_space<vmem>>, vector<1x16xi32>,
    %swap3A_722 = vector.shape_cast %swap3A_721 : vector<1x16xi32> to vector<16xi32>
    %swap3A_723 = vector.shape_cast %add3A_717 : vector<16xi32> to vector<1x16xi32>
    tpu.vector_store %arg7[%swap3A_719, %swap3A_720], %swap3A_723 {strides = array<i32>} : memref<2x128xi32, #tpu.memory_space<vmem>>, vector<1x16xi32>,
    %dma_start3A_724 = arith.constant 0 : i32
    %dma_start3A_725 = arith.constant 0 : i32
    %dma_start3A_726 = arith.constant 0 : i32
    %dma_start3A_727 = tpu.memref_slice %arg10[%dma_start3A_725, %dma_start3A_726] : memref<256x128xf32, #tpu.memory_space<vmem>> -> memref<128x128xf32, #tpu.memory_space<vmem>>
    %dma_start3A_728 = arith.constant 0 : i32
    %dma_start3A_729 = tpu.memref_slice %arg7[%dma_start3A_724, %dma_start3A_728] : memref<2x128xi32, #tpu.memory_space<vmem>> -> memref<1x128xi32, #tpu.memory_space<vmem>>
    %dma_start3A_730 = tpu.memref_squeeze %dma_start3A_729 : memref<1x128xi32, #tpu.memory_space<vmem>> -> memref<128xi32, #tpu.memory_space<vmem>>
    %dma_start3A_731 = arith.constant 0 : i32
    %dma_start3A_732 = arith.constant 0 : i32
    %dma_start3A_733 = tpu.memref_slice %arg2[%dma_start3A_731, %dma_start3A_732] : memref<1048576x128xf32, #tpu.memory_space<hbm>> -> memref<1048576x128xf32, #tpu.memory_space<hbm>>
    tpu.enqueue_indirect_dma source(%dma_start3A_733 : memref<1048576x128xf32, #tpu.memory_space<hbm>>) target(%dma_start3A_727 : memref<128x128xf32, #tpu.memory_space<vmem>>) offsets(%dma_start3A_730 : memref<128xi32, #tpu.memory_space<vmem>>) semaphore(%arg13 : memref<!tpu.dma_semaphore, #tpu.memory_space<semaphore_mem>>)
    %dma_start3A_734 = arith.constant 1 : i32
    %dma_start3A_735 = arith.constant 128 : i32
    %dma_start3A_736 = arith.constant 0 : i32
    %dma_start3A_737 = tpu.memref_slice %arg10[%dma_start3A_735, %dma_start3A_736] : memref<256x128xf32, #tpu.memory_space<vmem>> -> memref<128x128xf32, #tpu.memory_space<vmem>>
    %dma_start3A_738 = arith.constant 0 : i32
    %dma_start3A_739 = tpu.memref_slice %arg7[%dma_start3A_734, %dma_start3A_738] : memref<2x128xi32, #tpu.memory_space<vmem>> -> memref<1x128xi32, #tpu.memory_space<vmem>>
    %dma_start3A_740 = tpu.memref_squeeze %dma_start3A_739 : memref<1x128xi32, #tpu.memory_space<vmem>> -> memref<128xi32, #tpu.memory_space<vmem>>
    %dma_start3A_741 = arith.constant 0 : i32
    %dma_start3A_742 = arith.constant 0 : i32
    %dma_start3A_743 = tpu.memref_slice %arg2[%dma_start3A_741, %dma_start3A_742] : memref<1048576x128xf32, #tpu.memory_space<hbm>> -> memref<1048576x128xf32, #tpu.memory_space<hbm>>
    tpu.enqueue_indirect_dma source(%dma_start3A_743 : memref<1048576x128xf32, #tpu.memory_space<hbm>>) target(%dma_start3A_737 : memref<128x128xf32, #tpu.memory_space<vmem>>) offsets(%dma_start3A_740 : memref<128xi32, #tpu.memory_space<vmem>>) semaphore(%arg13 : memref<!tpu.dma_semaphore, #tpu.memory_space<semaphore_mem>>)
    %dma_wait3A = arith.constant 0 : i32
    %dma_wait3A_744 = arith.constant 0 : i32
    %dma_wait3A_745 = arith.constant 0 : i32
    %dma_wait3A_746 = tpu.memref_slice %arg9[%dma_wait3A_744, %dma_wait3A_745] : memref<256x128xf32, #tpu.memory_space<vmem>> -> memref<128x128xf32, #tpu.memory_space<vmem>>
    %dma_wait3A_747 = arith.constant 0 : i32
    %dma_wait3A_748 = tpu.memref_slice %arg6[%dma_wait3A, %dma_wait3A_747] : memref<2x128xi32, #tpu.memory_space<vmem>> -> memref<1x128xi32, #tpu.memory_space<vmem>>
    %dma_wait3A_749 = tpu.memref_squeeze %dma_wait3A_748 : memref<1x128xi32, #tpu.memory_space<vmem>> -> memref<128xi32, #tpu.memory_space<vmem>>
    %dma_wait3A_750 = arith.constant 0 : i32
    %dma_wait3A_751 = arith.constant 0 : i32
    %dma_wait3A_752 = tpu.memref_slice %arg2[%dma_wait3A_750, %dma_wait3A_751] : memref<1048576x128xf32, #tpu.memory_space<hbm>> -> memref<1048576x128xf32, #tpu.memory_space<hbm>>
    tpu.wait_indirect_dma semaphore(%arg12 : memref<!tpu.dma_semaphore, #tpu.memory_space<semaphore_mem>>) src(%dma_wait3A_752 : memref<1048576x128xf32, #tpu.memory_space<hbm>>) dst(%dma_wait3A_746 : memref<128x128xf32, #tpu.memory_space<vmem>>)
    %dma_wait3A_753 = arith.constant 1 : i32
    %dma_wait3A_754 = arith.constant 128 : i32
    %dma_wait3A_755 = arith.constant 0 : i32
    %dma_wait3A_756 = tpu.memref_slice %arg9[%dma_wait3A_754, %dma_wait3A_755] : memref<256x128xf32, #tpu.memory_space<vmem>> -> memref<128x128xf32, #tpu.memory_space<vmem>>
    %dma_wait3A_757 = arith.constant 0 : i32
    %dma_wait3A_758 = tpu.memref_slice %arg6[%dma_wait3A_753, %dma_wait3A_757] : memref<2x128xi32, #tpu.memory_space<vmem>> -> memref<1x128xi32, #tpu.memory_space<vmem>>
    %dma_wait3A_759 = tpu.memref_squeeze %dma_wait3A_758 : memref<1x128xi32, #tpu.memory_space<vmem>> -> memref<128xi32, #tpu.memory_space<vmem>>
    %dma_wait3A_760 = arith.constant 0 : i32
    %dma_wait3A_761 = arith.constant 0 : i32
    %dma_wait3A_762 = tpu.memref_slice %arg2[%dma_wait3A_760, %dma_wait3A_761] : memref<1048576x128xf32, #tpu.memory_space<hbm>> -> memref<1048576x128xf32, #tpu.memory_space<hbm>>
    tpu.wait_indirect_dma semaphore(%arg12 : memref<!tpu.dma_semaphore, #tpu.memory_space<semaphore_mem>>) src(%dma_wait3A_762 : memref<1048576x128xf32, #tpu.memory_space<hbm>>) dst(%dma_wait3A_756 : memref<128x128xf32, #tpu.memory_space<vmem>>)
    %add3A_763 = arith.constant 0 : i32
    %add3A_764 = arith.addi %mul3A_2, %add3A_763 : i32
    %dma_start3A_765 = arith.constant 0 : i32
    %dma_start3A_766 = arith.constant 0 : i32
    %dma_start3A_767 = tpu.memref_slice %arg4[%add3A_764, %dma_start3A_765, %dma_start3A_766] : memref<512x256x128xf32, #tpu.memory_space<hbm>> -> memref<1x256x128xf32, #tpu.memory_space<hbm>>
    %dma_start3A_768 = tpu.memref_squeeze %dma_start3A_767 : memref<1x256x128xf32, #tpu.memory_space<hbm>> -> memref<256x128xf32, #tpu.memory_space<hbm>>
    %dma_start3A_769 = arith.constant 0 : i32
    %dma_start3A_770 = arith.constant 0 : i32
    %dma_start3A_771 = tpu.memref_slice %arg4[%add3A_764, %dma_start3A_769, %dma_start3A_770] : memref<512x256x128xf32, #tpu.memory_space<hbm>> -> memref<1x256x128xf32, #tpu.memory_space<hbm>>
    %dma_start3A_772 = tpu.memref_squeeze %dma_start3A_771 : memref<1x256x128xf32, #tpu.memory_space<hbm>> -> memref<256x128xf32, #tpu.memory_space<hbm>>
    tpu.enqueue_dma source(%arg9 : memref<256x128xf32, #tpu.memory_space<vmem>>) target(%dma_start3A_772 : memref<256x128xf32, #tpu.memory_space<hbm>>) target_semaphore(%arg15 : memref<!tpu.dma_semaphore, #tpu.memory_space<semaphore_mem>>)
    %add3A_773 = arith.constant 512 : i32
    %add3A_774 = arith.addi %mul3A_4, %add3A_773 : i32
    %add3A_775 = arith.constant 0 : i32
    %add3A_776 = arith.addi %add3A_774, %add3A_775 : i32
    %div3A_777 = arith.constant 256 : i32
    %div3A_778 = arith.divsi %add3A_776, %div3A_777 : i32
    %rem3A_779 = arith.constant 256 : i32
    %rem3A_780 = arith.remsi %add3A_776, %rem3A_779 : i32
    %add3A_781 = arith.constant 0 : i32
    %add3A_782 = arith.addi %rem3A_780, %add3A_781 : i32
    %add3A_783 = vector.broadcast %add3A_782 : i32 to vector<16xi32>
    %add3A_784 = arith.addi %add3A_783, %iota3A : vector<16xi32>
    %add3A_785 = arith.constant 0 : i32
    %add3A_786 = arith.addi %rem3A_780, %add3A_785 : i32
    %get3A_787 = arith.index_cast %add3A_786 : i32 to index
    %get3A_788 = tpu.vector_load %arg5[%get3A_787] {strides = array<i32>} : memref<256xi32, #tpu.memory_space<vmem>>, vector<16xi32>,
    %get3A_789 = vector.shape_cast %get3A_788 : vector<16xi32> to vector<16xi32>
    %mul3A_790 = arith.constant 4096 : i32
    %mul3A_791 = vector.broadcast %mul3A_790 : i32 to vector<16xi32>
    %mul3A_792 = arith.muli %add3A_784, %mul3A_791 : vector<16xi32>
    %add3A_793 = arith.addi %mul3A_792, %get3A_789 : vector<16xi32>
    %add3A_794 = vector.broadcast %div3A_778 : i32 to vector<16xi32>
    %add3A_795 = arith.addi %add3A_793, %add3A_794 : vector<16xi32>
    %swap3A_796 = arith.constant 0 : i32
    %swap3A_797 = arith.index_cast %swap3A_796 : i32 to index
    %swap3A_798 = arith.constant 0 : index
    %swap3A_799 = tpu.vector_load %arg8[%swap3A_797, %swap3A_798] {strides = array<i32>} : memref<2x128xi32, #tpu.memory_space<vmem>>, vector<1x16xi32>,
    %swap3A_800 = vector.shape_cast %swap3A_799 : vector<1x16xi32> to vector<16xi32>
    %swap3A_801 = vector.shape_cast %add3A_795 : vector<16xi32> to vector<1x16xi32>
    tpu.vector_store %arg8[%swap3A_797, %swap3A_798], %swap3A_801 {strides = array<i32>} : memref<2x128xi32, #tpu.memory_space<vmem>>, vector<1x16xi32>,
    %add3A_802 = arith.constant 16 : i32
    %add3A_803 = arith.addi %rem3A_780, %add3A_802 : i32
    %add3A_804 = vector.broadcast %add3A_803 : i32 to vector<16xi32>
    %add3A_805 = arith.addi %add3A_804, %iota3A : vector<16xi32>
    %add3A_806 = arith.constant 16 : i32
    %add3A_807 = arith.addi %rem3A_780, %add3A_806 : i32
    %get3A_808 = arith.index_cast %add3A_807 : i32 to index
    %get3A_809 = tpu.vector_load %arg5[%get3A_808] {strides = array<i32>} : memref<256xi32, #tpu.memory_space<vmem>>, vector<16xi32>,
    %get3A_810 = vector.shape_cast %get3A_809 : vector<16xi32> to vector<16xi32>
    %mul3A_811 = arith.constant 4096 : i32
    %mul3A_812 = vector.broadcast %mul3A_811 : i32 to vector<16xi32>
    %mul3A_813 = arith.muli %add3A_805, %mul3A_812 : vector<16xi32>
    %add3A_814 = arith.addi %mul3A_813, %get3A_810 : vector<16xi32>
    %add3A_815 = vector.broadcast %div3A_778 : i32 to vector<16xi32>
    %add3A_816 = arith.addi %add3A_814, %add3A_815 : vector<16xi32>
    %swap3A_817 = arith.constant 0 : i32
    %swap3A_818 = arith.index_cast %swap3A_817 : i32 to index
    %swap3A_819 = arith.constant 16 : index
    %swap3A_820 = tpu.vector_load %arg8[%swap3A_818, %swap3A_819] {strides = array<i32>} : memref<2x128xi32, #tpu.memory_space<vmem>>, vector<1x16xi32>,
    %swap3A_821 = vector.shape_cast %swap3A_820 : vector<1x16xi32> to vector<16xi32>
    %swap3A_822 = vector.shape_cast %add3A_816 : vector<16xi32> to vector<1x16xi32>
    tpu.vector_store %arg8[%swap3A_818, %swap3A_819], %swap3A_822 {strides = array<i32>} : memref<2x128xi32, #tpu.memory_space<vmem>>, vector<1x16xi32>,
    %add3A_823 = arith.constant 32 : i32
    %add3A_824 = arith.addi %rem3A_780, %add3A_823 : i32
    %add3A_825 = vector.broadcast %add3A_824 : i32 to vector<16xi32>
    %add3A_826 = arith.addi %add3A_825, %iota3A : vector<16xi32>
    %add3A_827 = arith.constant 32 : i32
    %add3A_828 = arith.addi %rem3A_780, %add3A_827 : i32
    %get3A_829 = arith.index_cast %add3A_828 : i32 to index
    %get3A_830 = tpu.vector_load %arg5[%get3A_829] {strides = array<i32>} : memref<256xi32, #tpu.memory_space<vmem>>, vector<16xi32>,
    %get3A_831 = vector.shape_cast %get3A_830 : vector<16xi32> to vector<16xi32>
    %mul3A_832 = arith.constant 4096 : i32
    %mul3A_833 = vector.broadcast %mul3A_832 : i32 to vector<16xi32>
    %mul3A_834 = arith.muli %add3A_826, %mul3A_833 : vector<16xi32>
    %add3A_835 = arith.addi %mul3A_834, %get3A_831 : vector<16xi32>
    %add3A_836 = vector.broadcast %div3A_778 : i32 to vector<16xi32>
    %add3A_837 = arith.addi %add3A_835, %add3A_836 : vector<16xi32>
    %swap3A_838 = arith.constant 0 : i32
    %swap3A_839 = arith.index_cast %swap3A_838 : i32 to index
    %swap3A_840 = arith.constant 32 : index
    %swap3A_841 = tpu.vector_load %arg8[%swap3A_839, %swap3A_840] {strides = array<i32>} : memref<2x128xi32, #tpu.memory_space<vmem>>, vector<1x16xi32>,
    %swap3A_842 = vector.shape_cast %swap3A_841 : vector<1x16xi32> to vector<16xi32>
    %swap3A_843 = vector.shape_cast %add3A_837 : vector<16xi32> to vector<1x16xi32>
    tpu.vector_store %arg8[%swap3A_839, %swap3A_840], %swap3A_843 {strides = array<i32>} : memref<2x128xi32, #tpu.memory_space<vmem>>, vector<1x16xi32>,
    %add3A_844 = arith.constant 48 : i32
    %add3A_845 = arith.addi %rem3A_780, %add3A_844 : i32
    %add3A_846 = vector.broadcast %add3A_845 : i32 to vector<16xi32>
    %add3A_847 = arith.addi %add3A_846, %iota3A : vector<16xi32>
    %add3A_848 = arith.constant 48 : i32
    %add3A_849 = arith.addi %rem3A_780, %add3A_848 : i32
    %get3A_850 = arith.index_cast %add3A_849 : i32 to index
    %get3A_851 = tpu.vector_load %arg5[%get3A_850] {strides = array<i32>} : memref<256xi32, #tpu.memory_space<vmem>>, vector<16xi32>,
    %get3A_852 = vector.shape_cast %get3A_851 : vector<16xi32> to vector<16xi32>
    %mul3A_853 = arith.constant 4096 : i32
    %mul3A_854 = vector.broadcast %mul3A_853 : i32 to vector<16xi32>
    %mul3A_855 = arith.muli %add3A_847, %mul3A_854 : vector<16xi32>
    %add3A_856 = arith.addi %mul3A_855, %get3A_852 : vector<16xi32>
    %add3A_857 = vector.broadcast %div3A_778 : i32 to vector<16xi32>
    %add3A_858 = arith.addi %add3A_856, %add3A_857 : vector<16xi32>
    %swap3A_859 = arith.constant 0 : i32
    %swap3A_860 = arith.index_cast %swap3A_859 : i32 to index
    %swap3A_861 = arith.constant 48 : index
    %swap3A_862 = tpu.vector_load %arg8[%swap3A_860, %swap3A_861] {strides = array<i32>} : memref<2x128xi32, #tpu.memory_space<vmem>>, vector<1x16xi32>,
    %swap3A_863 = vector.shape_cast %swap3A_862 : vector<1x16xi32> to vector<16xi32>
    %swap3A_864 = vector.shape_cast %add3A_858 : vector<16xi32> to vector<1x16xi32>
    tpu.vector_store %arg8[%swap3A_860, %swap3A_861], %swap3A_864 {strides = array<i32>} : memref<2x128xi32, #tpu.memory_space<vmem>>, vector<1x16xi32>,
    %add3A_865 = arith.constant 64 : i32
    %add3A_866 = arith.addi %rem3A_780, %add3A_865 : i32
    %add3A_867 = vector.broadcast %add3A_866 : i32 to vector<16xi32>
    %add3A_868 = arith.addi %add3A_867, %iota3A : vector<16xi32>
    %add3A_869 = arith.constant 64 : i32
    %add3A_870 = arith.addi %rem3A_780, %add3A_869 : i32
    %get3A_871 = arith.index_cast %add3A_870 : i32 to index
    %get3A_872 = tpu.vector_load %arg5[%get3A_871] {strides = array<i32>} : memref<256xi32, #tpu.memory_space<vmem>>, vector<16xi32>,
    %get3A_873 = vector.shape_cast %get3A_872 : vector<16xi32> to vector<16xi32>
    %mul3A_874 = arith.constant 4096 : i32
    %mul3A_875 = vector.broadcast %mul3A_874 : i32 to vector<16xi32>
    %mul3A_876 = arith.muli %add3A_868, %mul3A_875 : vector<16xi32>
    %add3A_877 = arith.addi %mul3A_876, %get3A_873 : vector<16xi32>
    %add3A_878 = vector.broadcast %div3A_778 : i32 to vector<16xi32>
    %add3A_879 = arith.addi %add3A_877, %add3A_878 : vector<16xi32>
    %swap3A_880 = arith.constant 0 : i32
    %swap3A_881 = arith.index_cast %swap3A_880 : i32 to index
    %swap3A_882 = arith.constant 64 : index
    %swap3A_883 = tpu.vector_load %arg8[%swap3A_881, %swap3A_882] {strides = array<i32>} : memref<2x128xi32, #tpu.memory_space<vmem>>, vector<1x16xi32>,
    %swap3A_884 = vector.shape_cast %swap3A_883 : vector<1x16xi32> to vector<16xi32>
    %swap3A_885 = vector.shape_cast %add3A_879 : vector<16xi32> to vector<1x16xi32>
    tpu.vector_store %arg8[%swap3A_881, %swap3A_882], %swap3A_885 {strides = array<i32>} : memref<2x128xi32, #tpu.memory_space<vmem>>, vector<1x16xi32>,
    %add3A_886 = arith.constant 80 : i32
    %add3A_887 = arith.addi %rem3A_780, %add3A_886 : i32
    %add3A_888 = vector.broadcast %add3A_887 : i32 to vector<16xi32>
    %add3A_889 = arith.addi %add3A_888, %iota3A : vector<16xi32>
    %add3A_890 = arith.constant 80 : i32
    %add3A_891 = arith.addi %rem3A_780, %add3A_890 : i32
    %get3A_892 = arith.index_cast %add3A_891 : i32 to index
    %get3A_893 = tpu.vector_load %arg5[%get3A_892] {strides = array<i32>} : memref<256xi32, #tpu.memory_space<vmem>>, vector<16xi32>,
    %get3A_894 = vector.shape_cast %get3A_893 : vector<16xi32> to vector<16xi32>
    %mul3A_895 = arith.constant 4096 : i32
    %mul3A_896 = vector.broadcast %mul3A_895 : i32 to vector<16xi32>
    %mul3A_897 = arith.muli %add3A_889, %mul3A_896 : vector<16xi32>
    %add3A_898 = arith.addi %mul3A_897, %get3A_894 : vector<16xi32>
    %add3A_899 = vector.broadcast %div3A_778 : i32 to vector<16xi32>
    %add3A_900 = arith.addi %add3A_898, %add3A_899 : vector<16xi32>
    %swap3A_901 = arith.constant 0 : i32
    %swap3A_902 = arith.index_cast %swap3A_901 : i32 to index
    %swap3A_903 = arith.constant 80 : index
    %swap3A_904 = tpu.vector_load %arg8[%swap3A_902, %swap3A_903] {strides = array<i32>} : memref<2x128xi32, #tpu.memory_space<vmem>>, vector<1x16xi32>,
    %swap3A_905 = vector.shape_cast %swap3A_904 : vector<1x16xi32> to vector<16xi32>
    %swap3A_906 = vector.shape_cast %add3A_900 : vector<16xi32> to vector<1x16xi32>
    tpu.vector_store %arg8[%swap3A_902, %swap3A_903], %swap3A_906 {strides = array<i32>} : memref<2x128xi32, #tpu.memory_space<vmem>>, vector<1x16xi32>,
    %add3A_907 = arith.constant 96 : i32
    %add3A_908 = arith.addi %rem3A_780, %add3A_907 : i32
    %add3A_909 = vector.broadcast %add3A_908 : i32 to vector<16xi32>
    %add3A_910 = arith.addi %add3A_909, %iota3A : vector<16xi32>
    %add3A_911 = arith.constant 96 : i32
    %add3A_912 = arith.addi %rem3A_780, %add3A_911 : i32
    %get3A_913 = arith.index_cast %add3A_912 : i32 to index
    %get3A_914 = tpu.vector_load %arg5[%get3A_913] {strides = array<i32>} : memref<256xi32, #tpu.memory_space<vmem>>, vector<16xi32>,
    %get3A_915 = vector.shape_cast %get3A_914 : vector<16xi32> to vector<16xi32>
    %mul3A_916 = arith.constant 4096 : i32
    %mul3A_917 = vector.broadcast %mul3A_916 : i32 to vector<16xi32>
    %mul3A_918 = arith.muli %add3A_910, %mul3A_917 : vector<16xi32>
    %add3A_919 = arith.addi %mul3A_918, %get3A_915 : vector<16xi32>
    %add3A_920 = vector.broadcast %div3A_778 : i32 to vector<16xi32>
    %add3A_921 = arith.addi %add3A_919, %add3A_920 : vector<16xi32>
    %swap3A_922 = arith.constant 0 : i32
    %swap3A_923 = arith.index_cast %swap3A_922 : i32 to index
    %swap3A_924 = arith.constant 96 : index
    %swap3A_925 = tpu.vector_load %arg8[%swap3A_923, %swap3A_924] {strides = array<i32>} : memref<2x128xi32, #tpu.memory_space<vmem>>, vector<1x16xi32>,
    %swap3A_926 = vector.shape_cast %swap3A_925 : vector<1x16xi32> to vector<16xi32>
    %swap3A_927 = vector.shape_cast %add3A_921 : vector<16xi32> to vector<1x16xi32>
    tpu.vector_store %arg8[%swap3A_923, %swap3A_924], %swap3A_927 {strides = array<i32>} : memref<2x128xi32, #tpu.memory_space<vmem>>, vector<1x16xi32>,
    %add3A_928 = arith.constant 112 : i32
    %add3A_929 = arith.addi %rem3A_780, %add3A_928 : i32
    %add3A_930 = vector.broadcast %add3A_929 : i32 to vector<16xi32>
    %add3A_931 = arith.addi %add3A_930, %iota3A : vector<16xi32>
    %add3A_932 = arith.constant 112 : i32
    %add3A_933 = arith.addi %rem3A_780, %add3A_932 : i32
    %get3A_934 = arith.index_cast %add3A_933 : i32 to index
    %get3A_935 = tpu.vector_load %arg5[%get3A_934] {strides = array<i32>} : memref<256xi32, #tpu.memory_space<vmem>>, vector<16xi32>,
    %get3A_936 = vector.shape_cast %get3A_935 : vector<16xi32> to vector<16xi32>
    %mul3A_937 = arith.constant 4096 : i32
    %mul3A_938 = vector.broadcast %mul3A_937 : i32 to vector<16xi32>
    %mul3A_939 = arith.muli %add3A_931, %mul3A_938 : vector<16xi32>
    %add3A_940 = arith.addi %mul3A_939, %get3A_936 : vector<16xi32>
    %add3A_941 = vector.broadcast %div3A_778 : i32 to vector<16xi32>
    %add3A_942 = arith.addi %add3A_940, %add3A_941 : vector<16xi32>
    %swap3A_943 = arith.constant 0 : i32
    %swap3A_944 = arith.index_cast %swap3A_943 : i32 to index
    %swap3A_945 = arith.constant 112 : index
    %swap3A_946 = tpu.vector_load %arg8[%swap3A_944, %swap3A_945] {strides = array<i32>} : memref<2x128xi32, #tpu.memory_space<vmem>>, vector<1x16xi32>,
    %swap3A_947 = vector.shape_cast %swap3A_946 : vector<1x16xi32> to vector<16xi32>
    %swap3A_948 = vector.shape_cast %add3A_942 : vector<16xi32> to vector<1x16xi32>
    tpu.vector_store %arg8[%swap3A_944, %swap3A_945], %swap3A_948 {strides = array<i32>} : memref<2x128xi32, #tpu.memory_space<vmem>>, vector<1x16xi32>,
    %add3A_949 = arith.constant 512 : i32
    %add3A_950 = arith.addi %mul3A_4, %add3A_949 : i32
    %add3A_951 = arith.constant 128 : i32
    %add3A_952 = arith.addi %add3A_950, %add3A_951 : i32
    %div3A_953 = arith.constant 256 : i32
    %div3A_954 = arith.divsi %add3A_952, %div3A_953 : i32
    %rem3A_955 = arith.constant 256 : i32
    %rem3A_956 = arith.remsi %add3A_952, %rem3A_955 : i32
    %add3A_957 = arith.constant 0 : i32
    %add3A_958 = arith.addi %rem3A_956, %add3A_957 : i32
    %add3A_959 = vector.broadcast %add3A_958 : i32 to vector<16xi32>
    %add3A_960 = arith.addi %add3A_959, %iota3A : vector<16xi32>
    %add3A_961 = arith.constant 0 : i32
    %add3A_962 = arith.addi %rem3A_956, %add3A_961 : i32
    %get3A_963 = arith.index_cast %add3A_962 : i32 to index
    %get3A_964 = tpu.vector_load %arg5[%get3A_963] {strides = array<i32>} : memref<256xi32, #tpu.memory_space<vmem>>, vector<16xi32>,
    %get3A_965 = vector.shape_cast %get3A_964 : vector<16xi32> to vector<16xi32>
    %mul3A_966 = arith.constant 4096 : i32
    %mul3A_967 = vector.broadcast %mul3A_966 : i32 to vector<16xi32>
    %mul3A_968 = arith.muli %add3A_960, %mul3A_967 : vector<16xi32>
    %add3A_969 = arith.addi %mul3A_968, %get3A_965 : vector<16xi32>
    %add3A_970 = vector.broadcast %div3A_954 : i32 to vector<16xi32>
    %add3A_971 = arith.addi %add3A_969, %add3A_970 : vector<16xi32>
    %swap3A_972 = arith.constant 1 : i32
    %swap3A_973 = arith.index_cast %swap3A_972 : i32 to index
    %swap3A_974 = arith.constant 0 : index
    %swap3A_975 = tpu.vector_load %arg8[%swap3A_973, %swap3A_974] {strides = array<i32>} : memref<2x128xi32, #tpu.memory_space<vmem>>, vector<1x16xi32>,
    %swap3A_976 = vector.shape_cast %swap3A_975 : vector<1x16xi32> to vector<16xi32>
    %swap3A_977 = vector.shape_cast %add3A_971 : vector<16xi32> to vector<1x16xi32>
    tpu.vector_store %arg8[%swap3A_973, %swap3A_974], %swap3A_977 {strides = array<i32>} : memref<2x128xi32, #tpu.memory_space<vmem>>, vector<1x16xi32>,
    %add3A_978 = arith.constant 16 : i32
    %add3A_979 = arith.addi %rem3A_956, %add3A_978 : i32
    %add3A_980 = vector.broadcast %add3A_979 : i32 to vector<16xi32>
    %add3A_981 = arith.addi %add3A_980, %iota3A : vector<16xi32>
    %add3A_982 = arith.constant 16 : i32
    %add3A_983 = arith.addi %rem3A_956, %add3A_982 : i32
    %get3A_984 = arith.index_cast %add3A_983 : i32 to index
    %get3A_985 = tpu.vector_load %arg5[%get3A_984] {strides = array<i32>} : memref<256xi32, #tpu.memory_space<vmem>>, vector<16xi32>,
    %get3A_986 = vector.shape_cast %get3A_985 : vector<16xi32> to vector<16xi32>
    %mul3A_987 = arith.constant 4096 : i32
    %mul3A_988 = vector.broadcast %mul3A_987 : i32 to vector<16xi32>
    %mul3A_989 = arith.muli %add3A_981, %mul3A_988 : vector<16xi32>
    %add3A_990 = arith.addi %mul3A_989, %get3A_986 : vector<16xi32>
    %add3A_991 = vector.broadcast %div3A_954 : i32 to vector<16xi32>
    %add3A_992 = arith.addi %add3A_990, %add3A_991 : vector<16xi32>
    %swap3A_993 = arith.constant 1 : i32
    %swap3A_994 = arith.index_cast %swap3A_993 : i32 to index
    %swap3A_995 = arith.constant 16 : index
    %swap3A_996 = tpu.vector_load %arg8[%swap3A_994, %swap3A_995] {strides = array<i32>} : memref<2x128xi32, #tpu.memory_space<vmem>>, vector<1x16xi32>,
    %swap3A_997 = vector.shape_cast %swap3A_996 : vector<1x16xi32> to vector<16xi32>
    %swap3A_998 = vector.shape_cast %add3A_992 : vector<16xi32> to vector<1x16xi32>
    tpu.vector_store %arg8[%swap3A_994, %swap3A_995], %swap3A_998 {strides = array<i32>} : memref<2x128xi32, #tpu.memory_space<vmem>>, vector<1x16xi32>,
    %add3A_999 = arith.constant 32 : i32
    %add3A_1000 = arith.addi %rem3A_956, %add3A_999 : i32
    %add3A_1001 = vector.broadcast %add3A_1000 : i32 to vector<16xi32>
    %add3A_1002 = arith.addi %add3A_1001, %iota3A : vector<16xi32>
    %add3A_1003 = arith.constant 32 : i32
    %add3A_1004 = arith.addi %rem3A_956, %add3A_1003 : i32
    %get3A_1005 = arith.index_cast %add3A_1004 : i32 to index
    %get3A_1006 = tpu.vector_load %arg5[%get3A_1005] {strides = array<i32>} : memref<256xi32, #tpu.memory_space<vmem>>, vector<16xi32>,
    %get3A_1007 = vector.shape_cast %get3A_1006 : vector<16xi32> to vector<16xi32>
    %mul3A_1008 = arith.constant 4096 : i32
    %mul3A_1009 = vector.broadcast %mul3A_1008 : i32 to vector<16xi32>
    %mul3A_1010 = arith.muli %add3A_1002, %mul3A_1009 : vector<16xi32>
    %add3A_1011 = arith.addi %mul3A_1010, %get3A_1007 : vector<16xi32>
    %add3A_1012 = vector.broadcast %div3A_954 : i32 to vector<16xi32>
    %add3A_1013 = arith.addi %add3A_1011, %add3A_1012 : vector<16xi32>
    %swap3A_1014 = arith.constant 1 : i32
    %swap3A_1015 = arith.index_cast %swap3A_1014 : i32 to index
    %swap3A_1016 = arith.constant 32 : index
    %swap3A_1017 = tpu.vector_load %arg8[%swap3A_1015, %swap3A_1016] {strides = array<i32>} : memref<2x128xi32, #tpu.memory_space<vmem>>, vector<1x16xi32>,
    %swap3A_1018 = vector.shape_cast %swap3A_1017 : vector<1x16xi32> to vector<16xi32>
    %swap3A_1019 = vector.shape_cast %add3A_1013 : vector<16xi32> to vector<1x16xi32>
    tpu.vector_store %arg8[%swap3A_1015, %swap3A_1016], %swap3A_1019 {strides = array<i32>} : memref<2x128xi32, #tpu.memory_space<vmem>>, vector<1x16xi32>,
    %add3A_1020 = arith.constant 48 : i32
    %add3A_1021 = arith.addi %rem3A_956, %add3A_1020 : i32
    %add3A_1022 = vector.broadcast %add3A_1021 : i32 to vector<16xi32>
    %add3A_1023 = arith.addi %add3A_1022, %iota3A : vector<16xi32>
    %add3A_1024 = arith.constant 48 : i32
    %add3A_1025 = arith.addi %rem3A_956, %add3A_1024 : i32
    %get3A_1026 = arith.index_cast %add3A_1025 : i32 to index
    %get3A_1027 = tpu.vector_load %arg5[%get3A_1026] {strides = array<i32>} : memref<256xi32, #tpu.memory_space<vmem>>, vector<16xi32>,
    %get3A_1028 = vector.shape_cast %get3A_1027 : vector<16xi32> to vector<16xi32>
    %mul3A_1029 = arith.constant 4096 : i32
    %mul3A_1030 = vector.broadcast %mul3A_1029 : i32 to vector<16xi32>
    %mul3A_1031 = arith.muli %add3A_1023, %mul3A_1030 : vector<16xi32>
    %add3A_1032 = arith.addi %mul3A_1031, %get3A_1028 : vector<16xi32>
    %add3A_1033 = vector.broadcast %div3A_954 : i32 to vector<16xi32>
    %add3A_1034 = arith.addi %add3A_1032, %add3A_1033 : vector<16xi32>
    %swap3A_1035 = arith.constant 1 : i32
    %swap3A_1036 = arith.index_cast %swap3A_1035 : i32 to index
    %swap3A_1037 = arith.constant 48 : index
    %swap3A_1038 = tpu.vector_load %arg8[%swap3A_1036, %swap3A_1037] {strides = array<i32>} : memref<2x128xi32, #tpu.memory_space<vmem>>, vector<1x16xi32>,
    %swap3A_1039 = vector.shape_cast %swap3A_1038 : vector<1x16xi32> to vector<16xi32>
    %swap3A_1040 = vector.shape_cast %add3A_1034 : vector<16xi32> to vector<1x16xi32>
    tpu.vector_store %arg8[%swap3A_1036, %swap3A_1037], %swap3A_1040 {strides = array<i32>} : memref<2x128xi32, #tpu.memory_space<vmem>>, vector<1x16xi32>,
    %add3A_1041 = arith.constant 64 : i32
    %add3A_1042 = arith.addi %rem3A_956, %add3A_1041 : i32
    %add3A_1043 = vector.broadcast %add3A_1042 : i32 to vector<16xi32>
    %add3A_1044 = arith.addi %add3A_1043, %iota3A : vector<16xi32>
    %add3A_1045 = arith.constant 64 : i32
    %add3A_1046 = arith.addi %rem3A_956, %add3A_1045 : i32
    %get3A_1047 = arith.index_cast %add3A_1046 : i32 to index
    %get3A_1048 = tpu.vector_load %arg5[%get3A_1047] {strides = array<i32>} : memref<256xi32, #tpu.memory_space<vmem>>, vector<16xi32>,
    %get3A_1049 = vector.shape_cast %get3A_1048 : vector<16xi32> to vector<16xi32>
    %mul3A_1050 = arith.constant 4096 : i32
    %mul3A_1051 = vector.broadcast %mul3A_1050 : i32 to vector<16xi32>
    %mul3A_1052 = arith.muli %add3A_1044, %mul3A_1051 : vector<16xi32>
    %add3A_1053 = arith.addi %mul3A_1052, %get3A_1049 : vector<16xi32>
    %add3A_1054 = vector.broadcast %div3A_954 : i32 to vector<16xi32>
    %add3A_1055 = arith.addi %add3A_1053, %add3A_1054 : vector<16xi32>
    %swap3A_1056 = arith.constant 1 : i32
    %swap3A_1057 = arith.index_cast %swap3A_1056 : i32 to index
    %swap3A_1058 = arith.constant 64 : index
    %swap3A_1059 = tpu.vector_load %arg8[%swap3A_1057, %swap3A_1058] {strides = array<i32>} : memref<2x128xi32, #tpu.memory_space<vmem>>, vector<1x16xi32>,
    %swap3A_1060 = vector.shape_cast %swap3A_1059 : vector<1x16xi32> to vector<16xi32>
    %swap3A_1061 = vector.shape_cast %add3A_1055 : vector<16xi32> to vector<1x16xi32>
    tpu.vector_store %arg8[%swap3A_1057, %swap3A_1058], %swap3A_1061 {strides = array<i32>} : memref<2x128xi32, #tpu.memory_space<vmem>>, vector<1x16xi32>,
    %add3A_1062 = arith.constant 80 : i32
    %add3A_1063 = arith.addi %rem3A_956, %add3A_1062 : i32
    %add3A_1064 = vector.broadcast %add3A_1063 : i32 to vector<16xi32>
    %add3A_1065 = arith.addi %add3A_1064, %iota3A : vector<16xi32>
    %add3A_1066 = arith.constant 80 : i32
    %add3A_1067 = arith.addi %rem3A_956, %add3A_1066 : i32
    %get3A_1068 = arith.index_cast %add3A_1067 : i32 to index
    %get3A_1069 = tpu.vector_load %arg5[%get3A_1068] {strides = array<i32>} : memref<256xi32, #tpu.memory_space<vmem>>, vector<16xi32>,
    %get3A_1070 = vector.shape_cast %get3A_1069 : vector<16xi32> to vector<16xi32>
    %mul3A_1071 = arith.constant 4096 : i32
    %mul3A_1072 = vector.broadcast %mul3A_1071 : i32 to vector<16xi32>
    %mul3A_1073 = arith.muli %add3A_1065, %mul3A_1072 : vector<16xi32>
    %add3A_1074 = arith.addi %mul3A_1073, %get3A_1070 : vector<16xi32>
    %add3A_1075 = vector.broadcast %div3A_954 : i32 to vector<16xi32>
    %add3A_1076 = arith.addi %add3A_1074, %add3A_1075 : vector<16xi32>
    %swap3A_1077 = arith.constant 1 : i32
    %swap3A_1078 = arith.index_cast %swap3A_1077 : i32 to index
    %swap3A_1079 = arith.constant 80 : index
    %swap3A_1080 = tpu.vector_load %arg8[%swap3A_1078, %swap3A_1079] {strides = array<i32>} : memref<2x128xi32, #tpu.memory_space<vmem>>, vector<1x16xi32>,
    %swap3A_1081 = vector.shape_cast %swap3A_1080 : vector<1x16xi32> to vector<16xi32>
    %swap3A_1082 = vector.shape_cast %add3A_1076 : vector<16xi32> to vector<1x16xi32>
    tpu.vector_store %arg8[%swap3A_1078, %swap3A_1079], %swap3A_1082 {strides = array<i32>} : memref<2x128xi32, #tpu.memory_space<vmem>>, vector<1x16xi32>,
    %add3A_1083 = arith.constant 96 : i32
    %add3A_1084 = arith.addi %rem3A_956, %add3A_1083 : i32
    %add3A_1085 = vector.broadcast %add3A_1084 : i32 to vector<16xi32>
    %add3A_1086 = arith.addi %add3A_1085, %iota3A : vector<16xi32>
    %add3A_1087 = arith.constant 96 : i32
    %add3A_1088 = arith.addi %rem3A_956, %add3A_1087 : i32
    %get3A_1089 = arith.index_cast %add3A_1088 : i32 to index
    %get3A_1090 = tpu.vector_load %arg5[%get3A_1089] {strides = array<i32>} : memref<256xi32, #tpu.memory_space<vmem>>, vector<16xi32>,
    %get3A_1091 = vector.shape_cast %get3A_1090 : vector<16xi32> to vector<16xi32>
    %mul3A_1092 = arith.constant 4096 : i32
    %mul3A_1093 = vector.broadcast %mul3A_1092 : i32 to vector<16xi32>
    %mul3A_1094 = arith.muli %add3A_1086, %mul3A_1093 : vector<16xi32>
    %add3A_1095 = arith.addi %mul3A_1094, %get3A_1091 : vector<16xi32>
    %add3A_1096 = vector.broadcast %div3A_954 : i32 to vector<16xi32>
    %add3A_1097 = arith.addi %add3A_1095, %add3A_1096 : vector<16xi32>
    %swap3A_1098 = arith.constant 1 : i32
    %swap3A_1099 = arith.index_cast %swap3A_1098 : i32 to index
    %swap3A_1100 = arith.constant 96 : index
    %swap3A_1101 = tpu.vector_load %arg8[%swap3A_1099, %swap3A_1100] {strides = array<i32>} : memref<2x128xi32, #tpu.memory_space<vmem>>, vector<1x16xi32>,
    %swap3A_1102 = vector.shape_cast %swap3A_1101 : vector<1x16xi32> to vector<16xi32>
    %swap3A_1103 = vector.shape_cast %add3A_1097 : vector<16xi32> to vector<1x16xi32>
    tpu.vector_store %arg8[%swap3A_1099, %swap3A_1100], %swap3A_1103 {strides = array<i32>} : memref<2x128xi32, #tpu.memory_space<vmem>>, vector<1x16xi32>,
    %add3A_1104 = arith.constant 112 : i32
    %add3A_1105 = arith.addi %rem3A_956, %add3A_1104 : i32
    %add3A_1106 = vector.broadcast %add3A_1105 : i32 to vector<16xi32>
    %add3A_1107 = arith.addi %add3A_1106, %iota3A : vector<16xi32>
    %add3A_1108 = arith.constant 112 : i32
    %add3A_1109 = arith.addi %rem3A_956, %add3A_1108 : i32
    %get3A_1110 = arith.index_cast %add3A_1109 : i32 to index
    %get3A_1111 = tpu.vector_load %arg5[%get3A_1110] {strides = array<i32>} : memref<256xi32, #tpu.memory_space<vmem>>, vector<16xi32>,
    %get3A_1112 = vector.shape_cast %get3A_1111 : vector<16xi32> to vector<16xi32>
    %mul3A_1113 = arith.constant 4096 : i32
    %mul3A_1114 = vector.broadcast %mul3A_1113 : i32 to vector<16xi32>
    %mul3A_1115 = arith.muli %add3A_1107, %mul3A_1114 : vector<16xi32>
    %add3A_1116 = arith.addi %mul3A_1115, %get3A_1112 : vector<16xi32>
    %add3A_1117 = vector.broadcast %div3A_954 : i32 to vector<16xi32>
    %add3A_1118 = arith.addi %add3A_1116, %add3A_1117 : vector<16xi32>
    %swap3A_1119 = arith.constant 1 : i32
    %swap3A_1120 = arith.index_cast %swap3A_1119 : i32 to index
    %swap3A_1121 = arith.constant 112 : index
    %swap3A_1122 = tpu.vector_load %arg8[%swap3A_1120, %swap3A_1121] {strides = array<i32>} : memref<2x128xi32, #tpu.memory_space<vmem>>, vector<1x16xi32>,
    %swap3A_1123 = vector.shape_cast %swap3A_1122 : vector<1x16xi32> to vector<16xi32>
    %swap3A_1124 = vector.shape_cast %add3A_1118 : vector<16xi32> to vector<1x16xi32>
    tpu.vector_store %arg8[%swap3A_1120, %swap3A_1121], %swap3A_1124 {strides = array<i32>} : memref<2x128xi32, #tpu.memory_space<vmem>>, vector<1x16xi32>,
    %dma_start3A_1125 = arith.constant 0 : i32
    %dma_start3A_1126 = arith.constant 0 : i32
    %dma_start3A_1127 = arith.constant 0 : i32
    %dma_start3A_1128 = tpu.memref_slice %arg11[%dma_start3A_1126, %dma_start3A_1127] : memref<256x128xf32, #tpu.memory_space<vmem>> -> memref<128x128xf32, #tpu.memory_space<vmem>>
    %dma_start3A_1129 = arith.constant 0 : i32
    %dma_start3A_1130 = tpu.memref_slice %arg8[%dma_start3A_1125, %dma_start3A_1129] : memref<2x128xi32, #tpu.memory_space<vmem>> -> memref<1x128xi32, #tpu.memory_space<vmem>>
    %dma_start3A_1131 = tpu.memref_squeeze %dma_start3A_1130 : memref<1x128xi32, #tpu.memory_space<vmem>> -> memref<128xi32, #tpu.memory_space<vmem>>
    %dma_start3A_1132 = arith.constant 0 : i32
    %dma_start3A_1133 = arith.constant 0 : i32
    %dma_start3A_1134 = tpu.memref_slice %arg2[%dma_start3A_1132, %dma_start3A_1133] : memref<1048576x128xf32, #tpu.memory_space<hbm>> -> memref<1048576x128xf32, #tpu.memory_space<hbm>>
    tpu.enqueue_indirect_dma source(%dma_start3A_1134 : memref<1048576x128xf32, #tpu.memory_space<hbm>>) target(%dma_start3A_1128 : memref<128x128xf32, #tpu.memory_space<vmem>>) offsets(%dma_start3A_1131 : memref<128xi32, #tpu.memory_space<vmem>>) semaphore(%arg14 : memref<!tpu.dma_semaphore, #tpu.memory_space<semaphore_mem>>)
    %dma_start3A_1135 = arith.constant 1 : i32
    %dma_start3A_1136 = arith.constant 128 : i32
    %dma_start3A_1137 = arith.constant 0 : i32
    %dma_start3A_1138 = tpu.memref_slice %arg11[%dma_start3A_1136, %dma_start3A_1137] : memref<256x128xf32, #tpu.memory_space<vmem>> -> memref<128x128xf32, #tpu.memory_space<vmem>>
    %dma_start3A_1139 = arith.constant 0 : i32
    %dma_start3A_1140 = tpu.memref_slice %arg8[%dma_start3A_1135, %dma_start3A_1139] : memref<2x128xi32, #tpu.memory_space<vmem>> -> memref<1x128xi32, #tpu.memory_space<vmem>>
    %dma_start3A_1141 = tpu.memref_squeeze %dma_start3A_1140 : memref<1x128xi32, #tpu.memory_space<vmem>> -> memref<128xi32, #tpu.memory_space<vmem>>
    %dma_start3A_1142 = arith.constant 0 : i32
    %dma_start3A_1143 = arith.constant 0 : i32
    %dma_start3A_1144 = tpu.memref_slice %arg2[%dma_start3A_1142, %dma_start3A_1143] : memref<1048576x128xf32, #tpu.memory_space<hbm>> -> memref<1048576x128xf32, #tpu.memory_space<hbm>>
    tpu.enqueue_indirect_dma source(%dma_start3A_1144 : memref<1048576x128xf32, #tpu.memory_space<hbm>>) target(%dma_start3A_1138 : memref<128x128xf32, #tpu.memory_space<vmem>>) offsets(%dma_start3A_1141 : memref<128xi32, #tpu.memory_space<vmem>>) semaphore(%arg14 : memref<!tpu.dma_semaphore, #tpu.memory_space<semaphore_mem>>)
    %scan3A = arith.constant 0 : i32
    %scan3A_1145 = arith.constant 0 : i32
    %scan3A_1146 = arith.constant 4 : i32
    %scan3A_1147 = arith.addi %scan3A_1145, %scan3A_1146 : i32
    %scan3A_1148 = arith.constant 1 : i32
    scf.for %scan3A_1652 = %scan3A_1145 to %scan3A_1147 step %scan3A_1148  : i32 {
      %mul3A_1653 = arith.constant 3 : i32
      %mul3A_1654 = arith.muli %mul3A_1653, %scan3A_1652 : i32
      %add3A_1655 = arith.constant 1 : i32
      %add3A_1656 = arith.addi %add3A_1655, %mul3A_1654 : i32
      %add3A_1657 = arith.constant 0 : i32
      %add3A_1658 = arith.addi %add3A_1656, %add3A_1657 : i32
      %dma_wait3A_1659 = arith.constant 0 : i32
      %dma_wait3A_1660 = arith.constant 0 : i32
      %dma_wait3A_1661 = arith.constant 0 : i32
      %dma_wait3A_1662 = tpu.memref_slice %arg10[%dma_wait3A_1660, %dma_wait3A_1661] : memref<256x128xf32, #tpu.memory_space<vmem>> -> memref<128x128xf32, #tpu.memory_space<vmem>>
      %dma_wait3A_1663 = arith.constant 0 : i32
      %dma_wait3A_1664 = tpu.memref_slice %arg7[%dma_wait3A_1659, %dma_wait3A_1663] : memref<2x128xi32, #tpu.memory_space<vmem>> -> memref<1x128xi32, #tpu.memory_space<vmem>>
      %dma_wait3A_1665 = tpu.memref_squeeze %dma_wait3A_1664 : memref<1x128xi32, #tpu.memory_space<vmem>> -> memref<128xi32, #tpu.memory_space<vmem>>
      %dma_wait3A_1666 = arith.constant 0 : i32
      %dma_wait3A_1667 = arith.constant 0 : i32
      %dma_wait3A_1668 = tpu.memref_slice %arg2[%dma_wait3A_1666, %dma_wait3A_1667] : memref<1048576x128xf32, #tpu.memory_space<hbm>> -> memref<1048576x128xf32, #tpu.memory_space<hbm>>
      tpu.wait_indirect_dma semaphore(%arg13 : memref<!tpu.dma_semaphore, #tpu.memory_space<semaphore_mem>>) src(%dma_wait3A_1668 : memref<1048576x128xf32, #tpu.memory_space<hbm>>) dst(%dma_wait3A_1662 : memref<128x128xf32, #tpu.memory_space<vmem>>)
      %dma_wait3A_1669 = arith.constant 1 : i32
      %dma_wait3A_1670 = arith.constant 128 : i32
      %dma_wait3A_1671 = arith.constant 0 : i32
      %dma_wait3A_1672 = tpu.memref_slice %arg10[%dma_wait3A_1670, %dma_wait3A_1671] : memref<256x128xf32, #tpu.memory_space<vmem>> -> memref<128x128xf32, #tpu.memory_space<vmem>>
      %dma_wait3A_1673 = arith.constant 0 : i32
      %dma_wait3A_1674 = tpu.memref_slice %arg7[%dma_wait3A_1669, %dma_wait3A_1673] : memref<2x128xi32, #tpu.memory_space<vmem>> -> memref<1x128xi32, #tpu.memory_space<vmem>>
      %dma_wait3A_1675 = tpu.memref_squeeze %dma_wait3A_1674 : memref<1x128xi32, #tpu.memory_space<vmem>> -> memref<128xi32, #tpu.memory_space<vmem>>
      %dma_wait3A_1676 = arith.constant 0 : i32
      %dma_wait3A_1677 = arith.constant 0 : i32
      %dma_wait3A_1678 = tpu.memref_slice %arg2[%dma_wait3A_1676, %dma_wait3A_1677] : memref<1048576x128xf32, #tpu.memory_space<hbm>> -> memref<1048576x128xf32, #tpu.memory_space<hbm>>
      tpu.wait_indirect_dma semaphore(%arg13 : memref<!tpu.dma_semaphore, #tpu.memory_space<semaphore_mem>>) src(%dma_wait3A_1678 : memref<1048576x128xf32, #tpu.memory_space<hbm>>) dst(%dma_wait3A_1672 : memref<128x128xf32, #tpu.memory_space<vmem>>)
      %add3A_1679 = arith.addi %mul3A_2, %add3A_1658 : i32
      %dma_start3A_1680 = arith.constant 0 : i32
      %dma_start3A_1681 = arith.constant 0 : i32
      %dma_start3A_1682 = tpu.memref_slice %arg4[%add3A_1679, %dma_start3A_1680, %dma_start3A_1681] : memref<512x256x128xf32, #tpu.memory_space<hbm>> -> memref<1x256x128xf32, #tpu.memory_space<hbm>>
      %dma_start3A_1683 = tpu.memref_squeeze %dma_start3A_1682 : memref<1x256x128xf32, #tpu.memory_space<hbm>> -> memref<256x128xf32, #tpu.memory_space<hbm>>
      %dma_start3A_1684 = arith.constant 0 : i32
      %dma_start3A_1685 = arith.constant 0 : i32
      %dma_start3A_1686 = tpu.memref_slice %arg4[%add3A_1679, %dma_start3A_1684, %dma_start3A_1685] : memref<512x256x128xf32, #tpu.memory_space<hbm>> -> memref<1x256x128xf32, #tpu.memory_space<hbm>>
      %dma_start3A_1687 = tpu.memref_squeeze %dma_start3A_1686 : memref<1x256x128xf32, #tpu.memory_space<hbm>> -> memref<256x128xf32, #tpu.memory_space<hbm>>
      tpu.enqueue_dma source(%arg10 : memref<256x128xf32, #tpu.memory_space<vmem>>) target(%dma_start3A_1687 : memref<256x128xf32, #tpu.memory_space<hbm>>) target_semaphore(%arg16 : memref<!tpu.dma_semaphore, #tpu.memory_space<semaphore_mem>>)
      %add3A_1688 = arith.constant 2 : i32
      %add3A_1689 = arith.addi %add3A_1658, %add3A_1688 : i32
      %mul3A_1690 = arith.constant 256 : i32
      %mul3A_1691 = arith.muli %add3A_1689, %mul3A_1690 : i32
      %add3A_1692 = arith.addi %mul3A_4, %mul3A_1691 : i32
      %add3A_1693 = arith.constant 0 : i32
      %add3A_1694 = arith.addi %add3A_1692, %add3A_1693 : i32
      %div3A_1695 = arith.constant 256 : i32
      %div3A_1696 = arith.divsi %add3A_1694, %div3A_1695 : i32
      %rem3A_1697 = arith.constant 256 : i32
      %rem3A_1698 = arith.remsi %add3A_1694, %rem3A_1697 : i32
      %add3A_1699 = arith.constant 0 : i32
      %add3A_1700 = arith.addi %rem3A_1698, %add3A_1699 : i32
      %add3A_1701 = vector.broadcast %add3A_1700 : i32 to vector<16xi32>
      %add3A_1702 = arith.addi %add3A_1701, %iota3A : vector<16xi32>
      %add3A_1703 = arith.constant 0 : i32
      %add3A_1704 = arith.addi %rem3A_1698, %add3A_1703 : i32
      %get3A_1705 = arith.index_cast %add3A_1704 : i32 to index
      %get3A_1706 = tpu.vector_load %arg5[%get3A_1705] {strides = array<i32>} : memref<256xi32, #tpu.memory_space<vmem>>, vector<16xi32>,
      %get3A_1707 = vector.shape_cast %get3A_1706 : vector<16xi32> to vector<16xi32>
      %mul3A_1708 = arith.constant 4096 : i32
      %mul3A_1709 = vector.broadcast %mul3A_1708 : i32 to vector<16xi32>
      %mul3A_1710 = arith.muli %add3A_1702, %mul3A_1709 : vector<16xi32>
      %add3A_1711 = arith.addi %mul3A_1710, %get3A_1707 : vector<16xi32>
      %add3A_1712 = vector.broadcast %div3A_1696 : i32 to vector<16xi32>
      %add3A_1713 = arith.addi %add3A_1711, %add3A_1712 : vector<16xi32>
      %swap3A_1714 = arith.constant 0 : i32
      %swap3A_1715 = arith.index_cast %swap3A_1714 : i32 to index
      %swap3A_1716 = arith.constant 0 : index
      %swap3A_1717 = tpu.vector_load %arg6[%swap3A_1715, %swap3A_1716] {strides = array<i32>} : memref<2x128xi32, #tpu.memory_space<vmem>>, vector<1x16xi32>,
      %swap3A_1718 = vector.shape_cast %swap3A_1717 : vector<1x16xi32> to vector<16xi32>
      %swap3A_1719 = vector.shape_cast %add3A_1713 : vector<16xi32> to vector<1x16xi32>
      tpu.vector_store %arg6[%swap3A_1715, %swap3A_1716], %swap3A_1719 {strides = array<i32>} : memref<2x128xi32, #tpu.memory_space<vmem>>, vector<1x16xi32>,
      %add3A_1720 = arith.constant 16 : i32
      %add3A_1721 = arith.addi %rem3A_1698, %add3A_1720 : i32
      %add3A_1722 = vector.broadcast %add3A_1721 : i32 to vector<16xi32>
      %add3A_1723 = arith.addi %add3A_1722, %iota3A : vector<16xi32>
      %add3A_1724 = arith.constant 16 : i32
      %add3A_1725 = arith.addi %rem3A_1698, %add3A_1724 : i32
      %get3A_1726 = arith.index_cast %add3A_1725 : i32 to index
      %get3A_1727 = tpu.vector_load %arg5[%get3A_1726] {strides = array<i32>} : memref<256xi32, #tpu.memory_space<vmem>>, vector<16xi32>,
      %get3A_1728 = vector.shape_cast %get3A_1727 : vector<16xi32> to vector<16xi32>
      %mul3A_1729 = arith.constant 4096 : i32
      %mul3A_1730 = vector.broadcast %mul3A_1729 : i32 to vector<16xi32>
      %mul3A_1731 = arith.muli %add3A_1723, %mul3A_1730 : vector<16xi32>
      %add3A_1732 = arith.addi %mul3A_1731, %get3A_1728 : vector<16xi32>
      %add3A_1733 = vector.broadcast %div3A_1696 : i32 to vector<16xi32>
      %add3A_1734 = arith.addi %add3A_1732, %add3A_1733 : vector<16xi32>
      %swap3A_1735 = arith.constant 0 : i32
      %swap3A_1736 = arith.index_cast %swap3A_1735 : i32 to index
      %swap3A_1737 = arith.constant 16 : index
      %swap3A_1738 = tpu.vector_load %arg6[%swap3A_1736, %swap3A_1737] {strides = array<i32>} : memref<2x128xi32, #tpu.memory_space<vmem>>, vector<1x16xi32>,
      %swap3A_1739 = vector.shape_cast %swap3A_1738 : vector<1x16xi32> to vector<16xi32>
      %swap3A_1740 = vector.shape_cast %add3A_1734 : vector<16xi32> to vector<1x16xi32>
      tpu.vector_store %arg6[%swap3A_1736, %swap3A_1737], %swap3A_1740 {strides = array<i32>} : memref<2x128xi32, #tpu.memory_space<vmem>>, vector<1x16xi32>,
      %add3A_1741 = arith.constant 32 : i32
      %add3A_1742 = arith.addi %rem3A_1698, %add3A_1741 : i32
      %add3A_1743 = vector.broadcast %add3A_1742 : i32 to vector<16xi32>
      %add3A_1744 = arith.addi %add3A_1743, %iota3A : vector<16xi32>
      %add3A_1745 = arith.constant 32 : i32
      %add3A_1746 = arith.addi %rem3A_1698, %add3A_1745 : i32
      %get3A_1747 = arith.index_cast %add3A_1746 : i32 to index
      %get3A_1748 = tpu.vector_load %arg5[%get3A_1747] {strides = array<i32>} : memref<256xi32, #tpu.memory_space<vmem>>, vector<16xi32>,
      %get3A_1749 = vector.shape_cast %get3A_1748 : vector<16xi32> to vector<16xi32>
      %mul3A_1750 = arith.constant 4096 : i32
      %mul3A_1751 = vector.broadcast %mul3A_1750 : i32 to vector<16xi32>
      %mul3A_1752 = arith.muli %add3A_1744, %mul3A_1751 : vector<16xi32>
      %add3A_1753 = arith.addi %mul3A_1752, %get3A_1749 : vector<16xi32>
      %add3A_1754 = vector.broadcast %div3A_1696 : i32 to vector<16xi32>
      %add3A_1755 = arith.addi %add3A_1753, %add3A_1754 : vector<16xi32>
      %swap3A_1756 = arith.constant 0 : i32
      %swap3A_1757 = arith.index_cast %swap3A_1756 : i32 to index
      %swap3A_1758 = arith.constant 32 : index
      %swap3A_1759 = tpu.vector_load %arg6[%swap3A_1757, %swap3A_1758] {strides = array<i32>} : memref<2x128xi32, #tpu.memory_space<vmem>>, vector<1x16xi32>,
      %swap3A_1760 = vector.shape_cast %swap3A_1759 : vector<1x16xi32> to vector<16xi32>
      %swap3A_1761 = vector.shape_cast %add3A_1755 : vector<16xi32> to vector<1x16xi32>
      tpu.vector_store %arg6[%swap3A_1757, %swap3A_1758], %swap3A_1761 {strides = array<i32>} : memref<2x128xi32, #tpu.memory_space<vmem>>, vector<1x16xi32>,
      %add3A_1762 = arith.constant 48 : i32
      %add3A_1763 = arith.addi %rem3A_1698, %add3A_1762 : i32
      %add3A_1764 = vector.broadcast %add3A_1763 : i32 to vector<16xi32>
      %add3A_1765 = arith.addi %add3A_1764, %iota3A : vector<16xi32>
      %add3A_1766 = arith.constant 48 : i32
      %add3A_1767 = arith.addi %rem3A_1698, %add3A_1766 : i32
      %get3A_1768 = arith.index_cast %add3A_1767 : i32 to index
      %get3A_1769 = tpu.vector_load %arg5[%get3A_1768] {strides = array<i32>} : memref<256xi32, #tpu.memory_space<vmem>>, vector<16xi32>,
      %get3A_1770 = vector.shape_cast %get3A_1769 : vector<16xi32> to vector<16xi32>
      %mul3A_1771 = arith.constant 4096 : i32
      %mul3A_1772 = vector.broadcast %mul3A_1771 : i32 to vector<16xi32>
      %mul3A_1773 = arith.muli %add3A_1765, %mul3A_1772 : vector<16xi32>
      %add3A_1774 = arith.addi %mul3A_1773, %get3A_1770 : vector<16xi32>
      %add3A_1775 = vector.broadcast %div3A_1696 : i32 to vector<16xi32>
      %add3A_1776 = arith.addi %add3A_1774, %add3A_1775 : vector<16xi32>
      %swap3A_1777 = arith.constant 0 : i32
      %swap3A_1778 = arith.index_cast %swap3A_1777 : i32 to index
      %swap3A_1779 = arith.constant 48 : index
      %swap3A_1780 = tpu.vector_load %arg6[%swap3A_1778, %swap3A_1779] {strides = array<i32>} : memref<2x128xi32, #tpu.memory_space<vmem>>, vector<1x16xi32>,
      %swap3A_1781 = vector.shape_cast %swap3A_1780 : vector<1x16xi32> to vector<16xi32>
      %swap3A_1782 = vector.shape_cast %add3A_1776 : vector<16xi32> to vector<1x16xi32>
      tpu.vector_store %arg6[%swap3A_1778, %swap3A_1779], %swap3A_1782 {strides = array<i32>} : memref<2x128xi32, #tpu.memory_space<vmem>>, vector<1x16xi32>,
      %add3A_1783 = arith.constant 64 : i32
      %add3A_1784 = arith.addi %rem3A_1698, %add3A_1783 : i32
      %add3A_1785 = vector.broadcast %add3A_1784 : i32 to vector<16xi32>
      %add3A_1786 = arith.addi %add3A_1785, %iota3A : vector<16xi32>
      %add3A_1787 = arith.constant 64 : i32
      %add3A_1788 = arith.addi %rem3A_1698, %add3A_1787 : i32
      %get3A_1789 = arith.index_cast %add3A_1788 : i32 to index
      %get3A_1790 = tpu.vector_load %arg5[%get3A_1789] {strides = array<i32>} : memref<256xi32, #tpu.memory_space<vmem>>, vector<16xi32>,
      %get3A_1791 = vector.shape_cast %get3A_1790 : vector<16xi32> to vector<16xi32>
      %mul3A_1792 = arith.constant 4096 : i32
      %mul3A_1793 = vector.broadcast %mul3A_1792 : i32 to vector<16xi32>
      %mul3A_1794 = arith.muli %add3A_1786, %mul3A_1793 : vector<16xi32>
      %add3A_1795 = arith.addi %mul3A_1794, %get3A_1791 : vector<16xi32>
      %add3A_1796 = vector.broadcast %div3A_1696 : i32 to vector<16xi32>
      %add3A_1797 = arith.addi %add3A_1795, %add3A_1796 : vector<16xi32>
      %swap3A_1798 = arith.constant 0 : i32
      %swap3A_1799 = arith.index_cast %swap3A_1798 : i32 to index
      %swap3A_1800 = arith.constant 64 : index
      %swap3A_1801 = tpu.vector_load %arg6[%swap3A_1799, %swap3A_1800] {strides = array<i32>} : memref<2x128xi32, #tpu.memory_space<vmem>>, vector<1x16xi32>,
      %swap3A_1802 = vector.shape_cast %swap3A_1801 : vector<1x16xi32> to vector<16xi32>
      %swap3A_1803 = vector.shape_cast %add3A_1797 : vector<16xi32> to vector<1x16xi32>
      tpu.vector_store %arg6[%swap3A_1799, %swap3A_1800], %swap3A_1803 {strides = array<i32>} : memref<2x128xi32, #tpu.memory_space<vmem>>, vector<1x16xi32>,
      %add3A_1804 = arith.constant 80 : i32
      %add3A_1805 = arith.addi %rem3A_1698, %add3A_1804 : i32
      %add3A_1806 = vector.broadcast %add3A_1805 : i32 to vector<16xi32>
      %add3A_1807 = arith.addi %add3A_1806, %iota3A : vector<16xi32>
      %add3A_1808 = arith.constant 80 : i32
      %add3A_1809 = arith.addi %rem3A_1698, %add3A_1808 : i32
      %get3A_1810 = arith.index_cast %add3A_1809 : i32 to index
      %get3A_1811 = tpu.vector_load %arg5[%get3A_1810] {strides = array<i32>} : memref<256xi32, #tpu.memory_space<vmem>>, vector<16xi32>,
      %get3A_1812 = vector.shape_cast %get3A_1811 : vector<16xi32> to vector<16xi32>
      %mul3A_1813 = arith.constant 4096 : i32
      %mul3A_1814 = vector.broadcast %mul3A_1813 : i32 to vector<16xi32>
      %mul3A_1815 = arith.muli %add3A_1807, %mul3A_1814 : vector<16xi32>
      %add3A_1816 = arith.addi %mul3A_1815, %get3A_1812 : vector<16xi32>
      %add3A_1817 = vector.broadcast %div3A_1696 : i32 to vector<16xi32>
      %add3A_1818 = arith.addi %add3A_1816, %add3A_1817 : vector<16xi32>
      %swap3A_1819 = arith.constant 0 : i32
      %swap3A_1820 = arith.index_cast %swap3A_1819 : i32 to index
      %swap3A_1821 = arith.constant 80 : index
      %swap3A_1822 = tpu.vector_load %arg6[%swap3A_1820, %swap3A_1821] {strides = array<i32>} : memref<2x128xi32, #tpu.memory_space<vmem>>, vector<1x16xi32>,
      %swap3A_1823 = vector.shape_cast %swap3A_1822 : vector<1x16xi32> to vector<16xi32>
      %swap3A_1824 = vector.shape_cast %add3A_1818 : vector<16xi32> to vector<1x16xi32>
      tpu.vector_store %arg6[%swap3A_1820, %swap3A_1821], %swap3A_1824 {strides = array<i32>} : memref<2x128xi32, #tpu.memory_space<vmem>>, vector<1x16xi32>,
      %add3A_1825 = arith.constant 96 : i32
      %add3A_1826 = arith.addi %rem3A_1698, %add3A_1825 : i32
      %add3A_1827 = vector.broadcast %add3A_1826 : i32 to vector<16xi32>
      %add3A_1828 = arith.addi %add3A_1827, %iota3A : vector<16xi32>
      %add3A_1829 = arith.constant 96 : i32
      %add3A_1830 = arith.addi %rem3A_1698, %add3A_1829 : i32
      %get3A_1831 = arith.index_cast %add3A_1830 : i32 to index
      %get3A_1832 = tpu.vector_load %arg5[%get3A_1831] {strides = array<i32>} : memref<256xi32, #tpu.memory_space<vmem>>, vector<16xi32>,
      %get3A_1833 = vector.shape_cast %get3A_1832 : vector<16xi32> to vector<16xi32>
      %mul3A_1834 = arith.constant 4096 : i32
      %mul3A_1835 = vector.broadcast %mul3A_1834 : i32 to vector<16xi32>
      %mul3A_1836 = arith.muli %add3A_1828, %mul3A_1835 : vector<16xi32>
      %add3A_1837 = arith.addi %mul3A_1836, %get3A_1833 : vector<16xi32>
      %add3A_1838 = vector.broadcast %div3A_1696 : i32 to vector<16xi32>
      %add3A_1839 = arith.addi %add3A_1837, %add3A_1838 : vector<16xi32>
      %swap3A_1840 = arith.constant 0 : i32
      %swap3A_1841 = arith.index_cast %swap3A_1840 : i32 to index
      %swap3A_1842 = arith.constant 96 : index
      %swap3A_1843 = tpu.vector_load %arg6[%swap3A_1841, %swap3A_1842] {strides = array<i32>} : memref<2x128xi32, #tpu.memory_space<vmem>>, vector<1x16xi32>,
      %swap3A_1844 = vector.shape_cast %swap3A_1843 : vector<1x16xi32> to vector<16xi32>
      %swap3A_1845 = vector.shape_cast %add3A_1839 : vector<16xi32> to vector<1x16xi32>
      tpu.vector_store %arg6[%swap3A_1841, %swap3A_1842], %swap3A_1845 {strides = array<i32>} : memref<2x128xi32, #tpu.memory_space<vmem>>, vector<1x16xi32>,
      %add3A_1846 = arith.constant 112 : i32
      %add3A_1847 = arith.addi %rem3A_1698, %add3A_1846 : i32
      %add3A_1848 = vector.broadcast %add3A_1847 : i32 to vector<16xi32>
      %add3A_1849 = arith.addi %add3A_1848, %iota3A : vector<16xi32>
      %add3A_1850 = arith.constant 112 : i32
      %add3A_1851 = arith.addi %rem3A_1698, %add3A_1850 : i32
      %get3A_1852 = arith.index_cast %add3A_1851 : i32 to index
      %get3A_1853 = tpu.vector_load %arg5[%get3A_1852] {strides = array<i32>} : memref<256xi32, #tpu.memory_space<vmem>>, vector<16xi32>,
      %get3A_1854 = vector.shape_cast %get3A_1853 : vector<16xi32> to vector<16xi32>
      %mul3A_1855 = arith.constant 4096 : i32
      %mul3A_1856 = vector.broadcast %mul3A_1855 : i32 to vector<16xi32>
      %mul3A_1857 = arith.muli %add3A_1849, %mul3A_1856 : vector<16xi32>
      %add3A_1858 = arith.addi %mul3A_1857, %get3A_1854 : vector<16xi32>
      %add3A_1859 = vector.broadcast %div3A_1696 : i32 to vector<16xi32>
      %add3A_1860 = arith.addi %add3A_1858, %add3A_1859 : vector<16xi32>
      %swap3A_1861 = arith.constant 0 : i32
      %swap3A_1862 = arith.index_cast %swap3A_1861 : i32 to index
      %swap3A_1863 = arith.constant 112 : index
      %swap3A_1864 = tpu.vector_load %arg6[%swap3A_1862, %swap3A_1863] {strides = array<i32>} : memref<2x128xi32, #tpu.memory_space<vmem>>, vector<1x16xi32>,
      %swap3A_1865 = vector.shape_cast %swap3A_1864 : vector<1x16xi32> to vector<16xi32>
      %swap3A_1866 = vector.shape_cast %add3A_1860 : vector<16xi32> to vector<1x16xi32>
      tpu.vector_store %arg6[%swap3A_1862, %swap3A_1863], %swap3A_1866 {strides = array<i32>} : memref<2x128xi32, #tpu.memory_space<vmem>>, vector<1x16xi32>,
      %add3A_1867 = arith.constant 2 : i32
      %add3A_1868 = arith.addi %add3A_1658, %add3A_1867 : i32
      %mul3A_1869 = arith.constant 256 : i32
      %mul3A_1870 = arith.muli %add3A_1868, %mul3A_1869 : i32
      %add3A_1871 = arith.addi %mul3A_4, %mul3A_1870 : i32
      %add3A_1872 = arith.constant 128 : i32
      %add3A_1873 = arith.addi %add3A_1871, %add3A_1872 : i32
      %div3A_1874 = arith.constant 256 : i32
      %div3A_1875 = arith.divsi %add3A_1873, %div3A_1874 : i32
      %rem3A_1876 = arith.constant 256 : i32
      %rem3A_1877 = arith.remsi %add3A_1873, %rem3A_1876 : i32
      %add3A_1878 = arith.constant 0 : i32
      %add3A_1879 = arith.addi %rem3A_1877, %add3A_1878 : i32
      %add3A_1880 = vector.broadcast %add3A_1879 : i32 to vector<16xi32>
      %add3A_1881 = arith.addi %add3A_1880, %iota3A : vector<16xi32>
      %add3A_1882 = arith.constant 0 : i32
      %add3A_1883 = arith.addi %rem3A_1877, %add3A_1882 : i32
      %get3A_1884 = arith.index_cast %add3A_1883 : i32 to index
      %get3A_1885 = tpu.vector_load %arg5[%get3A_1884] {strides = array<i32>} : memref<256xi32, #tpu.memory_space<vmem>>, vector<16xi32>,
      %get3A_1886 = vector.shape_cast %get3A_1885 : vector<16xi32> to vector<16xi32>
      %mul3A_1887 = arith.constant 4096 : i32
      %mul3A_1888 = vector.broadcast %mul3A_1887 : i32 to vector<16xi32>
      %mul3A_1889 = arith.muli %add3A_1881, %mul3A_1888 : vector<16xi32>
      %add3A_1890 = arith.addi %mul3A_1889, %get3A_1886 : vector<16xi32>
      %add3A_1891 = vector.broadcast %div3A_1875 : i32 to vector<16xi32>
      %add3A_1892 = arith.addi %add3A_1890, %add3A_1891 : vector<16xi32>
      %swap3A_1893 = arith.constant 1 : i32
      %swap3A_1894 = arith.index_cast %swap3A_1893 : i32 to index
      %swap3A_1895 = arith.constant 0 : index
      %swap3A_1896 = tpu.vector_load %arg6[%swap3A_1894, %swap3A_1895] {strides = array<i32>} : memref<2x128xi32, #tpu.memory_space<vmem>>, vector<1x16xi32>,
      %swap3A_1897 = vector.shape_cast %swap3A_1896 : vector<1x16xi32> to vector<16xi32>
      %swap3A_1898 = vector.shape_cast %add3A_1892 : vector<16xi32> to vector<1x16xi32>
      tpu.vector_store %arg6[%swap3A_1894, %swap3A_1895], %swap3A_1898 {strides = array<i32>} : memref<2x128xi32, #tpu.memory_space<vmem>>, vector<1x16xi32>,
      %add3A_1899 = arith.constant 16 : i32
      %add3A_1900 = arith.addi %rem3A_1877, %add3A_1899 : i32
      %add3A_1901 = vector.broadcast %add3A_1900 : i32 to vector<16xi32>
      %add3A_1902 = arith.addi %add3A_1901, %iota3A : vector<16xi32>
      %add3A_1903 = arith.constant 16 : i32
      %add3A_1904 = arith.addi %rem3A_1877, %add3A_1903 : i32
      %get3A_1905 = arith.index_cast %add3A_1904 : i32 to index
      %get3A_1906 = tpu.vector_load %arg5[%get3A_1905] {strides = array<i32>} : memref<256xi32, #tpu.memory_space<vmem>>, vector<16xi32>,
      %get3A_1907 = vector.shape_cast %get3A_1906 : vector<16xi32> to vector<16xi32>
      %mul3A_1908 = arith.constant 4096 : i32
      %mul3A_1909 = vector.broadcast %mul3A_1908 : i32 to vector<16xi32>
      %mul3A_1910 = arith.muli %add3A_1902, %mul3A_1909 : vector<16xi32>
      %add3A_1911 = arith.addi %mul3A_1910, %get3A_1907 : vector<16xi32>
      %add3A_1912 = vector.broadcast %div3A_1875 : i32 to vector<16xi32>
      %add3A_1913 = arith.addi %add3A_1911, %add3A_1912 : vector<16xi32>
      %swap3A_1914 = arith.constant 1 : i32
      %swap3A_1915 = arith.index_cast %swap3A_1914 : i32 to index
      %swap3A_1916 = arith.constant 16 : index
      %swap3A_1917 = tpu.vector_load %arg6[%swap3A_1915, %swap3A_1916] {strides = array<i32>} : memref<2x128xi32, #tpu.memory_space<vmem>>, vector<1x16xi32>,
      %swap3A_1918 = vector.shape_cast %swap3A_1917 : vector<1x16xi32> to vector<16xi32>
      %swap3A_1919 = vector.shape_cast %add3A_1913 : vector<16xi32> to vector<1x16xi32>
      tpu.vector_store %arg6[%swap3A_1915, %swap3A_1916], %swap3A_1919 {strides = array<i32>} : memref<2x128xi32, #tpu.memory_space<vmem>>, vector<1x16xi32>,
      %add3A_1920 = arith.constant 32 : i32
      %add3A_1921 = arith.addi %rem3A_1877, %add3A_1920 : i32
      %add3A_1922 = vector.broadcast %add3A_1921 : i32 to vector<16xi32>
      %add3A_1923 = arith.addi %add3A_1922, %iota3A : vector<16xi32>
      %add3A_1924 = arith.constant 32 : i32
      %add3A_1925 = arith.addi %rem3A_1877, %add3A_1924 : i32
      %get3A_1926 = arith.index_cast %add3A_1925 : i32 to index
      %get3A_1927 = tpu.vector_load %arg5[%get3A_1926] {strides = array<i32>} : memref<256xi32, #tpu.memory_space<vmem>>, vector<16xi32>,
      %get3A_1928 = vector.shape_cast %get3A_1927 : vector<16xi32> to vector<16xi32>
      %mul3A_1929 = arith.constant 4096 : i32
      %mul3A_1930 = vector.broadcast %mul3A_1929 : i32 to vector<16xi32>
      %mul3A_1931 = arith.muli %add3A_1923, %mul3A_1930 : vector<16xi32>
      %add3A_1932 = arith.addi %mul3A_1931, %get3A_1928 : vector<16xi32>
      %add3A_1933 = vector.broadcast %div3A_1875 : i32 to vector<16xi32>
      %add3A_1934 = arith.addi %add3A_1932, %add3A_1933 : vector<16xi32>
      %swap3A_1935 = arith.constant 1 : i32
      %swap3A_1936 = arith.index_cast %swap3A_1935 : i32 to index
      %swap3A_1937 = arith.constant 32 : index
      %swap3A_1938 = tpu.vector_load %arg6[%swap3A_1936, %swap3A_1937] {strides = array<i32>} : memref<2x128xi32, #tpu.memory_space<vmem>>, vector<1x16xi32>,
      %swap3A_1939 = vector.shape_cast %swap3A_1938 : vector<1x16xi32> to vector<16xi32>
      %swap3A_1940 = vector.shape_cast %add3A_1934 : vector<16xi32> to vector<1x16xi32>
      tpu.vector_store %arg6[%swap3A_1936, %swap3A_1937], %swap3A_1940 {strides = array<i32>} : memref<2x128xi32, #tpu.memory_space<vmem>>, vector<1x16xi32>,
      %add3A_1941 = arith.constant 48 : i32
      %add3A_1942 = arith.addi %rem3A_1877, %add3A_1941 : i32
      %add3A_1943 = vector.broadcast %add3A_1942 : i32 to vector<16xi32>
      %add3A_1944 = arith.addi %add3A_1943, %iota3A : vector<16xi32>
      %add3A_1945 = arith.constant 48 : i32
      %add3A_1946 = arith.addi %rem3A_1877, %add3A_1945 : i32
      %get3A_1947 = arith.index_cast %add3A_1946 : i32 to index
      %get3A_1948 = tpu.vector_load %arg5[%get3A_1947] {strides = array<i32>} : memref<256xi32, #tpu.memory_space<vmem>>, vector<16xi32>,
      %get3A_1949 = vector.shape_cast %get3A_1948 : vector<16xi32> to vector<16xi32>
      %mul3A_1950 = arith.constant 4096 : i32
      %mul3A_1951 = vector.broadcast %mul3A_1950 : i32 to vector<16xi32>
      %mul3A_1952 = arith.muli %add3A_1944, %mul3A_1951 : vector<16xi32>
      %add3A_1953 = arith.addi %mul3A_1952, %get3A_1949 : vector<16xi32>
      %add3A_1954 = vector.broadcast %div3A_1875 : i32 to vector<16xi32>
      %add3A_1955 = arith.addi %add3A_1953, %add3A_1954 : vector<16xi32>
      %swap3A_1956 = arith.constant 1 : i32
      %swap3A_1957 = arith.index_cast %swap3A_1956 : i32 to index
      %swap3A_1958 = arith.constant 48 : index
      %swap3A_1959 = tpu.vector_load %arg6[%swap3A_1957, %swap3A_1958] {strides = array<i32>} : memref<2x128xi32, #tpu.memory_space<vmem>>, vector<1x16xi32>,
      %swap3A_1960 = vector.shape_cast %swap3A_1959 : vector<1x16xi32> to vector<16xi32>
      %swap3A_1961 = vector.shape_cast %add3A_1955 : vector<16xi32> to vector<1x16xi32>
      tpu.vector_store %arg6[%swap3A_1957, %swap3A_1958], %swap3A_1961 {strides = array<i32>} : memref<2x128xi32, #tpu.memory_space<vmem>>, vector<1x16xi32>,
      %add3A_1962 = arith.constant 64 : i32
      %add3A_1963 = arith.addi %rem3A_1877, %add3A_1962 : i32
      %add3A_1964 = vector.broadcast %add3A_1963 : i32 to vector<16xi32>
      %add3A_1965 = arith.addi %add3A_1964, %iota3A : vector<16xi32>
      %add3A_1966 = arith.constant 64 : i32
      %add3A_1967 = arith.addi %rem3A_1877, %add3A_1966 : i32
      %get3A_1968 = arith.index_cast %add3A_1967 : i32 to index
      %get3A_1969 = tpu.vector_load %arg5[%get3A_1968] {strides = array<i32>} : memref<256xi32, #tpu.memory_space<vmem>>, vector<16xi32>,
      %get3A_1970 = vector.shape_cast %get3A_1969 : vector<16xi32> to vector<16xi32>
      %mul3A_1971 = arith.constant 4096 : i32
      %mul3A_1972 = vector.broadcast %mul3A_1971 : i32 to vector<16xi32>
      %mul3A_1973 = arith.muli %add3A_1965, %mul3A_1972 : vector<16xi32>
      %add3A_1974 = arith.addi %mul3A_1973, %get3A_1970 : vector<16xi32>
      %add3A_1975 = vector.broadcast %div3A_1875 : i32 to vector<16xi32>
      %add3A_1976 = arith.addi %add3A_1974, %add3A_1975 : vector<16xi32>
      %swap3A_1977 = arith.constant 1 : i32
      %swap3A_1978 = arith.index_cast %swap3A_1977 : i32 to index
      %swap3A_1979 = arith.constant 64 : index
      %swap3A_1980 = tpu.vector_load %arg6[%swap3A_1978, %swap3A_1979] {strides = array<i32>} : memref<2x128xi32, #tpu.memory_space<vmem>>, vector<1x16xi32>,
      %swap3A_1981 = vector.shape_cast %swap3A_1980 : vector<1x16xi32> to vector<16xi32>
      %swap3A_1982 = vector.shape_cast %add3A_1976 : vector<16xi32> to vector<1x16xi32>
      tpu.vector_store %arg6[%swap3A_1978, %swap3A_1979], %swap3A_1982 {strides = array<i32>} : memref<2x128xi32, #tpu.memory_space<vmem>>, vector<1x16xi32>,
      %add3A_1983 = arith.constant 80 : i32
      %add3A_1984 = arith.addi %rem3A_1877, %add3A_1983 : i32
      %add3A_1985 = vector.broadcast %add3A_1984 : i32 to vector<16xi32>
      %add3A_1986 = arith.addi %add3A_1985, %iota3A : vector<16xi32>
      %add3A_1987 = arith.constant 80 : i32
      %add3A_1988 = arith.addi %rem3A_1877, %add3A_1987 : i32
      %get3A_1989 = arith.index_cast %add3A_1988 : i32 to index
      %get3A_1990 = tpu.vector_load %arg5[%get3A_1989] {strides = array<i32>} : memref<256xi32, #tpu.memory_space<vmem>>, vector<16xi32>,
      %get3A_1991 = vector.shape_cast %get3A_1990 : vector<16xi32> to vector<16xi32>
      %mul3A_1992 = arith.constant 4096 : i32
      %mul3A_1993 = vector.broadcast %mul3A_1992 : i32 to vector<16xi32>
      %mul3A_1994 = arith.muli %add3A_1986, %mul3A_1993 : vector<16xi32>
      %add3A_1995 = arith.addi %mul3A_1994, %get3A_1991 : vector<16xi32>
      %add3A_1996 = vector.broadcast %div3A_1875 : i32 to vector<16xi32>
      %add3A_1997 = arith.addi %add3A_1995, %add3A_1996 : vector<16xi32>
      %swap3A_1998 = arith.constant 1 : i32
      %swap3A_1999 = arith.index_cast %swap3A_1998 : i32 to index
      %swap3A_2000 = arith.constant 80 : index
      %swap3A_2001 = tpu.vector_load %arg6[%swap3A_1999, %swap3A_2000] {strides = array<i32>} : memref<2x128xi32, #tpu.memory_space<vmem>>, vector<1x16xi32>,
      %swap3A_2002 = vector.shape_cast %swap3A_2001 : vector<1x16xi32> to vector<16xi32>
      %swap3A_2003 = vector.shape_cast %add3A_1997 : vector<16xi32> to vector<1x16xi32>
      tpu.vector_store %arg6[%swap3A_1999, %swap3A_2000], %swap3A_2003 {strides = array<i32>} : memref<2x128xi32, #tpu.memory_space<vmem>>, vector<1x16xi32>,
      %add3A_2004 = arith.constant 96 : i32
      %add3A_2005 = arith.addi %rem3A_1877, %add3A_2004 : i32
      %add3A_2006 = vector.broadcast %add3A_2005 : i32 to vector<16xi32>
      %add3A_2007 = arith.addi %add3A_2006, %iota3A : vector<16xi32>
      %add3A_2008 = arith.constant 96 : i32
      %add3A_2009 = arith.addi %rem3A_1877, %add3A_2008 : i32
      %get3A_2010 = arith.index_cast %add3A_2009 : i32 to index
      %get3A_2011 = tpu.vector_load %arg5[%get3A_2010] {strides = array<i32>} : memref<256xi32, #tpu.memory_space<vmem>>, vector<16xi32>,
      %get3A_2012 = vector.shape_cast %get3A_2011 : vector<16xi32> to vector<16xi32>
      %mul3A_2013 = arith.constant 4096 : i32
      %mul3A_2014 = vector.broadcast %mul3A_2013 : i32 to vector<16xi32>
      %mul3A_2015 = arith.muli %add3A_2007, %mul3A_2014 : vector<16xi32>
      %add3A_2016 = arith.addi %mul3A_2015, %get3A_2012 : vector<16xi32>
      %add3A_2017 = vector.broadcast %div3A_1875 : i32 to vector<16xi32>
      %add3A_2018 = arith.addi %add3A_2016, %add3A_2017 : vector<16xi32>
      %swap3A_2019 = arith.constant 1 : i32
      %swap3A_2020 = arith.index_cast %swap3A_2019 : i32 to index
      %swap3A_2021 = arith.constant 96 : index
      %swap3A_2022 = tpu.vector_load %arg6[%swap3A_2020, %swap3A_2021] {strides = array<i32>} : memref<2x128xi32, #tpu.memory_space<vmem>>, vector<1x16xi32>,
      %swap3A_2023 = vector.shape_cast %swap3A_2022 : vector<1x16xi32> to vector<16xi32>
      %swap3A_2024 = vector.shape_cast %add3A_2018 : vector<16xi32> to vector<1x16xi32>
      tpu.vector_store %arg6[%swap3A_2020, %swap3A_2021], %swap3A_2024 {strides = array<i32>} : memref<2x128xi32, #tpu.memory_space<vmem>>, vector<1x16xi32>,
      %add3A_2025 = arith.constant 112 : i32
      %add3A_2026 = arith.addi %rem3A_1877, %add3A_2025 : i32
      %add3A_2027 = vector.broadcast %add3A_2026 : i32 to vector<16xi32>
      %add3A_2028 = arith.addi %add3A_2027, %iota3A : vector<16xi32>
      %add3A_2029 = arith.constant 112 : i32
      %add3A_2030 = arith.addi %rem3A_1877, %add3A_2029 : i32
      %get3A_2031 = arith.index_cast %add3A_2030 : i32 to index
      %get3A_2032 = tpu.vector_load %arg5[%get3A_2031] {strides = array<i32>} : memref<256xi32, #tpu.memory_space<vmem>>, vector<16xi32>,
      %get3A_2033 = vector.shape_cast %get3A_2032 : vector<16xi32> to vector<16xi32>
      %mul3A_2034 = arith.constant 4096 : i32
      %mul3A_2035 = vector.broadcast %mul3A_2034 : i32 to vector<16xi32>
      %mul3A_2036 = arith.muli %add3A_2028, %mul3A_2035 : vector<16xi32>
      %add3A_2037 = arith.addi %mul3A_2036, %get3A_2033 : vector<16xi32>
      %add3A_2038 = vector.broadcast %div3A_1875 : i32 to vector<16xi32>
      %add3A_2039 = arith.addi %add3A_2037, %add3A_2038 : vector<16xi32>
      %swap3A_2040 = arith.constant 1 : i32
      %swap3A_2041 = arith.index_cast %swap3A_2040 : i32 to index
      %swap3A_2042 = arith.constant 112 : index
      %swap3A_2043 = tpu.vector_load %arg6[%swap3A_2041, %swap3A_2042] {strides = array<i32>} : memref<2x128xi32, #tpu.memory_space<vmem>>, vector<1x16xi32>,
      %swap3A_2044 = vector.shape_cast %swap3A_2043 : vector<1x16xi32> to vector<16xi32>
      %swap3A_2045 = vector.shape_cast %add3A_2039 : vector<16xi32> to vector<1x16xi32>
      tpu.vector_store %arg6[%swap3A_2041, %swap3A_2042], %swap3A_2045 {strides = array<i32>} : memref<2x128xi32, #tpu.memory_space<vmem>>, vector<1x16xi32>,
      %sub3A = arith.constant 1 : i32
      %sub3A_2046 = arith.subi %add3A_1658, %sub3A : i32
      %add3A_2047 = arith.addi %mul3A_2, %sub3A_2046 : i32
      %dma_wait3A_2048 = arith.constant 0 : i32
      %dma_wait3A_2049 = arith.constant 0 : i32
      %dma_wait3A_2050 = tpu.memref_slice %arg4[%add3A_2047, %dma_wait3A_2048, %dma_wait3A_2049] : memref<512x256x128xf32, #tpu.memory_space<hbm>> -> memref<1x256x128xf32, #tpu.memory_space<hbm>>
      %dma_wait3A_2051 = tpu.memref_squeeze %dma_wait3A_2050 : memref<1x256x128xf32, #tpu.memory_space<hbm>> -> memref<256x128xf32, #tpu.memory_space<hbm>>
      %dma_wait3A_2052 = arith.constant 0 : i32
      %dma_wait3A_2053 = arith.constant 0 : i32
      %dma_wait3A_2054 = tpu.memref_slice %arg4[%add3A_2047, %dma_wait3A_2052, %dma_wait3A_2053] : memref<512x256x128xf32, #tpu.memory_space<hbm>> -> memref<1x256x128xf32, #tpu.memory_space<hbm>>
      %dma_wait3A_2055 = tpu.memref_squeeze %dma_wait3A_2054 : memref<1x256x128xf32, #tpu.memory_space<hbm>> -> memref<256x128xf32, #tpu.memory_space<hbm>>
      tpu.wait_dma2 semaphore(%arg15 : memref<!tpu.dma_semaphore, #tpu.memory_space<semaphore_mem>>) src(%arg9 : memref<256x128xf32, #tpu.memory_space<vmem>>) dst(%dma_wait3A_2055 : memref<256x128xf32, #tpu.memory_space<hbm>>)
      %dma_start3A_2056 = arith.constant 0 : i32
      %dma_start3A_2057 = arith.constant 0 : i32
      %dma_start3A_2058 = arith.constant 0 : i32
      %dma_start3A_2059 = tpu.memref_slice %arg9[%dma_start3A_2057, %dma_start3A_2058] : memref<256x128xf32, #tpu.memory_space<vmem>> -> memref<128x128xf32, #tpu.memory_space<vmem>>
      %dma_start3A_2060 = arith.constant 0 : i32
      %dma_start3A_2061 = tpu.memref_slice %arg6[%dma_start3A_2056, %dma_start3A_2060] : memref<2x128xi32, #tpu.memory_space<vmem>> -> memref<1x128xi32, #tpu.memory_space<vmem>>
      %dma_start3A_2062 = tpu.memref_squeeze %dma_start3A_2061 : memref<1x128xi32, #tpu.memory_space<vmem>> -> memref<128xi32, #tpu.memory_space<vmem>>
      %dma_start3A_2063 = arith.constant 0 : i32
      %dma_start3A_2064 = arith.constant 0 : i32
      %dma_start3A_2065 = tpu.memref_slice %arg2[%dma_start3A_2063, %dma_start3A_2064] : memref<1048576x128xf32, #tpu.memory_space<hbm>> -> memref<1048576x128xf32, #tpu.memory_space<hbm>>
      tpu.enqueue_indirect_dma source(%dma_start3A_2065 : memref<1048576x128xf32, #tpu.memory_space<hbm>>) target(%dma_start3A_2059 : memref<128x128xf32, #tpu.memory_space<vmem>>) offsets(%dma_start3A_2062 : memref<128xi32, #tpu.memory_space<vmem>>) semaphore(%arg12 : memref<!tpu.dma_semaphore, #tpu.memory_space<semaphore_mem>>)
      %dma_start3A_2066 = arith.constant 1 : i32
      %dma_start3A_2067 = arith.constant 128 : i32
      %dma_start3A_2068 = arith.constant 0 : i32
      %dma_start3A_2069 = tpu.memref_slice %arg9[%dma_start3A_2067, %dma_start3A_2068] : memref<256x128xf32, #tpu.memory_space<vmem>> -> memref<128x128xf32, #tpu.memory_space<vmem>>
      %dma_start3A_2070 = arith.constant 0 : i32
      %dma_start3A_2071 = tpu.memref_slice %arg6[%dma_start3A_2066, %dma_start3A_2070] : memref<2x128xi32, #tpu.memory_space<vmem>> -> memref<1x128xi32, #tpu.memory_space<vmem>>
      %dma_start3A_2072 = tpu.memref_squeeze %dma_start3A_2071 : memref<1x128xi32, #tpu.memory_space<vmem>> -> memref<128xi32, #tpu.memory_space<vmem>>
      %dma_start3A_2073 = arith.constant 0 : i32
      %dma_start3A_2074 = arith.constant 0 : i32
      %dma_start3A_2075 = tpu.memref_slice %arg2[%dma_start3A_2073, %dma_start3A_2074] : memref<1048576x128xf32, #tpu.memory_space<hbm>> -> memref<1048576x128xf32, #tpu.memory_space<hbm>>
      tpu.enqueue_indirect_dma source(%dma_start3A_2075 : memref<1048576x128xf32, #tpu.memory_space<hbm>>) target(%dma_start3A_2069 : memref<128x128xf32, #tpu.memory_space<vmem>>) offsets(%dma_start3A_2072 : memref<128xi32, #tpu.memory_space<vmem>>) semaphore(%arg12 : memref<!tpu.dma_semaphore, #tpu.memory_space<semaphore_mem>>)
      %mul3A_2076 = arith.constant 3 : i32
      %mul3A_2077 = arith.muli %mul3A_2076, %scan3A_1652 : i32
      %add3A_2078 = arith.constant 1 : i32
      %add3A_2079 = arith.addi %add3A_2078, %mul3A_2077 : i32
      %add3A_2080 = arith.constant 1 : i32
      %add3A_2081 = arith.addi %add3A_2079, %add3A_2080 : i32
      %dma_wait3A_2082 = arith.constant 0 : i32
      %dma_wait3A_2083 = arith.constant 0 : i32
      %dma_wait3A_2084 = arith.constant 0 : i32
      %dma_wait3A_2085 = tpu.memref_slice %arg11[%dma_wait3A_2083, %dma_wait3A_2084] : memref<256x128xf32, #tpu.memory_space<vmem>> -> memref<128x128xf32, #tpu.memory_space<vmem>>
      %dma_wait3A_2086 = arith.constant 0 : i32
      %dma_wait3A_2087 = tpu.memref_slice %arg8[%dma_wait3A_2082, %dma_wait3A_2086] : memref<2x128xi32, #tpu.memory_space<vmem>> -> memref<1x128xi32, #tpu.memory_space<vmem>>
      %dma_wait3A_2088 = tpu.memref_squeeze %dma_wait3A_2087 : memref<1x128xi32, #tpu.memory_space<vmem>> -> memref<128xi32, #tpu.memory_space<vmem>>
      %dma_wait3A_2089 = arith.constant 0 : i32
      %dma_wait3A_2090 = arith.constant 0 : i32
      %dma_wait3A_2091 = tpu.memref_slice %arg2[%dma_wait3A_2089, %dma_wait3A_2090] : memref<1048576x128xf32, #tpu.memory_space<hbm>> -> memref<1048576x128xf32, #tpu.memory_space<hbm>>
      tpu.wait_indirect_dma semaphore(%arg14 : memref<!tpu.dma_semaphore, #tpu.memory_space<semaphore_mem>>) src(%dma_wait3A_2091 : memref<1048576x128xf32, #tpu.memory_space<hbm>>) dst(%dma_wait3A_2085 : memref<128x128xf32, #tpu.memory_space<vmem>>)
      %dma_wait3A_2092 = arith.constant 1 : i32
      %dma_wait3A_2093 = arith.constant 128 : i32
      %dma_wait3A_2094 = arith.constant 0 : i32
      %dma_wait3A_2095 = tpu.memref_slice %arg11[%dma_wait3A_2093, %dma_wait3A_2094] : memref<256x128xf32, #tpu.memory_space<vmem>> -> memref<128x128xf32, #tpu.memory_space<vmem>>
      %dma_wait3A_2096 = arith.constant 0 : i32
      %dma_wait3A_2097 = tpu.memref_slice %arg8[%dma_wait3A_2092, %dma_wait3A_2096] : memref<2x128xi32, #tpu.memory_space<vmem>> -> memref<1x128xi32, #tpu.memory_space<vmem>>
      %dma_wait3A_2098 = tpu.memref_squeeze %dma_wait3A_2097 : memref<1x128xi32, #tpu.memory_space<vmem>> -> memref<128xi32, #tpu.memory_space<vmem>>
      %dma_wait3A_2099 = arith.constant 0 : i32
      %dma_wait3A_2100 = arith.constant 0 : i32
      %dma_wait3A_2101 = tpu.memref_slice %arg2[%dma_wait3A_2099, %dma_wait3A_2100] : memref<1048576x128xf32, #tpu.memory_space<hbm>> -> memref<1048576x128xf32, #tpu.memory_space<hbm>>
      tpu.wait_indirect_dma semaphore(%arg14 : memref<!tpu.dma_semaphore, #tpu.memory_space<semaphore_mem>>) src(%dma_wait3A_2101 : memref<1048576x128xf32, #tpu.memory_space<hbm>>) dst(%dma_wait3A_2095 : memref<128x128xf32, #tpu.memory_space<vmem>>)
      %add3A_2102 = arith.addi %mul3A_2, %add3A_2081 : i32
      %dma_start3A_2103 = arith.constant 0 : i32
      %dma_start3A_2104 = arith.constant 0 : i32
      %dma_start3A_2105 = tpu.memref_slice %arg4[%add3A_2102, %dma_start3A_2103, %dma_start3A_2104] : memref<512x256x128xf32, #tpu.memory_space<hbm>> -> memref<1x256x128xf32, #tpu.memory_space<hbm>>
      %dma_start3A_2106 = tpu.memref_squeeze %dma_start3A_2105 : memref<1x256x128xf32, #tpu.memory_space<hbm>> -> memref<256x128xf32, #tpu.memory_space<hbm>>
      %dma_start3A_2107 = arith.constant 0 : i32
      %dma_start3A_2108 = arith.constant 0 : i32
      %dma_start3A_2109 = tpu.memref_slice %arg4[%add3A_2102, %dma_start3A_2107, %dma_start3A_2108] : memref<512x256x128xf32, #tpu.memory_space<hbm>> -> memref<1x256x128xf32, #tpu.memory_space<hbm>>
      %dma_start3A_2110 = tpu.memref_squeeze %dma_start3A_2109 : memref<1x256x128xf32, #tpu.memory_space<hbm>> -> memref<256x128xf32, #tpu.memory_space<hbm>>
      tpu.enqueue_dma source(%arg11 : memref<256x128xf32, #tpu.memory_space<vmem>>) target(%dma_start3A_2110 : memref<256x128xf32, #tpu.memory_space<hbm>>) target_semaphore(%arg17 : memref<!tpu.dma_semaphore, #tpu.memory_space<semaphore_mem>>)
      %add3A_2111 = arith.constant 2 : i32
      %add3A_2112 = arith.addi %add3A_2081, %add3A_2111 : i32
      %mul3A_2113 = arith.constant 256 : i32
      %mul3A_2114 = arith.muli %add3A_2112, %mul3A_2113 : i32
      %add3A_2115 = arith.addi %mul3A_4, %mul3A_2114 : i32
      %add3A_2116 = arith.constant 0 : i32
      %add3A_2117 = arith.addi %add3A_2115, %add3A_2116 : i32
      %div3A_2118 = arith.constant 256 : i32
      %div3A_2119 = arith.divsi %add3A_2117, %div3A_2118 : i32
      %rem3A_2120 = arith.constant 256 : i32
      %rem3A_2121 = arith.remsi %add3A_2117, %rem3A_2120 : i32
      %add3A_2122 = arith.constant 0 : i32
      %add3A_2123 = arith.addi %rem3A_2121, %add3A_2122 : i32
      %add3A_2124 = vector.broadcast %add3A_2123 : i32 to vector<16xi32>
      %add3A_2125 = arith.addi %add3A_2124, %iota3A : vector<16xi32>
      %add3A_2126 = arith.constant 0 : i32
      %add3A_2127 = arith.addi %rem3A_2121, %add3A_2126 : i32
      %get3A_2128 = arith.index_cast %add3A_2127 : i32 to index
      %get3A_2129 = tpu.vector_load %arg5[%get3A_2128] {strides = array<i32>} : memref<256xi32, #tpu.memory_space<vmem>>, vector<16xi32>,
      %get3A_2130 = vector.shape_cast %get3A_2129 : vector<16xi32> to vector<16xi32>
      %mul3A_2131 = arith.constant 4096 : i32
      %mul3A_2132 = vector.broadcast %mul3A_2131 : i32 to vector<16xi32>
      %mul3A_2133 = arith.muli %add3A_2125, %mul3A_2132 : vector<16xi32>
      %add3A_2134 = arith.addi %mul3A_2133, %get3A_2130 : vector<16xi32>
      %add3A_2135 = vector.broadcast %div3A_2119 : i32 to vector<16xi32>
      %add3A_2136 = arith.addi %add3A_2134, %add3A_2135 : vector<16xi32>
      %swap3A_2137 = arith.constant 0 : i32
      %swap3A_2138 = arith.index_cast %swap3A_2137 : i32 to index
      %swap3A_2139 = arith.constant 0 : index
      %swap3A_2140 = tpu.vector_load %arg7[%swap3A_2138, %swap3A_2139] {strides = array<i32>} : memref<2x128xi32, #tpu.memory_space<vmem>>, vector<1x16xi32>,
      %swap3A_2141 = vector.shape_cast %swap3A_2140 : vector<1x16xi32> to vector<16xi32>
      %swap3A_2142 = vector.shape_cast %add3A_2136 : vector<16xi32> to vector<1x16xi32>
      tpu.vector_store %arg7[%swap3A_2138, %swap3A_2139], %swap3A_2142 {strides = array<i32>} : memref<2x128xi32, #tpu.memory_space<vmem>>, vector<1x16xi32>,
      %add3A_2143 = arith.constant 16 : i32
      %add3A_2144 = arith.addi %rem3A_2121, %add3A_2143 : i32
      %add3A_2145 = vector.broadcast %add3A_2144 : i32 to vector<16xi32>
      %add3A_2146 = arith.addi %add3A_2145, %iota3A : vector<16xi32>
      %add3A_2147 = arith.constant 16 : i32
      %add3A_2148 = arith.addi %rem3A_2121, %add3A_2147 : i32
      %get3A_2149 = arith.index_cast %add3A_2148 : i32 to index
      %get3A_2150 = tpu.vector_load %arg5[%get3A_2149] {strides = array<i32>} : memref<256xi32, #tpu.memory_space<vmem>>, vector<16xi32>,
      %get3A_2151 = vector.shape_cast %get3A_2150 : vector<16xi32> to vector<16xi32>
      %mul3A_2152 = arith.constant 4096 : i32
      %mul3A_2153 = vector.broadcast %mul3A_2152 : i32 to vector<16xi32>
      %mul3A_2154 = arith.muli %add3A_2146, %mul3A_2153 : vector<16xi32>
      %add3A_2155 = arith.addi %mul3A_2154, %get3A_2151 : vector<16xi32>
      %add3A_2156 = vector.broadcast %div3A_2119 : i32 to vector<16xi32>
      %add3A_2157 = arith.addi %add3A_2155, %add3A_2156 : vector<16xi32>
      %swap3A_2158 = arith.constant 0 : i32
      %swap3A_2159 = arith.index_cast %swap3A_2158 : i32 to index
      %swap3A_2160 = arith.constant 16 : index
      %swap3A_2161 = tpu.vector_load %arg7[%swap3A_2159, %swap3A_2160] {strides = array<i32>} : memref<2x128xi32, #tpu.memory_space<vmem>>, vector<1x16xi32>,
      %swap3A_2162 = vector.shape_cast %swap3A_2161 : vector<1x16xi32> to vector<16xi32>
      %swap3A_2163 = vector.shape_cast %add3A_2157 : vector<16xi32> to vector<1x16xi32>
      tpu.vector_store %arg7[%swap3A_2159, %swap3A_2160], %swap3A_2163 {strides = array<i32>} : memref<2x128xi32, #tpu.memory_space<vmem>>, vector<1x16xi32>,
      %add3A_2164 = arith.constant 32 : i32
      %add3A_2165 = arith.addi %rem3A_2121, %add3A_2164 : i32
      %add3A_2166 = vector.broadcast %add3A_2165 : i32 to vector<16xi32>
      %add3A_2167 = arith.addi %add3A_2166, %iota3A : vector<16xi32>
      %add3A_2168 = arith.constant 32 : i32
      %add3A_2169 = arith.addi %rem3A_2121, %add3A_2168 : i32
      %get3A_2170 = arith.index_cast %add3A_2169 : i32 to index
      %get3A_2171 = tpu.vector_load %arg5[%get3A_2170] {strides = array<i32>} : memref<256xi32, #tpu.memory_space<vmem>>, vector<16xi32>,
      %get3A_2172 = vector.shape_cast %get3A_2171 : vector<16xi32> to vector<16xi32>
      %mul3A_2173 = arith.constant 4096 : i32
      %mul3A_2174 = vector.broadcast %mul3A_2173 : i32 to vector<16xi32>
      %mul3A_2175 = arith.muli %add3A_2167, %mul3A_2174 : vector<16xi32>
      %add3A_2176 = arith.addi %mul3A_2175, %get3A_2172 : vector<16xi32>
      %add3A_2177 = vector.broadcast %div3A_2119 : i32 to vector<16xi32>
      %add3A_2178 = arith.addi %add3A_2176, %add3A_2177 : vector<16xi32>
      %swap3A_2179 = arith.constant 0 : i32
      %swap3A_2180 = arith.index_cast %swap3A_2179 : i32 to index
      %swap3A_2181 = arith.constant 32 : index
      %swap3A_2182 = tpu.vector_load %arg7[%swap3A_2180, %swap3A_2181] {strides = array<i32>} : memref<2x128xi32, #tpu.memory_space<vmem>>, vector<1x16xi32>,
      %swap3A_2183 = vector.shape_cast %swap3A_2182 : vector<1x16xi32> to vector<16xi32>
      %swap3A_2184 = vector.shape_cast %add3A_2178 : vector<16xi32> to vector<1x16xi32>
      tpu.vector_store %arg7[%swap3A_2180, %swap3A_2181], %swap3A_2184 {strides = array<i32>} : memref<2x128xi32, #tpu.memory_space<vmem>>, vector<1x16xi32>,
      %add3A_2185 = arith.constant 48 : i32
      %add3A_2186 = arith.addi %rem3A_2121, %add3A_2185 : i32
      %add3A_2187 = vector.broadcast %add3A_2186 : i32 to vector<16xi32>
      %add3A_2188 = arith.addi %add3A_2187, %iota3A : vector<16xi32>
      %add3A_2189 = arith.constant 48 : i32
      %add3A_2190 = arith.addi %rem3A_2121, %add3A_2189 : i32
      %get3A_2191 = arith.index_cast %add3A_2190 : i32 to index
      %get3A_2192 = tpu.vector_load %arg5[%get3A_2191] {strides = array<i32>} : memref<256xi32, #tpu.memory_space<vmem>>, vector<16xi32>,
      %get3A_2193 = vector.shape_cast %get3A_2192 : vector<16xi32> to vector<16xi32>
      %mul3A_2194 = arith.constant 4096 : i32
      %mul3A_2195 = vector.broadcast %mul3A_2194 : i32 to vector<16xi32>
      %mul3A_2196 = arith.muli %add3A_2188, %mul3A_2195 : vector<16xi32>
      %add3A_2197 = arith.addi %mul3A_2196, %get3A_2193 : vector<16xi32>
      %add3A_2198 = vector.broadcast %div3A_2119 : i32 to vector<16xi32>
      %add3A_2199 = arith.addi %add3A_2197, %add3A_2198 : vector<16xi32>
      %swap3A_2200 = arith.constant 0 : i32
      %swap3A_2201 = arith.index_cast %swap3A_2200 : i32 to index
      %swap3A_2202 = arith.constant 48 : index
      %swap3A_2203 = tpu.vector_load %arg7[%swap3A_2201, %swap3A_2202] {strides = array<i32>} : memref<2x128xi32, #tpu.memory_space<vmem>>, vector<1x16xi32>,
      %swap3A_2204 = vector.shape_cast %swap3A_2203 : vector<1x16xi32> to vector<16xi32>
      %swap3A_2205 = vector.shape_cast %add3A_2199 : vector<16xi32> to vector<1x16xi32>
      tpu.vector_store %arg7[%swap3A_2201, %swap3A_2202], %swap3A_2205 {strides = array<i32>} : memref<2x128xi32, #tpu.memory_space<vmem>>, vector<1x16xi32>,
      %add3A_2206 = arith.constant 64 : i32
      %add3A_2207 = arith.addi %rem3A_2121, %add3A_2206 : i32
      %add3A_2208 = vector.broadcast %add3A_2207 : i32 to vector<16xi32>
      %add3A_2209 = arith.addi %add3A_2208, %iota3A : vector<16xi32>
      %add3A_2210 = arith.constant 64 : i32
      %add3A_2211 = arith.addi %rem3A_2121, %add3A_2210 : i32
      %get3A_2212 = arith.index_cast %add3A_2211 : i32 to index
      %get3A_2213 = tpu.vector_load %arg5[%get3A_2212] {strides = array<i32>} : memref<256xi32, #tpu.memory_space<vmem>>, vector<16xi32>,
      %get3A_2214 = vector.shape_cast %get3A_2213 : vector<16xi32> to vector<16xi32>
      %mul3A_2215 = arith.constant 4096 : i32
      %mul3A_2216 = vector.broadcast %mul3A_2215 : i32 to vector<16xi32>
      %mul3A_2217 = arith.muli %add3A_2209, %mul3A_2216 : vector<16xi32>
      %add3A_2218 = arith.addi %mul3A_2217, %get3A_2214 : vector<16xi32>
      %add3A_2219 = vector.broadcast %div3A_2119 : i32 to vector<16xi32>
      %add3A_2220 = arith.addi %add3A_2218, %add3A_2219 : vector<16xi32>
      %swap3A_2221 = arith.constant 0 : i32
      %swap3A_2222 = arith.index_cast %swap3A_2221 : i32 to index
      %swap3A_2223 = arith.constant 64 : index
      %swap3A_2224 = tpu.vector_load %arg7[%swap3A_2222, %swap3A_2223] {strides = array<i32>} : memref<2x128xi32, #tpu.memory_space<vmem>>, vector<1x16xi32>,
      %swap3A_2225 = vector.shape_cast %swap3A_2224 : vector<1x16xi32> to vector<16xi32>
      %swap3A_2226 = vector.shape_cast %add3A_2220 : vector<16xi32> to vector<1x16xi32>
      tpu.vector_store %arg7[%swap3A_2222, %swap3A_2223], %swap3A_2226 {strides = array<i32>} : memref<2x128xi32, #tpu.memory_space<vmem>>, vector<1x16xi32>,
      %add3A_2227 = arith.constant 80 : i32
      %add3A_2228 = arith.addi %rem3A_2121, %add3A_2227 : i32
      %add3A_2229 = vector.broadcast %add3A_2228 : i32 to vector<16xi32>
      %add3A_2230 = arith.addi %add3A_2229, %iota3A : vector<16xi32>
      %add3A_2231 = arith.constant 80 : i32
      %add3A_2232 = arith.addi %rem3A_2121, %add3A_2231 : i32
      %get3A_2233 = arith.index_cast %add3A_2232 : i32 to index
      %get3A_2234 = tpu.vector_load %arg5[%get3A_2233] {strides = array<i32>} : memref<256xi32, #tpu.memory_space<vmem>>, vector<16xi32>,
      %get3A_2235 = vector.shape_cast %get3A_2234 : vector<16xi32> to vector<16xi32>
      %mul3A_2236 = arith.constant 4096 : i32
      %mul3A_2237 = vector.broadcast %mul3A_2236 : i32 to vector<16xi32>
      %mul3A_2238 = arith.muli %add3A_2230, %mul3A_2237 : vector<16xi32>
      %add3A_2239 = arith.addi %mul3A_2238, %get3A_2235 : vector<16xi32>
      %add3A_2240 = vector.broadcast %div3A_2119 : i32 to vector<16xi32>
      %add3A_2241 = arith.addi %add3A_2239, %add3A_2240 : vector<16xi32>
      %swap3A_2242 = arith.constant 0 : i32
      %swap3A_2243 = arith.index_cast %swap3A_2242 : i32 to index
      %swap3A_2244 = arith.constant 80 : index
      %swap3A_2245 = tpu.vector_load %arg7[%swap3A_2243, %swap3A_2244] {strides = array<i32>} : memref<2x128xi32, #tpu.memory_space<vmem>>, vector<1x16xi32>,
      %swap3A_2246 = vector.shape_cast %swap3A_2245 : vector<1x16xi32> to vector<16xi32>
      %swap3A_2247 = vector.shape_cast %add3A_2241 : vector<16xi32> to vector<1x16xi32>
      tpu.vector_store %arg7[%swap3A_2243, %swap3A_2244], %swap3A_2247 {strides = array<i32>} : memref<2x128xi32, #tpu.memory_space<vmem>>, vector<1x16xi32>,
      %add3A_2248 = arith.constant 96 : i32
      %add3A_2249 = arith.addi %rem3A_2121, %add3A_2248 : i32
      %add3A_2250 = vector.broadcast %add3A_2249 : i32 to vector<16xi32>
      %add3A_2251 = arith.addi %add3A_2250, %iota3A : vector<16xi32>
      %add3A_2252 = arith.constant 96 : i32
      %add3A_2253 = arith.addi %rem3A_2121, %add3A_2252 : i32
      %get3A_2254 = arith.index_cast %add3A_2253 : i32 to index
      %get3A_2255 = tpu.vector_load %arg5[%get3A_2254] {strides = array<i32>} : memref<256xi32, #tpu.memory_space<vmem>>, vector<16xi32>,
      %get3A_2256 = vector.shape_cast %get3A_2255 : vector<16xi32> to vector<16xi32>
      %mul3A_2257 = arith.constant 4096 : i32
      %mul3A_2258 = vector.broadcast %mul3A_2257 : i32 to vector<16xi32>
      %mul3A_2259 = arith.muli %add3A_2251, %mul3A_2258 : vector<16xi32>
      %add3A_2260 = arith.addi %mul3A_2259, %get3A_2256 : vector<16xi32>
      %add3A_2261 = vector.broadcast %div3A_2119 : i32 to vector<16xi32>
      %add3A_2262 = arith.addi %add3A_2260, %add3A_2261 : vector<16xi32>
      %swap3A_2263 = arith.constant 0 : i32
      %swap3A_2264 = arith.index_cast %swap3A_2263 : i32 to index
      %swap3A_2265 = arith.constant 96 : index
      %swap3A_2266 = tpu.vector_load %arg7[%swap3A_2264, %swap3A_2265] {strides = array<i32>} : memref<2x128xi32, #tpu.memory_space<vmem>>, vector<1x16xi32>,
      %swap3A_2267 = vector.shape_cast %swap3A_2266 : vector<1x16xi32> to vector<16xi32>
      %swap3A_2268 = vector.shape_cast %add3A_2262 : vector<16xi32> to vector<1x16xi32>
      tpu.vector_store %arg7[%swap3A_2264, %swap3A_2265], %swap3A_2268 {strides = array<i32>} : memref<2x128xi32, #tpu.memory_space<vmem>>, vector<1x16xi32>,
      %add3A_2269 = arith.constant 112 : i32
      %add3A_2270 = arith.addi %rem3A_2121, %add3A_2269 : i32
      %add3A_2271 = vector.broadcast %add3A_2270 : i32 to vector<16xi32>
      %add3A_2272 = arith.addi %add3A_2271, %iota3A : vector<16xi32>
      %add3A_2273 = arith.constant 112 : i32
      %add3A_2274 = arith.addi %rem3A_2121, %add3A_2273 : i32
      %get3A_2275 = arith.index_cast %add3A_2274 : i32 to index
      %get3A_2276 = tpu.vector_load %arg5[%get3A_2275] {strides = array<i32>} : memref<256xi32, #tpu.memory_space<vmem>>, vector<16xi32>,
      %get3A_2277 = vector.shape_cast %get3A_2276 : vector<16xi32> to vector<16xi32>
      %mul3A_2278 = arith.constant 4096 : i32
      %mul3A_2279 = vector.broadcast %mul3A_2278 : i32 to vector<16xi32>
      %mul3A_2280 = arith.muli %add3A_2272, %mul3A_2279 : vector<16xi32>
      %add3A_2281 = arith.addi %mul3A_2280, %get3A_2277 : vector<16xi32>
      %add3A_2282 = vector.broadcast %div3A_2119 : i32 to vector<16xi32>
      %add3A_2283 = arith.addi %add3A_2281, %add3A_2282 : vector<16xi32>
      %swap3A_2284 = arith.constant 0 : i32
      %swap3A_2285 = arith.index_cast %swap3A_2284 : i32 to index
      %swap3A_2286 = arith.constant 112 : index
      %swap3A_2287 = tpu.vector_load %arg7[%swap3A_2285, %swap3A_2286] {strides = array<i32>} : memref<2x128xi32, #tpu.memory_space<vmem>>, vector<1x16xi32>,
      %swap3A_2288 = vector.shape_cast %swap3A_2287 : vector<1x16xi32> to vector<16xi32>
      %swap3A_2289 = vector.shape_cast %add3A_2283 : vector<16xi32> to vector<1x16xi32>
      tpu.vector_store %arg7[%swap3A_2285, %swap3A_2286], %swap3A_2289 {strides = array<i32>} : memref<2x128xi32, #tpu.memory_space<vmem>>, vector<1x16xi32>,
      %add3A_2290 = arith.constant 2 : i32
      %add3A_2291 = arith.addi %add3A_2081, %add3A_2290 : i32
      %mul3A_2292 = arith.constant 256 : i32
      %mul3A_2293 = arith.muli %add3A_2291, %mul3A_2292 : i32
      %add3A_2294 = arith.addi %mul3A_4, %mul3A_2293 : i32
      %add3A_2295 = arith.constant 128 : i32
      %add3A_2296 = arith.addi %add3A_2294, %add3A_2295 : i32
      %div3A_2297 = arith.constant 256 : i32
      %div3A_2298 = arith.divsi %add3A_2296, %div3A_2297 : i32
      %rem3A_2299 = arith.constant 256 : i32
      %rem3A_2300 = arith.remsi %add3A_2296, %rem3A_2299 : i32
      %add3A_2301 = arith.constant 0 : i32
      %add3A_2302 = arith.addi %rem3A_2300, %add3A_2301 : i32
      %add3A_2303 = vector.broadcast %add3A_2302 : i32 to vector<16xi32>
      %add3A_2304 = arith.addi %add3A_2303, %iota3A : vector<16xi32>
      %add3A_2305 = arith.constant 0 : i32
      %add3A_2306 = arith.addi %rem3A_2300, %add3A_2305 : i32
      %get3A_2307 = arith.index_cast %add3A_2306 : i32 to index
      %get3A_2308 = tpu.vector_load %arg5[%get3A_2307] {strides = array<i32>} : memref<256xi32, #tpu.memory_space<vmem>>, vector<16xi32>,
      %get3A_2309 = vector.shape_cast %get3A_2308 : vector<16xi32> to vector<16xi32>
      %mul3A_2310 = arith.constant 4096 : i32
      %mul3A_2311 = vector.broadcast %mul3A_2310 : i32 to vector<16xi32>
      %mul3A_2312 = arith.muli %add3A_2304, %mul3A_2311 : vector<16xi32>
      %add3A_2313 = arith.addi %mul3A_2312, %get3A_2309 : vector<16xi32>
      %add3A_2314 = vector.broadcast %div3A_2298 : i32 to vector<16xi32>
      %add3A_2315 = arith.addi %add3A_2313, %add3A_2314 : vector<16xi32>
      %swap3A_2316 = arith.constant 1 : i32
      %swap3A_2317 = arith.index_cast %swap3A_2316 : i32 to index
      %swap3A_2318 = arith.constant 0 : index
      %swap3A_2319 = tpu.vector_load %arg7[%swap3A_2317, %swap3A_2318] {strides = array<i32>} : memref<2x128xi32, #tpu.memory_space<vmem>>, vector<1x16xi32>,
      %swap3A_2320 = vector.shape_cast %swap3A_2319 : vector<1x16xi32> to vector<16xi32>
      %swap3A_2321 = vector.shape_cast %add3A_2315 : vector<16xi32> to vector<1x16xi32>
      tpu.vector_store %arg7[%swap3A_2317, %swap3A_2318], %swap3A_2321 {strides = array<i32>} : memref<2x128xi32, #tpu.memory_space<vmem>>, vector<1x16xi32>,
      %add3A_2322 = arith.constant 16 : i32
      %add3A_2323 = arith.addi %rem3A_2300, %add3A_2322 : i32
      %add3A_2324 = vector.broadcast %add3A_2323 : i32 to vector<16xi32>
      %add3A_2325 = arith.addi %add3A_2324, %iota3A : vector<16xi32>
      %add3A_2326 = arith.constant 16 : i32
      %add3A_2327 = arith.addi %rem3A_2300, %add3A_2326 : i32
      %get3A_2328 = arith.index_cast %add3A_2327 : i32 to index
      %get3A_2329 = tpu.vector_load %arg5[%get3A_2328] {strides = array<i32>} : memref<256xi32, #tpu.memory_space<vmem>>, vector<16xi32>,
      %get3A_2330 = vector.shape_cast %get3A_2329 : vector<16xi32> to vector<16xi32>
      %mul3A_2331 = arith.constant 4096 : i32
      %mul3A_2332 = vector.broadcast %mul3A_2331 : i32 to vector<16xi32>
      %mul3A_2333 = arith.muli %add3A_2325, %mul3A_2332 : vector<16xi32>
      %add3A_2334 = arith.addi %mul3A_2333, %get3A_2330 : vector<16xi32>
      %add3A_2335 = vector.broadcast %div3A_2298 : i32 to vector<16xi32>
      %add3A_2336 = arith.addi %add3A_2334, %add3A_2335 : vector<16xi32>
      %swap3A_2337 = arith.constant 1 : i32
      %swap3A_2338 = arith.index_cast %swap3A_2337 : i32 to index
      %swap3A_2339 = arith.constant 16 : index
      %swap3A_2340 = tpu.vector_load %arg7[%swap3A_2338, %swap3A_2339] {strides = array<i32>} : memref<2x128xi32, #tpu.memory_space<vmem>>, vector<1x16xi32>,
      %swap3A_2341 = vector.shape_cast %swap3A_2340 : vector<1x16xi32> to vector<16xi32>
      %swap3A_2342 = vector.shape_cast %add3A_2336 : vector<16xi32> to vector<1x16xi32>
      tpu.vector_store %arg7[%swap3A_2338, %swap3A_2339], %swap3A_2342 {strides = array<i32>} : memref<2x128xi32, #tpu.memory_space<vmem>>, vector<1x16xi32>,
      %add3A_2343 = arith.constant 32 : i32
      %add3A_2344 = arith.addi %rem3A_2300, %add3A_2343 : i32
      %add3A_2345 = vector.broadcast %add3A_2344 : i32 to vector<16xi32>
      %add3A_2346 = arith.addi %add3A_2345, %iota3A : vector<16xi32>
      %add3A_2347 = arith.constant 32 : i32
      %add3A_2348 = arith.addi %rem3A_2300, %add3A_2347 : i32
      %get3A_2349 = arith.index_cast %add3A_2348 : i32 to index
      %get3A_2350 = tpu.vector_load %arg5[%get3A_2349] {strides = array<i32>} : memref<256xi32, #tpu.memory_space<vmem>>, vector<16xi32>,
      %get3A_2351 = vector.shape_cast %get3A_2350 : vector<16xi32> to vector<16xi32>
      %mul3A_2352 = arith.constant 4096 : i32
      %mul3A_2353 = vector.broadcast %mul3A_2352 : i32 to vector<16xi32>
      %mul3A_2354 = arith.muli %add3A_2346, %mul3A_2353 : vector<16xi32>
      %add3A_2355 = arith.addi %mul3A_2354, %get3A_2351 : vector<16xi32>
      %add3A_2356 = vector.broadcast %div3A_2298 : i32 to vector<16xi32>
      %add3A_2357 = arith.addi %add3A_2355, %add3A_2356 : vector<16xi32>
      %swap3A_2358 = arith.constant 1 : i32
      %swap3A_2359 = arith.index_cast %swap3A_2358 : i32 to index
      %swap3A_2360 = arith.constant 32 : index
      %swap3A_2361 = tpu.vector_load %arg7[%swap3A_2359, %swap3A_2360] {strides = array<i32>} : memref<2x128xi32, #tpu.memory_space<vmem>>, vector<1x16xi32>,
      %swap3A_2362 = vector.shape_cast %swap3A_2361 : vector<1x16xi32> to vector<16xi32>
      %swap3A_2363 = vector.shape_cast %add3A_2357 : vector<16xi32> to vector<1x16xi32>
      tpu.vector_store %arg7[%swap3A_2359, %swap3A_2360], %swap3A_2363 {strides = array<i32>} : memref<2x128xi32, #tpu.memory_space<vmem>>, vector<1x16xi32>,
      %add3A_2364 = arith.constant 48 : i32
      %add3A_2365 = arith.addi %rem3A_2300, %add3A_2364 : i32
      %add3A_2366 = vector.broadcast %add3A_2365 : i32 to vector<16xi32>
      %add3A_2367 = arith.addi %add3A_2366, %iota3A : vector<16xi32>
      %add3A_2368 = arith.constant 48 : i32
      %add3A_2369 = arith.addi %rem3A_2300, %add3A_2368 : i32
      %get3A_2370 = arith.index_cast %add3A_2369 : i32 to index
      %get3A_2371 = tpu.vector_load %arg5[%get3A_2370] {strides = array<i32>} : memref<256xi32, #tpu.memory_space<vmem>>, vector<16xi32>,
      %get3A_2372 = vector.shape_cast %get3A_2371 : vector<16xi32> to vector<16xi32>
      %mul3A_2373 = arith.constant 4096 : i32
      %mul3A_2374 = vector.broadcast %mul3A_2373 : i32 to vector<16xi32>
      %mul3A_2375 = arith.muli %add3A_2367, %mul3A_2374 : vector<16xi32>
      %add3A_2376 = arith.addi %mul3A_2375, %get3A_2372 : vector<16xi32>
      %add3A_2377 = vector.broadcast %div3A_2298 : i32 to vector<16xi32>
      %add3A_2378 = arith.addi %add3A_2376, %add3A_2377 : vector<16xi32>
      %swap3A_2379 = arith.constant 1 : i32
      %swap3A_2380 = arith.index_cast %swap3A_2379 : i32 to index
      %swap3A_2381 = arith.constant 48 : index
      %swap3A_2382 = tpu.vector_load %arg7[%swap3A_2380, %swap3A_2381] {strides = array<i32>} : memref<2x128xi32, #tpu.memory_space<vmem>>, vector<1x16xi32>,
      %swap3A_2383 = vector.shape_cast %swap3A_2382 : vector<1x16xi32> to vector<16xi32>
      %swap3A_2384 = vector.shape_cast %add3A_2378 : vector<16xi32> to vector<1x16xi32>
      tpu.vector_store %arg7[%swap3A_2380, %swap3A_2381], %swap3A_2384 {strides = array<i32>} : memref<2x128xi32, #tpu.memory_space<vmem>>, vector<1x16xi32>,
      %add3A_2385 = arith.constant 64 : i32
      %add3A_2386 = arith.addi %rem3A_2300, %add3A_2385 : i32
      %add3A_2387 = vector.broadcast %add3A_2386 : i32 to vector<16xi32>
      %add3A_2388 = arith.addi %add3A_2387, %iota3A : vector<16xi32>
      %add3A_2389 = arith.constant 64 : i32
      %add3A_2390 = arith.addi %rem3A_2300, %add3A_2389 : i32
      %get3A_2391 = arith.index_cast %add3A_2390 : i32 to index
      %get3A_2392 = tpu.vector_load %arg5[%get3A_2391] {strides = array<i32>} : memref<256xi32, #tpu.memory_space<vmem>>, vector<16xi32>,
      %get3A_2393 = vector.shape_cast %get3A_2392 : vector<16xi32> to vector<16xi32>
      %mul3A_2394 = arith.constant 4096 : i32
      %mul3A_2395 = vector.broadcast %mul3A_2394 : i32 to vector<16xi32>
      %mul3A_2396 = arith.muli %add3A_2388, %mul3A_2395 : vector<16xi32>
      %add3A_2397 = arith.addi %mul3A_2396, %get3A_2393 : vector<16xi32>
      %add3A_2398 = vector.broadcast %div3A_2298 : i32 to vector<16xi32>
      %add3A_2399 = arith.addi %add3A_2397, %add3A_2398 : vector<16xi32>
      %swap3A_2400 = arith.constant 1 : i32
      %swap3A_2401 = arith.index_cast %swap3A_2400 : i32 to index
      %swap3A_2402 = arith.constant 64 : index
      %swap3A_2403 = tpu.vector_load %arg7[%swap3A_2401, %swap3A_2402] {strides = array<i32>} : memref<2x128xi32, #tpu.memory_space<vmem>>, vector<1x16xi32>,
      %swap3A_2404 = vector.shape_cast %swap3A_2403 : vector<1x16xi32> to vector<16xi32>
      %swap3A_2405 = vector.shape_cast %add3A_2399 : vector<16xi32> to vector<1x16xi32>
      tpu.vector_store %arg7[%swap3A_2401, %swap3A_2402], %swap3A_2405 {strides = array<i32>} : memref<2x128xi32, #tpu.memory_space<vmem>>, vector<1x16xi32>,
      %add3A_2406 = arith.constant 80 : i32
      %add3A_2407 = arith.addi %rem3A_2300, %add3A_2406 : i32
      %add3A_2408 = vector.broadcast %add3A_2407 : i32 to vector<16xi32>
      %add3A_2409 = arith.addi %add3A_2408, %iota3A : vector<16xi32>
      %add3A_2410 = arith.constant 80 : i32
      %add3A_2411 = arith.addi %rem3A_2300, %add3A_2410 : i32
      %get3A_2412 = arith.index_cast %add3A_2411 : i32 to index
      %get3A_2413 = tpu.vector_load %arg5[%get3A_2412] {strides = array<i32>} : memref<256xi32, #tpu.memory_space<vmem>>, vector<16xi32>,
      %get3A_2414 = vector.shape_cast %get3A_2413 : vector<16xi32> to vector<16xi32>
      %mul3A_2415 = arith.constant 4096 : i32
      %mul3A_2416 = vector.broadcast %mul3A_2415 : i32 to vector<16xi32>
      %mul3A_2417 = arith.muli %add3A_2409, %mul3A_2416 : vector<16xi32>
      %add3A_2418 = arith.addi %mul3A_2417, %get3A_2414 : vector<16xi32>
      %add3A_2419 = vector.broadcast %div3A_2298 : i32 to vector<16xi32>
      %add3A_2420 = arith.addi %add3A_2418, %add3A_2419 : vector<16xi32>
      %swap3A_2421 = arith.constant 1 : i32
      %swap3A_2422 = arith.index_cast %swap3A_2421 : i32 to index
      %swap3A_2423 = arith.constant 80 : index
      %swap3A_2424 = tpu.vector_load %arg7[%swap3A_2422, %swap3A_2423] {strides = array<i32>} : memref<2x128xi32, #tpu.memory_space<vmem>>, vector<1x16xi32>,
      %swap3A_2425 = vector.shape_cast %swap3A_2424 : vector<1x16xi32> to vector<16xi32>
      %swap3A_2426 = vector.shape_cast %add3A_2420 : vector<16xi32> to vector<1x16xi32>
      tpu.vector_store %arg7[%swap3A_2422, %swap3A_2423], %swap3A_2426 {strides = array<i32>} : memref<2x128xi32, #tpu.memory_space<vmem>>, vector<1x16xi32>,
      %add3A_2427 = arith.constant 96 : i32
      %add3A_2428 = arith.addi %rem3A_2300, %add3A_2427 : i32
      %add3A_2429 = vector.broadcast %add3A_2428 : i32 to vector<16xi32>
      %add3A_2430 = arith.addi %add3A_2429, %iota3A : vector<16xi32>
      %add3A_2431 = arith.constant 96 : i32
      %add3A_2432 = arith.addi %rem3A_2300, %add3A_2431 : i32
      %get3A_2433 = arith.index_cast %add3A_2432 : i32 to index
      %get3A_2434 = tpu.vector_load %arg5[%get3A_2433] {strides = array<i32>} : memref<256xi32, #tpu.memory_space<vmem>>, vector<16xi32>,
      %get3A_2435 = vector.shape_cast %get3A_2434 : vector<16xi32> to vector<16xi32>
      %mul3A_2436 = arith.constant 4096 : i32
      %mul3A_2437 = vector.broadcast %mul3A_2436 : i32 to vector<16xi32>
      %mul3A_2438 = arith.muli %add3A_2430, %mul3A_2437 : vector<16xi32>
      %add3A_2439 = arith.addi %mul3A_2438, %get3A_2435 : vector<16xi32>
      %add3A_2440 = vector.broadcast %div3A_2298 : i32 to vector<16xi32>
      %add3A_2441 = arith.addi %add3A_2439, %add3A_2440 : vector<16xi32>
      %swap3A_2442 = arith.constant 1 : i32
      %swap3A_2443 = arith.index_cast %swap3A_2442 : i32 to index
      %swap3A_2444 = arith.constant 96 : index
      %swap3A_2445 = tpu.vector_load %arg7[%swap3A_2443, %swap3A_2444] {strides = array<i32>} : memref<2x128xi32, #tpu.memory_space<vmem>>, vector<1x16xi32>,
      %swap3A_2446 = vector.shape_cast %swap3A_2445 : vector<1x16xi32> to vector<16xi32>
      %swap3A_2447 = vector.shape_cast %add3A_2441 : vector<16xi32> to vector<1x16xi32>
      tpu.vector_store %arg7[%swap3A_2443, %swap3A_2444], %swap3A_2447 {strides = array<i32>} : memref<2x128xi32, #tpu.memory_space<vmem>>, vector<1x16xi32>,
      %add3A_2448 = arith.constant 112 : i32
      %add3A_2449 = arith.addi %rem3A_2300, %add3A_2448 : i32
      %add3A_2450 = vector.broadcast %add3A_2449 : i32 to vector<16xi32>
      %add3A_2451 = arith.addi %add3A_2450, %iota3A : vector<16xi32>
      %add3A_2452 = arith.constant 112 : i32
      %add3A_2453 = arith.addi %rem3A_2300, %add3A_2452 : i32
      %get3A_2454 = arith.index_cast %add3A_2453 : i32 to index
      %get3A_2455 = tpu.vector_load %arg5[%get3A_2454] {strides = array<i32>} : memref<256xi32, #tpu.memory_space<vmem>>, vector<16xi32>,
      %get3A_2456 = vector.shape_cast %get3A_2455 : vector<16xi32> to vector<16xi32>
      %mul3A_2457 = arith.constant 4096 : i32
      %mul3A_2458 = vector.broadcast %mul3A_2457 : i32 to vector<16xi32>
      %mul3A_2459 = arith.muli %add3A_2451, %mul3A_2458 : vector<16xi32>
      %add3A_2460 = arith.addi %mul3A_2459, %get3A_2456 : vector<16xi32>
      %add3A_2461 = vector.broadcast %div3A_2298 : i32 to vector<16xi32>
      %add3A_2462 = arith.addi %add3A_2460, %add3A_2461 : vector<16xi32>
      %swap3A_2463 = arith.constant 1 : i32
      %swap3A_2464 = arith.index_cast %swap3A_2463 : i32 to index
      %swap3A_2465 = arith.constant 112 : index
      %swap3A_2466 = tpu.vector_load %arg7[%swap3A_2464, %swap3A_2465] {strides = array<i32>} : memref<2x128xi32, #tpu.memory_space<vmem>>, vector<1x16xi32>,
      %swap3A_2467 = vector.shape_cast %swap3A_2466 : vector<1x16xi32> to vector<16xi32>
      %swap3A_2468 = vector.shape_cast %add3A_2462 : vector<16xi32> to vector<1x16xi32>
      tpu.vector_store %arg7[%swap3A_2464, %swap3A_2465], %swap3A_2468 {strides = array<i32>} : memref<2x128xi32, #tpu.memory_space<vmem>>, vector<1x16xi32>,
      %sub3A_2469 = arith.constant 1 : i32
      %sub3A_2470 = arith.subi %add3A_2081, %sub3A_2469 : i32
      %add3A_2471 = arith.addi %mul3A_2, %sub3A_2470 : i32
      %dma_wait3A_2472 = arith.constant 0 : i32
      %dma_wait3A_2473 = arith.constant 0 : i32
      %dma_wait3A_2474 = tpu.memref_slice %arg4[%add3A_2471, %dma_wait3A_2472, %dma_wait3A_2473] : memref<512x256x128xf32, #tpu.memory_space<hbm>> -> memref<1x256x128xf32, #tpu.memory_space<hbm>>
      %dma_wait3A_2475 = tpu.memref_squeeze %dma_wait3A_2474 : memref<1x256x128xf32, #tpu.memory_space<hbm>> -> memref<256x128xf32, #tpu.memory_space<hbm>>
      %dma_wait3A_2476 = arith.constant 0 : i32
      %dma_wait3A_2477 = arith.constant 0 : i32
      %dma_wait3A_2478 = tpu.memref_slice %arg4[%add3A_2471, %dma_wait3A_2476, %dma_wait3A_2477] : memref<512x256x128xf32, #tpu.memory_space<hbm>> -> memref<1x256x128xf32, #tpu.memory_space<hbm>>
      %dma_wait3A_2479 = tpu.memref_squeeze %dma_wait3A_2478 : memref<1x256x128xf32, #tpu.memory_space<hbm>> -> memref<256x128xf32, #tpu.memory_space<hbm>>
      tpu.wait_dma2 semaphore(%arg16 : memref<!tpu.dma_semaphore, #tpu.memory_space<semaphore_mem>>) src(%arg10 : memref<256x128xf32, #tpu.memory_space<vmem>>) dst(%dma_wait3A_2479 : memref<256x128xf32, #tpu.memory_space<hbm>>)
      %dma_start3A_2480 = arith.constant 0 : i32
      %dma_start3A_2481 = arith.constant 0 : i32
      %dma_start3A_2482 = arith.constant 0 : i32
      %dma_start3A_2483 = tpu.memref_slice %arg10[%dma_start3A_2481, %dma_start3A_2482] : memref<256x128xf32, #tpu.memory_space<vmem>> -> memref<128x128xf32, #tpu.memory_space<vmem>>
      %dma_start3A_2484 = arith.constant 0 : i32
      %dma_start3A_2485 = tpu.memref_slice %arg7[%dma_start3A_2480, %dma_start3A_2484] : memref<2x128xi32, #tpu.memory_space<vmem>> -> memref<1x128xi32, #tpu.memory_space<vmem>>
      %dma_start3A_2486 = tpu.memref_squeeze %dma_start3A_2485 : memref<1x128xi32, #tpu.memory_space<vmem>> -> memref<128xi32, #tpu.memory_space<vmem>>
      %dma_start3A_2487 = arith.constant 0 : i32
      %dma_start3A_2488 = arith.constant 0 : i32
      %dma_start3A_2489 = tpu.memref_slice %arg2[%dma_start3A_2487, %dma_start3A_2488] : memref<1048576x128xf32, #tpu.memory_space<hbm>> -> memref<1048576x128xf32, #tpu.memory_space<hbm>>
      tpu.enqueue_indirect_dma source(%dma_start3A_2489 : memref<1048576x128xf32, #tpu.memory_space<hbm>>) target(%dma_start3A_2483 : memref<128x128xf32, #tpu.memory_space<vmem>>) offsets(%dma_start3A_2486 : memref<128xi32, #tpu.memory_space<vmem>>) semaphore(%arg13 : memref<!tpu.dma_semaphore, #tpu.memory_space<semaphore_mem>>)
      %dma_start3A_2490 = arith.constant 1 : i32
      %dma_start3A_2491 = arith.constant 128 : i32
      %dma_start3A_2492 = arith.constant 0 : i32
      %dma_start3A_2493 = tpu.memref_slice %arg10[%dma_start3A_2491, %dma_start3A_2492] : memref<256x128xf32, #tpu.memory_space<vmem>> -> memref<128x128xf32, #tpu.memory_space<vmem>>
      %dma_start3A_2494 = arith.constant 0 : i32
      %dma_start3A_2495 = tpu.memref_slice %arg7[%dma_start3A_2490, %dma_start3A_2494] : memref<2x128xi32, #tpu.memory_space<vmem>> -> memref<1x128xi32, #tpu.memory_space<vmem>>
      %dma_start3A_2496 = tpu.memref_squeeze %dma_start3A_2495 : memref<1x128xi32, #tpu.memory_space<vmem>> -> memref<128xi32, #tpu.memory_space<vmem>>
      %dma_start3A_2497 = arith.constant 0 : i32
      %dma_start3A_2498 = arith.constant 0 : i32
      %dma_start3A_2499 = tpu.memref_slice %arg2[%dma_start3A_2497, %dma_start3A_2498] : memref<1048576x128xf32, #tpu.memory_space<hbm>> -> memref<1048576x128xf32, #tpu.memory_space<hbm>>
      tpu.enqueue_indirect_dma source(%dma_start3A_2499 : memref<1048576x128xf32, #tpu.memory_space<hbm>>) target(%dma_start3A_2493 : memref<128x128xf32, #tpu.memory_space<vmem>>) offsets(%dma_start3A_2496 : memref<128xi32, #tpu.memory_space<vmem>>) semaphore(%arg13 : memref<!tpu.dma_semaphore, #tpu.memory_space<semaphore_mem>>)
      %mul3A_2500 = arith.constant 3 : i32
      %mul3A_2501 = arith.muli %mul3A_2500, %scan3A_1652 : i32
      %add3A_2502 = arith.constant 1 : i32
      %add3A_2503 = arith.addi %add3A_2502, %mul3A_2501 : i32
      %add3A_2504 = arith.constant 2 : i32
      %add3A_2505 = arith.addi %add3A_2503, %add3A_2504 : i32
      %dma_wait3A_2506 = arith.constant 0 : i32
      %dma_wait3A_2507 = arith.constant 0 : i32
      %dma_wait3A_2508 = arith.constant 0 : i32
      %dma_wait3A_2509 = tpu.memref_slice %arg9[%dma_wait3A_2507, %dma_wait3A_2508] : memref<256x128xf32, #tpu.memory_space<vmem>> -> memref<128x128xf32, #tpu.memory_space<vmem>>
      %dma_wait3A_2510 = arith.constant 0 : i32
      %dma_wait3A_2511 = tpu.memref_slice %arg6[%dma_wait3A_2506, %dma_wait3A_2510] : memref<2x128xi32, #tpu.memory_space<vmem>> -> memref<1x128xi32, #tpu.memory_space<vmem>>
      %dma_wait3A_2512 = tpu.memref_squeeze %dma_wait3A_2511 : memref<1x128xi32, #tpu.memory_space<vmem>> -> memref<128xi32, #tpu.memory_space<vmem>>
      %dma_wait3A_2513 = arith.constant 0 : i32
      %dma_wait3A_2514 = arith.constant 0 : i32
      %dma_wait3A_2515 = tpu.memref_slice %arg2[%dma_wait3A_2513, %dma_wait3A_2514] : memref<1048576x128xf32, #tpu.memory_space<hbm>> -> memref<1048576x128xf32, #tpu.memory_space<hbm>>
      tpu.wait_indirect_dma semaphore(%arg12 : memref<!tpu.dma_semaphore, #tpu.memory_space<semaphore_mem>>) src(%dma_wait3A_2515 : memref<1048576x128xf32, #tpu.memory_space<hbm>>) dst(%dma_wait3A_2509 : memref<128x128xf32, #tpu.memory_space<vmem>>)
      %dma_wait3A_2516 = arith.constant 1 : i32
      %dma_wait3A_2517 = arith.constant 128 : i32
      %dma_wait3A_2518 = arith.constant 0 : i32
      %dma_wait3A_2519 = tpu.memref_slice %arg9[%dma_wait3A_2517, %dma_wait3A_2518] : memref<256x128xf32, #tpu.memory_space<vmem>> -> memref<128x128xf32, #tpu.memory_space<vmem>>
      %dma_wait3A_2520 = arith.constant 0 : i32
      %dma_wait3A_2521 = tpu.memref_slice %arg6[%dma_wait3A_2516, %dma_wait3A_2520] : memref<2x128xi32, #tpu.memory_space<vmem>> -> memref<1x128xi32, #tpu.memory_space<vmem>>
      %dma_wait3A_2522 = tpu.memref_squeeze %dma_wait3A_2521 : memref<1x128xi32, #tpu.memory_space<vmem>> -> memref<128xi32, #tpu.memory_space<vmem>>
      %dma_wait3A_2523 = arith.constant 0 : i32
      %dma_wait3A_2524 = arith.constant 0 : i32
      %dma_wait3A_2525 = tpu.memref_slice %arg2[%dma_wait3A_2523, %dma_wait3A_2524] : memref<1048576x128xf32, #tpu.memory_space<hbm>> -> memref<1048576x128xf32, #tpu.memory_space<hbm>>
      tpu.wait_indirect_dma semaphore(%arg12 : memref<!tpu.dma_semaphore, #tpu.memory_space<semaphore_mem>>) src(%dma_wait3A_2525 : memref<1048576x128xf32, #tpu.memory_space<hbm>>) dst(%dma_wait3A_2519 : memref<128x128xf32, #tpu.memory_space<vmem>>)
      %add3A_2526 = arith.addi %mul3A_2, %add3A_2505 : i32
      %dma_start3A_2527 = arith.constant 0 : i32
      %dma_start3A_2528 = arith.constant 0 : i32
      %dma_start3A_2529 = tpu.memref_slice %arg4[%add3A_2526, %dma_start3A_2527, %dma_start3A_2528] : memref<512x256x128xf32, #tpu.memory_space<hbm>> -> memref<1x256x128xf32, #tpu.memory_space<hbm>>
      %dma_start3A_2530 = tpu.memref_squeeze %dma_start3A_2529 : memref<1x256x128xf32, #tpu.memory_space<hbm>> -> memref<256x128xf32, #tpu.memory_space<hbm>>
      %dma_start3A_2531 = arith.constant 0 : i32
      %dma_start3A_2532 = arith.constant 0 : i32
      %dma_start3A_2533 = tpu.memref_slice %arg4[%add3A_2526, %dma_start3A_2531, %dma_start3A_2532] : memref<512x256x128xf32, #tpu.memory_space<hbm>> -> memref<1x256x128xf32, #tpu.memory_space<hbm>>
      %dma_start3A_2534 = tpu.memref_squeeze %dma_start3A_2533 : memref<1x256x128xf32, #tpu.memory_space<hbm>> -> memref<256x128xf32, #tpu.memory_space<hbm>>
      tpu.enqueue_dma source(%arg9 : memref<256x128xf32, #tpu.memory_space<vmem>>) target(%dma_start3A_2534 : memref<256x128xf32, #tpu.memory_space<hbm>>) target_semaphore(%arg15 : memref<!tpu.dma_semaphore, #tpu.memory_space<semaphore_mem>>)
      %add3A_2535 = arith.constant 2 : i32
      %add3A_2536 = arith.addi %add3A_2505, %add3A_2535 : i32
      %mul3A_2537 = arith.constant 256 : i32
      %mul3A_2538 = arith.muli %add3A_2536, %mul3A_2537 : i32
      %add3A_2539 = arith.addi %mul3A_4, %mul3A_2538 : i32
      %add3A_2540 = arith.constant 0 : i32
      %add3A_2541 = arith.addi %add3A_2539, %add3A_2540 : i32
      %div3A_2542 = arith.constant 256 : i32
      %div3A_2543 = arith.divsi %add3A_2541, %div3A_2542 : i32
      %rem3A_2544 = arith.constant 256 : i32
      %rem3A_2545 = arith.remsi %add3A_2541, %rem3A_2544 : i32
      %add3A_2546 = arith.constant 0 : i32
      %add3A_2547 = arith.addi %rem3A_2545, %add3A_2546 : i32
      %add3A_2548 = vector.broadcast %add3A_2547 : i32 to vector<16xi32>
      %add3A_2549 = arith.addi %add3A_2548, %iota3A : vector<16xi32>
      %add3A_2550 = arith.constant 0 : i32
      %add3A_2551 = arith.addi %rem3A_2545, %add3A_2550 : i32
      %get3A_2552 = arith.index_cast %add3A_2551 : i32 to index
      %get3A_2553 = tpu.vector_load %arg5[%get3A_2552] {strides = array<i32>} : memref<256xi32, #tpu.memory_space<vmem>>, vector<16xi32>,
      %get3A_2554 = vector.shape_cast %get3A_2553 : vector<16xi32> to vector<16xi32>
      %mul3A_2555 = arith.constant 4096 : i32
      %mul3A_2556 = vector.broadcast %mul3A_2555 : i32 to vector<16xi32>
      %mul3A_2557 = arith.muli %add3A_2549, %mul3A_2556 : vector<16xi32>
      %add3A_2558 = arith.addi %mul3A_2557, %get3A_2554 : vector<16xi32>
      %add3A_2559 = vector.broadcast %div3A_2543 : i32 to vector<16xi32>
      %add3A_2560 = arith.addi %add3A_2558, %add3A_2559 : vector<16xi32>
      %swap3A_2561 = arith.constant 0 : i32
      %swap3A_2562 = arith.index_cast %swap3A_2561 : i32 to index
      %swap3A_2563 = arith.constant 0 : index
      %swap3A_2564 = tpu.vector_load %arg8[%swap3A_2562, %swap3A_2563] {strides = array<i32>} : memref<2x128xi32, #tpu.memory_space<vmem>>, vector<1x16xi32>,
      %swap3A_2565 = vector.shape_cast %swap3A_2564 : vector<1x16xi32> to vector<16xi32>
      %swap3A_2566 = vector.shape_cast %add3A_2560 : vector<16xi32> to vector<1x16xi32>
      tpu.vector_store %arg8[%swap3A_2562, %swap3A_2563], %swap3A_2566 {strides = array<i32>} : memref<2x128xi32, #tpu.memory_space<vmem>>, vector<1x16xi32>,
      %add3A_2567 = arith.constant 16 : i32
      %add3A_2568 = arith.addi %rem3A_2545, %add3A_2567 : i32
      %add3A_2569 = vector.broadcast %add3A_2568 : i32 to vector<16xi32>
      %add3A_2570 = arith.addi %add3A_2569, %iota3A : vector<16xi32>
      %add3A_2571 = arith.constant 16 : i32
      %add3A_2572 = arith.addi %rem3A_2545, %add3A_2571 : i32
      %get3A_2573 = arith.index_cast %add3A_2572 : i32 to index
      %get3A_2574 = tpu.vector_load %arg5[%get3A_2573] {strides = array<i32>} : memref<256xi32, #tpu.memory_space<vmem>>, vector<16xi32>,
      %get3A_2575 = vector.shape_cast %get3A_2574 : vector<16xi32> to vector<16xi32>
      %mul3A_2576 = arith.constant 4096 : i32
      %mul3A_2577 = vector.broadcast %mul3A_2576 : i32 to vector<16xi32>
      %mul3A_2578 = arith.muli %add3A_2570, %mul3A_2577 : vector<16xi32>
      %add3A_2579 = arith.addi %mul3A_2578, %get3A_2575 : vector<16xi32>
      %add3A_2580 = vector.broadcast %div3A_2543 : i32 to vector<16xi32>
      %add3A_2581 = arith.addi %add3A_2579, %add3A_2580 : vector<16xi32>
      %swap3A_2582 = arith.constant 0 : i32
      %swap3A_2583 = arith.index_cast %swap3A_2582 : i32 to index
      %swap3A_2584 = arith.constant 16 : index
      %swap3A_2585 = tpu.vector_load %arg8[%swap3A_2583, %swap3A_2584] {strides = array<i32>} : memref<2x128xi32, #tpu.memory_space<vmem>>, vector<1x16xi32>,
      %swap3A_2586 = vector.shape_cast %swap3A_2585 : vector<1x16xi32> to vector<16xi32>
      %swap3A_2587 = vector.shape_cast %add3A_2581 : vector<16xi32> to vector<1x16xi32>
      tpu.vector_store %arg8[%swap3A_2583, %swap3A_2584], %swap3A_2587 {strides = array<i32>} : memref<2x128xi32, #tpu.memory_space<vmem>>, vector<1x16xi32>,
      %add3A_2588 = arith.constant 32 : i32
      %add3A_2589 = arith.addi %rem3A_2545, %add3A_2588 : i32
      %add3A_2590 = vector.broadcast %add3A_2589 : i32 to vector<16xi32>
      %add3A_2591 = arith.addi %add3A_2590, %iota3A : vector<16xi32>
      %add3A_2592 = arith.constant 32 : i32
      %add3A_2593 = arith.addi %rem3A_2545, %add3A_2592 : i32
      %get3A_2594 = arith.index_cast %add3A_2593 : i32 to index
      %get3A_2595 = tpu.vector_load %arg5[%get3A_2594] {strides = array<i32>} : memref<256xi32, #tpu.memory_space<vmem>>, vector<16xi32>,
      %get3A_2596 = vector.shape_cast %get3A_2595 : vector<16xi32> to vector<16xi32>
      %mul3A_2597 = arith.constant 4096 : i32
      %mul3A_2598 = vector.broadcast %mul3A_2597 : i32 to vector<16xi32>
      %mul3A_2599 = arith.muli %add3A_2591, %mul3A_2598 : vector<16xi32>
      %add3A_2600 = arith.addi %mul3A_2599, %get3A_2596 : vector<16xi32>
      %add3A_2601 = vector.broadcast %div3A_2543 : i32 to vector<16xi32>
      %add3A_2602 = arith.addi %add3A_2600, %add3A_2601 : vector<16xi32>
      %swap3A_2603 = arith.constant 0 : i32
      %swap3A_2604 = arith.index_cast %swap3A_2603 : i32 to index
      %swap3A_2605 = arith.constant 32 : index
      %swap3A_2606 = tpu.vector_load %arg8[%swap3A_2604, %swap3A_2605] {strides = array<i32>} : memref<2x128xi32, #tpu.memory_space<vmem>>, vector<1x16xi32>,
      %swap3A_2607 = vector.shape_cast %swap3A_2606 : vector<1x16xi32> to vector<16xi32>
      %swap3A_2608 = vector.shape_cast %add3A_2602 : vector<16xi32> to vector<1x16xi32>
      tpu.vector_store %arg8[%swap3A_2604, %swap3A_2605], %swap3A_2608 {strides = array<i32>} : memref<2x128xi32, #tpu.memory_space<vmem>>, vector<1x16xi32>,
      %add3A_2609 = arith.constant 48 : i32
      %add3A_2610 = arith.addi %rem3A_2545, %add3A_2609 : i32
      %add3A_2611 = vector.broadcast %add3A_2610 : i32 to vector<16xi32>
      %add3A_2612 = arith.addi %add3A_2611, %iota3A : vector<16xi32>
      %add3A_2613 = arith.constant 48 : i32
      %add3A_2614 = arith.addi %rem3A_2545, %add3A_2613 : i32
      %get3A_2615 = arith.index_cast %add3A_2614 : i32 to index
      %get3A_2616 = tpu.vector_load %arg5[%get3A_2615] {strides = array<i32>} : memref<256xi32, #tpu.memory_space<vmem>>, vector<16xi32>,
      %get3A_2617 = vector.shape_cast %get3A_2616 : vector<16xi32> to vector<16xi32>
      %mul3A_2618 = arith.constant 4096 : i32
      %mul3A_2619 = vector.broadcast %mul3A_2618 : i32 to vector<16xi32>
      %mul3A_2620 = arith.muli %add3A_2612, %mul3A_2619 : vector<16xi32>
      %add3A_2621 = arith.addi %mul3A_2620, %get3A_2617 : vector<16xi32>
      %add3A_2622 = vector.broadcast %div3A_2543 : i32 to vector<16xi32>
      %add3A_2623 = arith.addi %add3A_2621, %add3A_2622 : vector<16xi32>
      %swap3A_2624 = arith.constant 0 : i32
      %swap3A_2625 = arith.index_cast %swap3A_2624 : i32 to index
      %swap3A_2626 = arith.constant 48 : index
      %swap3A_2627 = tpu.vector_load %arg8[%swap3A_2625, %swap3A_2626] {strides = array<i32>} : memref<2x128xi32, #tpu.memory_space<vmem>>, vector<1x16xi32>,
      %swap3A_2628 = vector.shape_cast %swap3A_2627 : vector<1x16xi32> to vector<16xi32>
      %swap3A_2629 = vector.shape_cast %add3A_2623 : vector<16xi32> to vector<1x16xi32>
      tpu.vector_store %arg8[%swap3A_2625, %swap3A_2626], %swap3A_2629 {strides = array<i32>} : memref<2x128xi32, #tpu.memory_space<vmem>>, vector<1x16xi32>,
      %add3A_2630 = arith.constant 64 : i32
      %add3A_2631 = arith.addi %rem3A_2545, %add3A_2630 : i32
      %add3A_2632 = vector.broadcast %add3A_2631 : i32 to vector<16xi32>
      %add3A_2633 = arith.addi %add3A_2632, %iota3A : vector<16xi32>
      %add3A_2634 = arith.constant 64 : i32
      %add3A_2635 = arith.addi %rem3A_2545, %add3A_2634 : i32
      %get3A_2636 = arith.index_cast %add3A_2635 : i32 to index
      %get3A_2637 = tpu.vector_load %arg5[%get3A_2636] {strides = array<i32>} : memref<256xi32, #tpu.memory_space<vmem>>, vector<16xi32>,
      %get3A_2638 = vector.shape_cast %get3A_2637 : vector<16xi32> to vector<16xi32>
      %mul3A_2639 = arith.constant 4096 : i32
      %mul3A_2640 = vector.broadcast %mul3A_2639 : i32 to vector<16xi32>
      %mul3A_2641 = arith.muli %add3A_2633, %mul3A_2640 : vector<16xi32>
      %add3A_2642 = arith.addi %mul3A_2641, %get3A_2638 : vector<16xi32>
      %add3A_2643 = vector.broadcast %div3A_2543 : i32 to vector<16xi32>
      %add3A_2644 = arith.addi %add3A_2642, %add3A_2643 : vector<16xi32>
      %swap3A_2645 = arith.constant 0 : i32
      %swap3A_2646 = arith.index_cast %swap3A_2645 : i32 to index
      %swap3A_2647 = arith.constant 64 : index
      %swap3A_2648 = tpu.vector_load %arg8[%swap3A_2646, %swap3A_2647] {strides = array<i32>} : memref<2x128xi32, #tpu.memory_space<vmem>>, vector<1x16xi32>,
      %swap3A_2649 = vector.shape_cast %swap3A_2648 : vector<1x16xi32> to vector<16xi32>
      %swap3A_2650 = vector.shape_cast %add3A_2644 : vector<16xi32> to vector<1x16xi32>
      tpu.vector_store %arg8[%swap3A_2646, %swap3A_2647], %swap3A_2650 {strides = array<i32>} : memref<2x128xi32, #tpu.memory_space<vmem>>, vector<1x16xi32>,
      %add3A_2651 = arith.constant 80 : i32
      %add3A_2652 = arith.addi %rem3A_2545, %add3A_2651 : i32
      %add3A_2653 = vector.broadcast %add3A_2652 : i32 to vector<16xi32>
      %add3A_2654 = arith.addi %add3A_2653, %iota3A : vector<16xi32>
      %add3A_2655 = arith.constant 80 : i32
      %add3A_2656 = arith.addi %rem3A_2545, %add3A_2655 : i32
      %get3A_2657 = arith.index_cast %add3A_2656 : i32 to index
      %get3A_2658 = tpu.vector_load %arg5[%get3A_2657] {strides = array<i32>} : memref<256xi32, #tpu.memory_space<vmem>>, vector<16xi32>,
      %get3A_2659 = vector.shape_cast %get3A_2658 : vector<16xi32> to vector<16xi32>
      %mul3A_2660 = arith.constant 4096 : i32
      %mul3A_2661 = vector.broadcast %mul3A_2660 : i32 to vector<16xi32>
      %mul3A_2662 = arith.muli %add3A_2654, %mul3A_2661 : vector<16xi32>
      %add3A_2663 = arith.addi %mul3A_2662, %get3A_2659 : vector<16xi32>
      %add3A_2664 = vector.broadcast %div3A_2543 : i32 to vector<16xi32>
      %add3A_2665 = arith.addi %add3A_2663, %add3A_2664 : vector<16xi32>
      %swap3A_2666 = arith.constant 0 : i32
      %swap3A_2667 = arith.index_cast %swap3A_2666 : i32 to index
      %swap3A_2668 = arith.constant 80 : index
      %swap3A_2669 = tpu.vector_load %arg8[%swap3A_2667, %swap3A_2668] {strides = array<i32>} : memref<2x128xi32, #tpu.memory_space<vmem>>, vector<1x16xi32>,
      %swap3A_2670 = vector.shape_cast %swap3A_2669 : vector<1x16xi32> to vector<16xi32>
      %swap3A_2671 = vector.shape_cast %add3A_2665 : vector<16xi32> to vector<1x16xi32>
      tpu.vector_store %arg8[%swap3A_2667, %swap3A_2668], %swap3A_2671 {strides = array<i32>} : memref<2x128xi32, #tpu.memory_space<vmem>>, vector<1x16xi32>,
      %add3A_2672 = arith.constant 96 : i32
      %add3A_2673 = arith.addi %rem3A_2545, %add3A_2672 : i32
      %add3A_2674 = vector.broadcast %add3A_2673 : i32 to vector<16xi32>
      %add3A_2675 = arith.addi %add3A_2674, %iota3A : vector<16xi32>
      %add3A_2676 = arith.constant 96 : i32
      %add3A_2677 = arith.addi %rem3A_2545, %add3A_2676 : i32
      %get3A_2678 = arith.index_cast %add3A_2677 : i32 to index
      %get3A_2679 = tpu.vector_load %arg5[%get3A_2678] {strides = array<i32>} : memref<256xi32, #tpu.memory_space<vmem>>, vector<16xi32>,
      %get3A_2680 = vector.shape_cast %get3A_2679 : vector<16xi32> to vector<16xi32>
      %mul3A_2681 = arith.constant 4096 : i32
      %mul3A_2682 = vector.broadcast %mul3A_2681 : i32 to vector<16xi32>
      %mul3A_2683 = arith.muli %add3A_2675, %mul3A_2682 : vector<16xi32>
      %add3A_2684 = arith.addi %mul3A_2683, %get3A_2680 : vector<16xi32>
      %add3A_2685 = vector.broadcast %div3A_2543 : i32 to vector<16xi32>
      %add3A_2686 = arith.addi %add3A_2684, %add3A_2685 : vector<16xi32>
      %swap3A_2687 = arith.constant 0 : i32
      %swap3A_2688 = arith.index_cast %swap3A_2687 : i32 to index
      %swap3A_2689 = arith.constant 96 : index
      %swap3A_2690 = tpu.vector_load %arg8[%swap3A_2688, %swap3A_2689] {strides = array<i32>} : memref<2x128xi32, #tpu.memory_space<vmem>>, vector<1x16xi32>,
      %swap3A_2691 = vector.shape_cast %swap3A_2690 : vector<1x16xi32> to vector<16xi32>
      %swap3A_2692 = vector.shape_cast %add3A_2686 : vector<16xi32> to vector<1x16xi32>
      tpu.vector_store %arg8[%swap3A_2688, %swap3A_2689], %swap3A_2692 {strides = array<i32>} : memref<2x128xi32, #tpu.memory_space<vmem>>, vector<1x16xi32>,
      %add3A_2693 = arith.constant 112 : i32
      %add3A_2694 = arith.addi %rem3A_2545, %add3A_2693 : i32
      %add3A_2695 = vector.broadcast %add3A_2694 : i32 to vector<16xi32>
      %add3A_2696 = arith.addi %add3A_2695, %iota3A : vector<16xi32>
      %add3A_2697 = arith.constant 112 : i32
      %add3A_2698 = arith.addi %rem3A_2545, %add3A_2697 : i32
      %get3A_2699 = arith.index_cast %add3A_2698 : i32 to index
      %get3A_2700 = tpu.vector_load %arg5[%get3A_2699] {strides = array<i32>} : memref<256xi32, #tpu.memory_space<vmem>>, vector<16xi32>,
      %get3A_2701 = vector.shape_cast %get3A_2700 : vector<16xi32> to vector<16xi32>
      %mul3A_2702 = arith.constant 4096 : i32
      %mul3A_2703 = vector.broadcast %mul3A_2702 : i32 to vector<16xi32>
      %mul3A_2704 = arith.muli %add3A_2696, %mul3A_2703 : vector<16xi32>
      %add3A_2705 = arith.addi %mul3A_2704, %get3A_2701 : vector<16xi32>
      %add3A_2706 = vector.broadcast %div3A_2543 : i32 to vector<16xi32>
      %add3A_2707 = arith.addi %add3A_2705, %add3A_2706 : vector<16xi32>
      %swap3A_2708 = arith.constant 0 : i32
      %swap3A_2709 = arith.index_cast %swap3A_2708 : i32 to index
      %swap3A_2710 = arith.constant 112 : index
      %swap3A_2711 = tpu.vector_load %arg8[%swap3A_2709, %swap3A_2710] {strides = array<i32>} : memref<2x128xi32, #tpu.memory_space<vmem>>, vector<1x16xi32>,
      %swap3A_2712 = vector.shape_cast %swap3A_2711 : vector<1x16xi32> to vector<16xi32>
      %swap3A_2713 = vector.shape_cast %add3A_2707 : vector<16xi32> to vector<1x16xi32>
      tpu.vector_store %arg8[%swap3A_2709, %swap3A_2710], %swap3A_2713 {strides = array<i32>} : memref<2x128xi32, #tpu.memory_space<vmem>>, vector<1x16xi32>,
      %add3A_2714 = arith.constant 2 : i32
      %add3A_2715 = arith.addi %add3A_2505, %add3A_2714 : i32
      %mul3A_2716 = arith.constant 256 : i32
      %mul3A_2717 = arith.muli %add3A_2715, %mul3A_2716 : i32
      %add3A_2718 = arith.addi %mul3A_4, %mul3A_2717 : i32
      %add3A_2719 = arith.constant 128 : i32
      %add3A_2720 = arith.addi %add3A_2718, %add3A_2719 : i32
      %div3A_2721 = arith.constant 256 : i32
      %div3A_2722 = arith.divsi %add3A_2720, %div3A_2721 : i32
      %rem3A_2723 = arith.constant 256 : i32
      %rem3A_2724 = arith.remsi %add3A_2720, %rem3A_2723 : i32
      %add3A_2725 = arith.constant 0 : i32
      %add3A_2726 = arith.addi %rem3A_2724, %add3A_2725 : i32
      %add3A_2727 = vector.broadcast %add3A_2726 : i32 to vector<16xi32>
      %add3A_2728 = arith.addi %add3A_2727, %iota3A : vector<16xi32>
      %add3A_2729 = arith.constant 0 : i32
      %add3A_2730 = arith.addi %rem3A_2724, %add3A_2729 : i32
      %get3A_2731 = arith.index_cast %add3A_2730 : i32 to index
      %get3A_2732 = tpu.vector_load %arg5[%get3A_2731] {strides = array<i32>} : memref<256xi32, #tpu.memory_space<vmem>>, vector<16xi32>,
      %get3A_2733 = vector.shape_cast %get3A_2732 : vector<16xi32> to vector<16xi32>
      %mul3A_2734 = arith.constant 4096 : i32
      %mul3A_2735 = vector.broadcast %mul3A_2734 : i32 to vector<16xi32>
      %mul3A_2736 = arith.muli %add3A_2728, %mul3A_2735 : vector<16xi32>
      %add3A_2737 = arith.addi %mul3A_2736, %get3A_2733 : vector<16xi32>
      %add3A_2738 = vector.broadcast %div3A_2722 : i32 to vector<16xi32>
      %add3A_2739 = arith.addi %add3A_2737, %add3A_2738 : vector<16xi32>
      %swap3A_2740 = arith.constant 1 : i32
      %swap3A_2741 = arith.index_cast %swap3A_2740 : i32 to index
      %swap3A_2742 = arith.constant 0 : index
      %swap3A_2743 = tpu.vector_load %arg8[%swap3A_2741, %swap3A_2742] {strides = array<i32>} : memref<2x128xi32, #tpu.memory_space<vmem>>, vector<1x16xi32>,
      %swap3A_2744 = vector.shape_cast %swap3A_2743 : vector<1x16xi32> to vector<16xi32>
      %swap3A_2745 = vector.shape_cast %add3A_2739 : vector<16xi32> to vector<1x16xi32>
      tpu.vector_store %arg8[%swap3A_2741, %swap3A_2742], %swap3A_2745 {strides = array<i32>} : memref<2x128xi32, #tpu.memory_space<vmem>>, vector<1x16xi32>,
      %add3A_2746 = arith.constant 16 : i32
      %add3A_2747 = arith.addi %rem3A_2724, %add3A_2746 : i32
      %add3A_2748 = vector.broadcast %add3A_2747 : i32 to vector<16xi32>
      %add3A_2749 = arith.addi %add3A_2748, %iota3A : vector<16xi32>
      %add3A_2750 = arith.constant 16 : i32
      %add3A_2751 = arith.addi %rem3A_2724, %add3A_2750 : i32
      %get3A_2752 = arith.index_cast %add3A_2751 : i32 to index
      %get3A_2753 = tpu.vector_load %arg5[%get3A_2752] {strides = array<i32>} : memref<256xi32, #tpu.memory_space<vmem>>, vector<16xi32>,
      %get3A_2754 = vector.shape_cast %get3A_2753 : vector<16xi32> to vector<16xi32>
      %mul3A_2755 = arith.constant 4096 : i32
      %mul3A_2756 = vector.broadcast %mul3A_2755 : i32 to vector<16xi32>
      %mul3A_2757 = arith.muli %add3A_2749, %mul3A_2756 : vector<16xi32>
      %add3A_2758 = arith.addi %mul3A_2757, %get3A_2754 : vector<16xi32>
      %add3A_2759 = vector.broadcast %div3A_2722 : i32 to vector<16xi32>
      %add3A_2760 = arith.addi %add3A_2758, %add3A_2759 : vector<16xi32>
      %swap3A_2761 = arith.constant 1 : i32
      %swap3A_2762 = arith.index_cast %swap3A_2761 : i32 to index
      %swap3A_2763 = arith.constant 16 : index
      %swap3A_2764 = tpu.vector_load %arg8[%swap3A_2762, %swap3A_2763] {strides = array<i32>} : memref<2x128xi32, #tpu.memory_space<vmem>>, vector<1x16xi32>,
      %swap3A_2765 = vector.shape_cast %swap3A_2764 : vector<1x16xi32> to vector<16xi32>
      %swap3A_2766 = vector.shape_cast %add3A_2760 : vector<16xi32> to vector<1x16xi32>
      tpu.vector_store %arg8[%swap3A_2762, %swap3A_2763], %swap3A_2766 {strides = array<i32>} : memref<2x128xi32, #tpu.memory_space<vmem>>, vector<1x16xi32>,
      %add3A_2767 = arith.constant 32 : i32
      %add3A_2768 = arith.addi %rem3A_2724, %add3A_2767 : i32
      %add3A_2769 = vector.broadcast %add3A_2768 : i32 to vector<16xi32>
      %add3A_2770 = arith.addi %add3A_2769, %iota3A : vector<16xi32>
      %add3A_2771 = arith.constant 32 : i32
      %add3A_2772 = arith.addi %rem3A_2724, %add3A_2771 : i32
      %get3A_2773 = arith.index_cast %add3A_2772 : i32 to index
      %get3A_2774 = tpu.vector_load %arg5[%get3A_2773] {strides = array<i32>} : memref<256xi32, #tpu.memory_space<vmem>>, vector<16xi32>,
      %get3A_2775 = vector.shape_cast %get3A_2774 : vector<16xi32> to vector<16xi32>
      %mul3A_2776 = arith.constant 4096 : i32
      %mul3A_2777 = vector.broadcast %mul3A_2776 : i32 to vector<16xi32>
      %mul3A_2778 = arith.muli %add3A_2770, %mul3A_2777 : vector<16xi32>
      %add3A_2779 = arith.addi %mul3A_2778, %get3A_2775 : vector<16xi32>
      %add3A_2780 = vector.broadcast %div3A_2722 : i32 to vector<16xi32>
      %add3A_2781 = arith.addi %add3A_2779, %add3A_2780 : vector<16xi32>
      %swap3A_2782 = arith.constant 1 : i32
      %swap3A_2783 = arith.index_cast %swap3A_2782 : i32 to index
      %swap3A_2784 = arith.constant 32 : index
      %swap3A_2785 = tpu.vector_load %arg8[%swap3A_2783, %swap3A_2784] {strides = array<i32>} : memref<2x128xi32, #tpu.memory_space<vmem>>, vector<1x16xi32>,
      %swap3A_2786 = vector.shape_cast %swap3A_2785 : vector<1x16xi32> to vector<16xi32>
      %swap3A_2787 = vector.shape_cast %add3A_2781 : vector<16xi32> to vector<1x16xi32>
      tpu.vector_store %arg8[%swap3A_2783, %swap3A_2784], %swap3A_2787 {strides = array<i32>} : memref<2x128xi32, #tpu.memory_space<vmem>>, vector<1x16xi32>,
      %add3A_2788 = arith.constant 48 : i32
      %add3A_2789 = arith.addi %rem3A_2724, %add3A_2788 : i32
      %add3A_2790 = vector.broadcast %add3A_2789 : i32 to vector<16xi32>
      %add3A_2791 = arith.addi %add3A_2790, %iota3A : vector<16xi32>
      %add3A_2792 = arith.constant 48 : i32
      %add3A_2793 = arith.addi %rem3A_2724, %add3A_2792 : i32
      %get3A_2794 = arith.index_cast %add3A_2793 : i32 to index
      %get3A_2795 = tpu.vector_load %arg5[%get3A_2794] {strides = array<i32>} : memref<256xi32, #tpu.memory_space<vmem>>, vector<16xi32>,
      %get3A_2796 = vector.shape_cast %get3A_2795 : vector<16xi32> to vector<16xi32>
      %mul3A_2797 = arith.constant 4096 : i32
      %mul3A_2798 = vector.broadcast %mul3A_2797 : i32 to vector<16xi32>
      %mul3A_2799 = arith.muli %add3A_2791, %mul3A_2798 : vector<16xi32>
      %add3A_2800 = arith.addi %mul3A_2799, %get3A_2796 : vector<16xi32>
      %add3A_2801 = vector.broadcast %div3A_2722 : i32 to vector<16xi32>
      %add3A_2802 = arith.addi %add3A_2800, %add3A_2801 : vector<16xi32>
      %swap3A_2803 = arith.constant 1 : i32
      %swap3A_2804 = arith.index_cast %swap3A_2803 : i32 to index
      %swap3A_2805 = arith.constant 48 : index
      %swap3A_2806 = tpu.vector_load %arg8[%swap3A_2804, %swap3A_2805] {strides = array<i32>} : memref<2x128xi32, #tpu.memory_space<vmem>>, vector<1x16xi32>,
      %swap3A_2807 = vector.shape_cast %swap3A_2806 : vector<1x16xi32> to vector<16xi32>
      %swap3A_2808 = vector.shape_cast %add3A_2802 : vector<16xi32> to vector<1x16xi32>
      tpu.vector_store %arg8[%swap3A_2804, %swap3A_2805], %swap3A_2808 {strides = array<i32>} : memref<2x128xi32, #tpu.memory_space<vmem>>, vector<1x16xi32>,
      %add3A_2809 = arith.constant 64 : i32
      %add3A_2810 = arith.addi %rem3A_2724, %add3A_2809 : i32
      %add3A_2811 = vector.broadcast %add3A_2810 : i32 to vector<16xi32>
      %add3A_2812 = arith.addi %add3A_2811, %iota3A : vector<16xi32>
      %add3A_2813 = arith.constant 64 : i32
      %add3A_2814 = arith.addi %rem3A_2724, %add3A_2813 : i32
      %get3A_2815 = arith.index_cast %add3A_2814 : i32 to index
      %get3A_2816 = tpu.vector_load %arg5[%get3A_2815] {strides = array<i32>} : memref<256xi32, #tpu.memory_space<vmem>>, vector<16xi32>,
      %get3A_2817 = vector.shape_cast %get3A_2816 : vector<16xi32> to vector<16xi32>
      %mul3A_2818 = arith.constant 4096 : i32
      %mul3A_2819 = vector.broadcast %mul3A_2818 : i32 to vector<16xi32>
      %mul3A_2820 = arith.muli %add3A_2812, %mul3A_2819 : vector<16xi32>
      %add3A_2821 = arith.addi %mul3A_2820, %get3A_2817 : vector<16xi32>
      %add3A_2822 = vector.broadcast %div3A_2722 : i32 to vector<16xi32>
      %add3A_2823 = arith.addi %add3A_2821, %add3A_2822 : vector<16xi32>
      %swap3A_2824 = arith.constant 1 : i32
      %swap3A_2825 = arith.index_cast %swap3A_2824 : i32 to index
      %swap3A_2826 = arith.constant 64 : index
      %swap3A_2827 = tpu.vector_load %arg8[%swap3A_2825, %swap3A_2826] {strides = array<i32>} : memref<2x128xi32, #tpu.memory_space<vmem>>, vector<1x16xi32>,
      %swap3A_2828 = vector.shape_cast %swap3A_2827 : vector<1x16xi32> to vector<16xi32>
      %swap3A_2829 = vector.shape_cast %add3A_2823 : vector<16xi32> to vector<1x16xi32>
      tpu.vector_store %arg8[%swap3A_2825, %swap3A_2826], %swap3A_2829 {strides = array<i32>} : memref<2x128xi32, #tpu.memory_space<vmem>>, vector<1x16xi32>,
      %add3A_2830 = arith.constant 80 : i32
      %add3A_2831 = arith.addi %rem3A_2724, %add3A_2830 : i32
      %add3A_2832 = vector.broadcast %add3A_2831 : i32 to vector<16xi32>
      %add3A_2833 = arith.addi %add3A_2832, %iota3A : vector<16xi32>
      %add3A_2834 = arith.constant 80 : i32
      %add3A_2835 = arith.addi %rem3A_2724, %add3A_2834 : i32
      %get3A_2836 = arith.index_cast %add3A_2835 : i32 to index
      %get3A_2837 = tpu.vector_load %arg5[%get3A_2836] {strides = array<i32>} : memref<256xi32, #tpu.memory_space<vmem>>, vector<16xi32>,
      %get3A_2838 = vector.shape_cast %get3A_2837 : vector<16xi32> to vector<16xi32>
      %mul3A_2839 = arith.constant 4096 : i32
      %mul3A_2840 = vector.broadcast %mul3A_2839 : i32 to vector<16xi32>
      %mul3A_2841 = arith.muli %add3A_2833, %mul3A_2840 : vector<16xi32>
      %add3A_2842 = arith.addi %mul3A_2841, %get3A_2838 : vector<16xi32>
      %add3A_2843 = vector.broadcast %div3A_2722 : i32 to vector<16xi32>
      %add3A_2844 = arith.addi %add3A_2842, %add3A_2843 : vector<16xi32>
      %swap3A_2845 = arith.constant 1 : i32
      %swap3A_2846 = arith.index_cast %swap3A_2845 : i32 to index
      %swap3A_2847 = arith.constant 80 : index
      %swap3A_2848 = tpu.vector_load %arg8[%swap3A_2846, %swap3A_2847] {strides = array<i32>} : memref<2x128xi32, #tpu.memory_space<vmem>>, vector<1x16xi32>,
      %swap3A_2849 = vector.shape_cast %swap3A_2848 : vector<1x16xi32> to vector<16xi32>
      %swap3A_2850 = vector.shape_cast %add3A_2844 : vector<16xi32> to vector<1x16xi32>
      tpu.vector_store %arg8[%swap3A_2846, %swap3A_2847], %swap3A_2850 {strides = array<i32>} : memref<2x128xi32, #tpu.memory_space<vmem>>, vector<1x16xi32>,
      %add3A_2851 = arith.constant 96 : i32
      %add3A_2852 = arith.addi %rem3A_2724, %add3A_2851 : i32
      %add3A_2853 = vector.broadcast %add3A_2852 : i32 to vector<16xi32>
      %add3A_2854 = arith.addi %add3A_2853, %iota3A : vector<16xi32>
      %add3A_2855 = arith.constant 96 : i32
      %add3A_2856 = arith.addi %rem3A_2724, %add3A_2855 : i32
      %get3A_2857 = arith.index_cast %add3A_2856 : i32 to index
      %get3A_2858 = tpu.vector_load %arg5[%get3A_2857] {strides = array<i32>} : memref<256xi32, #tpu.memory_space<vmem>>, vector<16xi32>,
      %get3A_2859 = vector.shape_cast %get3A_2858 : vector<16xi32> to vector<16xi32>
      %mul3A_2860 = arith.constant 4096 : i32
      %mul3A_2861 = vector.broadcast %mul3A_2860 : i32 to vector<16xi32>
      %mul3A_2862 = arith.muli %add3A_2854, %mul3A_2861 : vector<16xi32>
      %add3A_2863 = arith.addi %mul3A_2862, %get3A_2859 : vector<16xi32>
      %add3A_2864 = vector.broadcast %div3A_2722 : i32 to vector<16xi32>
      %add3A_2865 = arith.addi %add3A_2863, %add3A_2864 : vector<16xi32>
      %swap3A_2866 = arith.constant 1 : i32
      %swap3A_2867 = arith.index_cast %swap3A_2866 : i32 to index
      %swap3A_2868 = arith.constant 96 : index
      %swap3A_2869 = tpu.vector_load %arg8[%swap3A_2867, %swap3A_2868] {strides = array<i32>} : memref<2x128xi32, #tpu.memory_space<vmem>>, vector<1x16xi32>,
      %swap3A_2870 = vector.shape_cast %swap3A_2869 : vector<1x16xi32> to vector<16xi32>
      %swap3A_2871 = vector.shape_cast %add3A_2865 : vector<16xi32> to vector<1x16xi32>
      tpu.vector_store %arg8[%swap3A_2867, %swap3A_2868], %swap3A_2871 {strides = array<i32>} : memref<2x128xi32, #tpu.memory_space<vmem>>, vector<1x16xi32>,
      %add3A_2872 = arith.constant 112 : i32
      %add3A_2873 = arith.addi %rem3A_2724, %add3A_2872 : i32
      %add3A_2874 = vector.broadcast %add3A_2873 : i32 to vector<16xi32>
      %add3A_2875 = arith.addi %add3A_2874, %iota3A : vector<16xi32>
      %add3A_2876 = arith.constant 112 : i32
      %add3A_2877 = arith.addi %rem3A_2724, %add3A_2876 : i32
      %get3A_2878 = arith.index_cast %add3A_2877 : i32 to index
      %get3A_2879 = tpu.vector_load %arg5[%get3A_2878] {strides = array<i32>} : memref<256xi32, #tpu.memory_space<vmem>>, vector<16xi32>,
      %get3A_2880 = vector.shape_cast %get3A_2879 : vector<16xi32> to vector<16xi32>
      %mul3A_2881 = arith.constant 4096 : i32
      %mul3A_2882 = vector.broadcast %mul3A_2881 : i32 to vector<16xi32>
      %mul3A_2883 = arith.muli %add3A_2875, %mul3A_2882 : vector<16xi32>
      %add3A_2884 = arith.addi %mul3A_2883, %get3A_2880 : vector<16xi32>
      %add3A_2885 = vector.broadcast %div3A_2722 : i32 to vector<16xi32>
      %add3A_2886 = arith.addi %add3A_2884, %add3A_2885 : vector<16xi32>
      %swap3A_2887 = arith.constant 1 : i32
      %swap3A_2888 = arith.index_cast %swap3A_2887 : i32 to index
      %swap3A_2889 = arith.constant 112 : index
      %swap3A_2890 = tpu.vector_load %arg8[%swap3A_2888, %swap3A_2889] {strides = array<i32>} : memref<2x128xi32, #tpu.memory_space<vmem>>, vector<1x16xi32>,
      %swap3A_2891 = vector.shape_cast %swap3A_2890 : vector<1x16xi32> to vector<16xi32>
      %swap3A_2892 = vector.shape_cast %add3A_2886 : vector<16xi32> to vector<1x16xi32>
      tpu.vector_store %arg8[%swap3A_2888, %swap3A_2889], %swap3A_2892 {strides = array<i32>} : memref<2x128xi32, #tpu.memory_space<vmem>>, vector<1x16xi32>,
      %sub3A_2893 = arith.constant 1 : i32
      %sub3A_2894 = arith.subi %add3A_2505, %sub3A_2893 : i32
      %add3A_2895 = arith.addi %mul3A_2, %sub3A_2894 : i32
      %dma_wait3A_2896 = arith.constant 0 : i32
      %dma_wait3A_2897 = arith.constant 0 : i32
      %dma_wait3A_2898 = tpu.memref_slice %arg4[%add3A_2895, %dma_wait3A_2896, %dma_wait3A_2897] : memref<512x256x128xf32, #tpu.memory_space<hbm>> -> memref<1x256x128xf32, #tpu.memory_space<hbm>>
      %dma_wait3A_2899 = tpu.memref_squeeze %dma_wait3A_2898 : memref<1x256x128xf32, #tpu.memory_space<hbm>> -> memref<256x128xf32, #tpu.memory_space<hbm>>
      %dma_wait3A_2900 = arith.constant 0 : i32
      %dma_wait3A_2901 = arith.constant 0 : i32
      %dma_wait3A_2902 = tpu.memref_slice %arg4[%add3A_2895, %dma_wait3A_2900, %dma_wait3A_2901] : memref<512x256x128xf32, #tpu.memory_space<hbm>> -> memref<1x256x128xf32, #tpu.memory_space<hbm>>
      %dma_wait3A_2903 = tpu.memref_squeeze %dma_wait3A_2902 : memref<1x256x128xf32, #tpu.memory_space<hbm>> -> memref<256x128xf32, #tpu.memory_space<hbm>>
      tpu.wait_dma2 semaphore(%arg17 : memref<!tpu.dma_semaphore, #tpu.memory_space<semaphore_mem>>) src(%arg11 : memref<256x128xf32, #tpu.memory_space<vmem>>) dst(%dma_wait3A_2903 : memref<256x128xf32, #tpu.memory_space<hbm>>)
      %dma_start3A_2904 = arith.constant 0 : i32
      %dma_start3A_2905 = arith.constant 0 : i32
      %dma_start3A_2906 = arith.constant 0 : i32
      %dma_start3A_2907 = tpu.memref_slice %arg11[%dma_start3A_2905, %dma_start3A_2906] : memref<256x128xf32, #tpu.memory_space<vmem>> -> memref<128x128xf32, #tpu.memory_space<vmem>>
      %dma_start3A_2908 = arith.constant 0 : i32
      %dma_start3A_2909 = tpu.memref_slice %arg8[%dma_start3A_2904, %dma_start3A_2908] : memref<2x128xi32, #tpu.memory_space<vmem>> -> memref<1x128xi32, #tpu.memory_space<vmem>>
      %dma_start3A_2910 = tpu.memref_squeeze %dma_start3A_2909 : memref<1x128xi32, #tpu.memory_space<vmem>> -> memref<128xi32, #tpu.memory_space<vmem>>
      %dma_start3A_2911 = arith.constant 0 : i32
      %dma_start3A_2912 = arith.constant 0 : i32
      %dma_start3A_2913 = tpu.memref_slice %arg2[%dma_start3A_2911, %dma_start3A_2912] : memref<1048576x128xf32, #tpu.memory_space<hbm>> -> memref<1048576x128xf32, #tpu.memory_space<hbm>>
      tpu.enqueue_indirect_dma source(%dma_start3A_2913 : memref<1048576x128xf32, #tpu.memory_space<hbm>>) target(%dma_start3A_2907 : memref<128x128xf32, #tpu.memory_space<vmem>>) offsets(%dma_start3A_2910 : memref<128xi32, #tpu.memory_space<vmem>>) semaphore(%arg14 : memref<!tpu.dma_semaphore, #tpu.memory_space<semaphore_mem>>)
      %dma_start3A_2914 = arith.constant 1 : i32
      %dma_start3A_2915 = arith.constant 128 : i32
      %dma_start3A_2916 = arith.constant 0 : i32
      %dma_start3A_2917 = tpu.memref_slice %arg11[%dma_start3A_2915, %dma_start3A_2916] : memref<256x128xf32, #tpu.memory_space<vmem>> -> memref<128x128xf32, #tpu.memory_space<vmem>>
      %dma_start3A_2918 = arith.constant 0 : i32
      %dma_start3A_2919 = tpu.memref_slice %arg8[%dma_start3A_2914, %dma_start3A_2918] : memref<2x128xi32, #tpu.memory_space<vmem>> -> memref<1x128xi32, #tpu.memory_space<vmem>>
      %dma_start3A_2920 = tpu.memref_squeeze %dma_start3A_2919 : memref<1x128xi32, #tpu.memory_space<vmem>> -> memref<128xi32, #tpu.memory_space<vmem>>
      %dma_start3A_2921 = arith.constant 0 : i32
      %dma_start3A_2922 = arith.constant 0 : i32
      %dma_start3A_2923 = tpu.memref_slice %arg2[%dma_start3A_2921, %dma_start3A_2922] : memref<1048576x128xf32, #tpu.memory_space<hbm>> -> memref<1048576x128xf32, #tpu.memory_space<hbm>>
      tpu.enqueue_indirect_dma source(%dma_start3A_2923 : memref<1048576x128xf32, #tpu.memory_space<hbm>>) target(%dma_start3A_2917 : memref<128x128xf32, #tpu.memory_space<vmem>>) offsets(%dma_start3A_2920 : memref<128xi32, #tpu.memory_space<vmem>>) semaphore(%arg14 : memref<!tpu.dma_semaphore, #tpu.memory_space<semaphore_mem>>)
    }
    %scan3A_1149 = arith.constant 4 : i32
    %dma_wait3A_1150 = arith.constant 0 : i32
    %dma_wait3A_1151 = arith.constant 0 : i32
    %dma_wait3A_1152 = arith.constant 0 : i32
    %dma_wait3A_1153 = tpu.memref_slice %arg10[%dma_wait3A_1151, %dma_wait3A_1152] : memref<256x128xf32, #tpu.memory_space<vmem>> -> memref<128x128xf32, #tpu.memory_space<vmem>>
    %dma_wait3A_1154 = arith.constant 0 : i32
    %dma_wait3A_1155 = tpu.memref_slice %arg7[%dma_wait3A_1150, %dma_wait3A_1154] : memref<2x128xi32, #tpu.memory_space<vmem>> -> memref<1x128xi32, #tpu.memory_space<vmem>>
    %dma_wait3A_1156 = tpu.memref_squeeze %dma_wait3A_1155 : memref<1x128xi32, #tpu.memory_space<vmem>> -> memref<128xi32, #tpu.memory_space<vmem>>
    %dma_wait3A_1157 = arith.constant 0 : i32
    %dma_wait3A_1158 = arith.constant 0 : i32
    %dma_wait3A_1159 = tpu.memref_slice %arg2[%dma_wait3A_1157, %dma_wait3A_1158] : memref<1048576x128xf32, #tpu.memory_space<hbm>> -> memref<1048576x128xf32, #tpu.memory_space<hbm>>
    tpu.wait_indirect_dma semaphore(%arg13 : memref<!tpu.dma_semaphore, #tpu.memory_space<semaphore_mem>>) src(%dma_wait3A_1159 : memref<1048576x128xf32, #tpu.memory_space<hbm>>) dst(%dma_wait3A_1153 : memref<128x128xf32, #tpu.memory_space<vmem>>)
    %dma_wait3A_1160 = arith.constant 1 : i32
    %dma_wait3A_1161 = arith.constant 128 : i32
    %dma_wait3A_1162 = arith.constant 0 : i32
    %dma_wait3A_1163 = tpu.memref_slice %arg10[%dma_wait3A_1161, %dma_wait3A_1162] : memref<256x128xf32, #tpu.memory_space<vmem>> -> memref<128x128xf32, #tpu.memory_space<vmem>>
    %dma_wait3A_1164 = arith.constant 0 : i32
    %dma_wait3A_1165 = tpu.memref_slice %arg7[%dma_wait3A_1160, %dma_wait3A_1164] : memref<2x128xi32, #tpu.memory_space<vmem>> -> memref<1x128xi32, #tpu.memory_space<vmem>>
    %dma_wait3A_1166 = tpu.memref_squeeze %dma_wait3A_1165 : memref<1x128xi32, #tpu.memory_space<vmem>> -> memref<128xi32, #tpu.memory_space<vmem>>
    %dma_wait3A_1167 = arith.constant 0 : i32
    %dma_wait3A_1168 = arith.constant 0 : i32
    %dma_wait3A_1169 = tpu.memref_slice %arg2[%dma_wait3A_1167, %dma_wait3A_1168] : memref<1048576x128xf32, #tpu.memory_space<hbm>> -> memref<1048576x128xf32, #tpu.memory_space<hbm>>
    tpu.wait_indirect_dma semaphore(%arg13 : memref<!tpu.dma_semaphore, #tpu.memory_space<semaphore_mem>>) src(%dma_wait3A_1169 : memref<1048576x128xf32, #tpu.memory_space<hbm>>) dst(%dma_wait3A_1163 : memref<128x128xf32, #tpu.memory_space<vmem>>)
    %add3A_1170 = arith.constant 13 : i32
    %add3A_1171 = arith.addi %mul3A_2, %add3A_1170 : i32
    %dma_start3A_1172 = arith.constant 0 : i32
    %dma_start3A_1173 = arith.constant 0 : i32
    %dma_start3A_1174 = tpu.memref_slice %arg4[%add3A_1171, %dma_start3A_1172, %dma_start3A_1173] : memref<512x256x128xf32, #tpu.memory_space<hbm>> -> memref<1x256x128xf32, #tpu.memory_space<hbm>>
    %dma_start3A_1175 = tpu.memref_squeeze %dma_start3A_1174 : memref<1x256x128xf32, #tpu.memory_space<hbm>> -> memref<256x128xf32, #tpu.memory_space<hbm>>
    %dma_start3A_1176 = arith.constant 0 : i32
    %dma_start3A_1177 = arith.constant 0 : i32
    %dma_start3A_1178 = tpu.memref_slice %arg4[%add3A_1171, %dma_start3A_1176, %dma_start3A_1177] : memref<512x256x128xf32, #tpu.memory_space<hbm>> -> memref<1x256x128xf32, #tpu.memory_space<hbm>>
    %dma_start3A_1179 = tpu.memref_squeeze %dma_start3A_1178 : memref<1x256x128xf32, #tpu.memory_space<hbm>> -> memref<256x128xf32, #tpu.memory_space<hbm>>
    tpu.enqueue_dma source(%arg10 : memref<256x128xf32, #tpu.memory_space<vmem>>) target(%dma_start3A_1179 : memref<256x128xf32, #tpu.memory_space<hbm>>) target_semaphore(%arg16 : memref<!tpu.dma_semaphore, #tpu.memory_space<semaphore_mem>>)
    %add3A_1180 = arith.constant 3840 : i32
    %add3A_1181 = arith.addi %mul3A_4, %add3A_1180 : i32
    %add3A_1182 = arith.constant 0 : i32
    %add3A_1183 = arith.addi %add3A_1181, %add3A_1182 : i32
    %div3A_1184 = arith.constant 256 : i32
    %div3A_1185 = arith.divsi %add3A_1183, %div3A_1184 : i32
    %rem3A_1186 = arith.constant 256 : i32
    %rem3A_1187 = arith.remsi %add3A_1183, %rem3A_1186 : i32
    %add3A_1188 = arith.constant 0 : i32
    %add3A_1189 = arith.addi %rem3A_1187, %add3A_1188 : i32
    %add3A_1190 = vector.broadcast %add3A_1189 : i32 to vector<16xi32>
    %add3A_1191 = arith.addi %add3A_1190, %iota3A : vector<16xi32>
    %add3A_1192 = arith.constant 0 : i32
    %add3A_1193 = arith.addi %rem3A_1187, %add3A_1192 : i32
    %get3A_1194 = arith.index_cast %add3A_1193 : i32 to index
    %get3A_1195 = tpu.vector_load %arg5[%get3A_1194] {strides = array<i32>} : memref<256xi32, #tpu.memory_space<vmem>>, vector<16xi32>,
    %get3A_1196 = vector.shape_cast %get3A_1195 : vector<16xi32> to vector<16xi32>
    %mul3A_1197 = arith.constant 4096 : i32
    %mul3A_1198 = vector.broadcast %mul3A_1197 : i32 to vector<16xi32>
    %mul3A_1199 = arith.muli %add3A_1191, %mul3A_1198 : vector<16xi32>
    %add3A_1200 = arith.addi %mul3A_1199, %get3A_1196 : vector<16xi32>
    %add3A_1201 = vector.broadcast %div3A_1185 : i32 to vector<16xi32>
    %add3A_1202 = arith.addi %add3A_1200, %add3A_1201 : vector<16xi32>
    %swap3A_1203 = arith.constant 0 : i32
    %swap3A_1204 = arith.index_cast %swap3A_1203 : i32 to index
    %swap3A_1205 = arith.constant 0 : index
    %swap3A_1206 = tpu.vector_load %arg6[%swap3A_1204, %swap3A_1205] {strides = array<i32>} : memref<2x128xi32, #tpu.memory_space<vmem>>, vector<1x16xi32>,
    %swap3A_1207 = vector.shape_cast %swap3A_1206 : vector<1x16xi32> to vector<16xi32>
    %swap3A_1208 = vector.shape_cast %add3A_1202 : vector<16xi32> to vector<1x16xi32>
    tpu.vector_store %arg6[%swap3A_1204, %swap3A_1205], %swap3A_1208 {strides = array<i32>} : memref<2x128xi32, #tpu.memory_space<vmem>>, vector<1x16xi32>,
    %add3A_1209 = arith.constant 16 : i32
    %add3A_1210 = arith.addi %rem3A_1187, %add3A_1209 : i32
    %add3A_1211 = vector.broadcast %add3A_1210 : i32 to vector<16xi32>
    %add3A_1212 = arith.addi %add3A_1211, %iota3A : vector<16xi32>
    %add3A_1213 = arith.constant 16 : i32
    %add3A_1214 = arith.addi %rem3A_1187, %add3A_1213 : i32
    %get3A_1215 = arith.index_cast %add3A_1214 : i32 to index
    %get3A_1216 = tpu.vector_load %arg5[%get3A_1215] {strides = array<i32>} : memref<256xi32, #tpu.memory_space<vmem>>, vector<16xi32>,
    %get3A_1217 = vector.shape_cast %get3A_1216 : vector<16xi32> to vector<16xi32>
    %mul3A_1218 = arith.constant 4096 : i32
    %mul3A_1219 = vector.broadcast %mul3A_1218 : i32 to vector<16xi32>
    %mul3A_1220 = arith.muli %add3A_1212, %mul3A_1219 : vector<16xi32>
    %add3A_1221 = arith.addi %mul3A_1220, %get3A_1217 : vector<16xi32>
    %add3A_1222 = vector.broadcast %div3A_1185 : i32 to vector<16xi32>
    %add3A_1223 = arith.addi %add3A_1221, %add3A_1222 : vector<16xi32>
    %swap3A_1224 = arith.constant 0 : i32
    %swap3A_1225 = arith.index_cast %swap3A_1224 : i32 to index
    %swap3A_1226 = arith.constant 16 : index
    %swap3A_1227 = tpu.vector_load %arg6[%swap3A_1225, %swap3A_1226] {strides = array<i32>} : memref<2x128xi32, #tpu.memory_space<vmem>>, vector<1x16xi32>,
    %swap3A_1228 = vector.shape_cast %swap3A_1227 : vector<1x16xi32> to vector<16xi32>
    %swap3A_1229 = vector.shape_cast %add3A_1223 : vector<16xi32> to vector<1x16xi32>
    tpu.vector_store %arg6[%swap3A_1225, %swap3A_1226], %swap3A_1229 {strides = array<i32>} : memref<2x128xi32, #tpu.memory_space<vmem>>, vector<1x16xi32>,
    %add3A_1230 = arith.constant 32 : i32
    %add3A_1231 = arith.addi %rem3A_1187, %add3A_1230 : i32
    %add3A_1232 = vector.broadcast %add3A_1231 : i32 to vector<16xi32>
    %add3A_1233 = arith.addi %add3A_1232, %iota3A : vector<16xi32>
    %add3A_1234 = arith.constant 32 : i32
    %add3A_1235 = arith.addi %rem3A_1187, %add3A_1234 : i32
    %get3A_1236 = arith.index_cast %add3A_1235 : i32 to index
    %get3A_1237 = tpu.vector_load %arg5[%get3A_1236] {strides = array<i32>} : memref<256xi32, #tpu.memory_space<vmem>>, vector<16xi32>,
    %get3A_1238 = vector.shape_cast %get3A_1237 : vector<16xi32> to vector<16xi32>
    %mul3A_1239 = arith.constant 4096 : i32
    %mul3A_1240 = vector.broadcast %mul3A_1239 : i32 to vector<16xi32>
    %mul3A_1241 = arith.muli %add3A_1233, %mul3A_1240 : vector<16xi32>
    %add3A_1242 = arith.addi %mul3A_1241, %get3A_1238 : vector<16xi32>
    %add3A_1243 = vector.broadcast %div3A_1185 : i32 to vector<16xi32>
    %add3A_1244 = arith.addi %add3A_1242, %add3A_1243 : vector<16xi32>
    %swap3A_1245 = arith.constant 0 : i32
    %swap3A_1246 = arith.index_cast %swap3A_1245 : i32 to index
    %swap3A_1247 = arith.constant 32 : index
    %swap3A_1248 = tpu.vector_load %arg6[%swap3A_1246, %swap3A_1247] {strides = array<i32>} : memref<2x128xi32, #tpu.memory_space<vmem>>, vector<1x16xi32>,
    %swap3A_1249 = vector.shape_cast %swap3A_1248 : vector<1x16xi32> to vector<16xi32>
    %swap3A_1250 = vector.shape_cast %add3A_1244 : vector<16xi32> to vector<1x16xi32>
    tpu.vector_store %arg6[%swap3A_1246, %swap3A_1247], %swap3A_1250 {strides = array<i32>} : memref<2x128xi32, #tpu.memory_space<vmem>>, vector<1x16xi32>,
    %add3A_1251 = arith.constant 48 : i32
    %add3A_1252 = arith.addi %rem3A_1187, %add3A_1251 : i32
    %add3A_1253 = vector.broadcast %add3A_1252 : i32 to vector<16xi32>
    %add3A_1254 = arith.addi %add3A_1253, %iota3A : vector<16xi32>
    %add3A_1255 = arith.constant 48 : i32
    %add3A_1256 = arith.addi %rem3A_1187, %add3A_1255 : i32
    %get3A_1257 = arith.index_cast %add3A_1256 : i32 to index
    %get3A_1258 = tpu.vector_load %arg5[%get3A_1257] {strides = array<i32>} : memref<256xi32, #tpu.memory_space<vmem>>, vector<16xi32>,
    %get3A_1259 = vector.shape_cast %get3A_1258 : vector<16xi32> to vector<16xi32>
    %mul3A_1260 = arith.constant 4096 : i32
    %mul3A_1261 = vector.broadcast %mul3A_1260 : i32 to vector<16xi32>
    %mul3A_1262 = arith.muli %add3A_1254, %mul3A_1261 : vector<16xi32>
    %add3A_1263 = arith.addi %mul3A_1262, %get3A_1259 : vector<16xi32>
    %add3A_1264 = vector.broadcast %div3A_1185 : i32 to vector<16xi32>
    %add3A_1265 = arith.addi %add3A_1263, %add3A_1264 : vector<16xi32>
    %swap3A_1266 = arith.constant 0 : i32
    %swap3A_1267 = arith.index_cast %swap3A_1266 : i32 to index
    %swap3A_1268 = arith.constant 48 : index
    %swap3A_1269 = tpu.vector_load %arg6[%swap3A_1267, %swap3A_1268] {strides = array<i32>} : memref<2x128xi32, #tpu.memory_space<vmem>>, vector<1x16xi32>,
    %swap3A_1270 = vector.shape_cast %swap3A_1269 : vector<1x16xi32> to vector<16xi32>
    %swap3A_1271 = vector.shape_cast %add3A_1265 : vector<16xi32> to vector<1x16xi32>
    tpu.vector_store %arg6[%swap3A_1267, %swap3A_1268], %swap3A_1271 {strides = array<i32>} : memref<2x128xi32, #tpu.memory_space<vmem>>, vector<1x16xi32>,
    %add3A_1272 = arith.constant 64 : i32
    %add3A_1273 = arith.addi %rem3A_1187, %add3A_1272 : i32
    %add3A_1274 = vector.broadcast %add3A_1273 : i32 to vector<16xi32>
    %add3A_1275 = arith.addi %add3A_1274, %iota3A : vector<16xi32>
    %add3A_1276 = arith.constant 64 : i32
    %add3A_1277 = arith.addi %rem3A_1187, %add3A_1276 : i32
    %get3A_1278 = arith.index_cast %add3A_1277 : i32 to index
    %get3A_1279 = tpu.vector_load %arg5[%get3A_1278] {strides = array<i32>} : memref<256xi32, #tpu.memory_space<vmem>>, vector<16xi32>,
    %get3A_1280 = vector.shape_cast %get3A_1279 : vector<16xi32> to vector<16xi32>
    %mul3A_1281 = arith.constant 4096 : i32
    %mul3A_1282 = vector.broadcast %mul3A_1281 : i32 to vector<16xi32>
    %mul3A_1283 = arith.muli %add3A_1275, %mul3A_1282 : vector<16xi32>
    %add3A_1284 = arith.addi %mul3A_1283, %get3A_1280 : vector<16xi32>
    %add3A_1285 = vector.broadcast %div3A_1185 : i32 to vector<16xi32>
    %add3A_1286 = arith.addi %add3A_1284, %add3A_1285 : vector<16xi32>
    %swap3A_1287 = arith.constant 0 : i32
    %swap3A_1288 = arith.index_cast %swap3A_1287 : i32 to index
    %swap3A_1289 = arith.constant 64 : index
    %swap3A_1290 = tpu.vector_load %arg6[%swap3A_1288, %swap3A_1289] {strides = array<i32>} : memref<2x128xi32, #tpu.memory_space<vmem>>, vector<1x16xi32>,
    %swap3A_1291 = vector.shape_cast %swap3A_1290 : vector<1x16xi32> to vector<16xi32>
    %swap3A_1292 = vector.shape_cast %add3A_1286 : vector<16xi32> to vector<1x16xi32>
    tpu.vector_store %arg6[%swap3A_1288, %swap3A_1289], %swap3A_1292 {strides = array<i32>} : memref<2x128xi32, #tpu.memory_space<vmem>>, vector<1x16xi32>,
    %add3A_1293 = arith.constant 80 : i32
    %add3A_1294 = arith.addi %rem3A_1187, %add3A_1293 : i32
    %add3A_1295 = vector.broadcast %add3A_1294 : i32 to vector<16xi32>
    %add3A_1296 = arith.addi %add3A_1295, %iota3A : vector<16xi32>
    %add3A_1297 = arith.constant 80 : i32
    %add3A_1298 = arith.addi %rem3A_1187, %add3A_1297 : i32
    %get3A_1299 = arith.index_cast %add3A_1298 : i32 to index
    %get3A_1300 = tpu.vector_load %arg5[%get3A_1299] {strides = array<i32>} : memref<256xi32, #tpu.memory_space<vmem>>, vector<16xi32>,
    %get3A_1301 = vector.shape_cast %get3A_1300 : vector<16xi32> to vector<16xi32>
    %mul3A_1302 = arith.constant 4096 : i32
    %mul3A_1303 = vector.broadcast %mul3A_1302 : i32 to vector<16xi32>
    %mul3A_1304 = arith.muli %add3A_1296, %mul3A_1303 : vector<16xi32>
    %add3A_1305 = arith.addi %mul3A_1304, %get3A_1301 : vector<16xi32>
    %add3A_1306 = vector.broadcast %div3A_1185 : i32 to vector<16xi32>
    %add3A_1307 = arith.addi %add3A_1305, %add3A_1306 : vector<16xi32>
    %swap3A_1308 = arith.constant 0 : i32
    %swap3A_1309 = arith.index_cast %swap3A_1308 : i32 to index
    %swap3A_1310 = arith.constant 80 : index
    %swap3A_1311 = tpu.vector_load %arg6[%swap3A_1309, %swap3A_1310] {strides = array<i32>} : memref<2x128xi32, #tpu.memory_space<vmem>>, vector<1x16xi32>,
    %swap3A_1312 = vector.shape_cast %swap3A_1311 : vector<1x16xi32> to vector<16xi32>
    %swap3A_1313 = vector.shape_cast %add3A_1307 : vector<16xi32> to vector<1x16xi32>
    tpu.vector_store %arg6[%swap3A_1309, %swap3A_1310], %swap3A_1313 {strides = array<i32>} : memref<2x128xi32, #tpu.memory_space<vmem>>, vector<1x16xi32>,
    %add3A_1314 = arith.constant 96 : i32
    %add3A_1315 = arith.addi %rem3A_1187, %add3A_1314 : i32
    %add3A_1316 = vector.broadcast %add3A_1315 : i32 to vector<16xi32>
    %add3A_1317 = arith.addi %add3A_1316, %iota3A : vector<16xi32>
    %add3A_1318 = arith.constant 96 : i32
    %add3A_1319 = arith.addi %rem3A_1187, %add3A_1318 : i32
    %get3A_1320 = arith.index_cast %add3A_1319 : i32 to index
    %get3A_1321 = tpu.vector_load %arg5[%get3A_1320] {strides = array<i32>} : memref<256xi32, #tpu.memory_space<vmem>>, vector<16xi32>,
    %get3A_1322 = vector.shape_cast %get3A_1321 : vector<16xi32> to vector<16xi32>
    %mul3A_1323 = arith.constant 4096 : i32
    %mul3A_1324 = vector.broadcast %mul3A_1323 : i32 to vector<16xi32>
    %mul3A_1325 = arith.muli %add3A_1317, %mul3A_1324 : vector<16xi32>
    %add3A_1326 = arith.addi %mul3A_1325, %get3A_1322 : vector<16xi32>
    %add3A_1327 = vector.broadcast %div3A_1185 : i32 to vector<16xi32>
    %add3A_1328 = arith.addi %add3A_1326, %add3A_1327 : vector<16xi32>
    %swap3A_1329 = arith.constant 0 : i32
    %swap3A_1330 = arith.index_cast %swap3A_1329 : i32 to index
    %swap3A_1331 = arith.constant 96 : index
    %swap3A_1332 = tpu.vector_load %arg6[%swap3A_1330, %swap3A_1331] {strides = array<i32>} : memref<2x128xi32, #tpu.memory_space<vmem>>, vector<1x16xi32>,
    %swap3A_1333 = vector.shape_cast %swap3A_1332 : vector<1x16xi32> to vector<16xi32>
    %swap3A_1334 = vector.shape_cast %add3A_1328 : vector<16xi32> to vector<1x16xi32>
    tpu.vector_store %arg6[%swap3A_1330, %swap3A_1331], %swap3A_1334 {strides = array<i32>} : memref<2x128xi32, #tpu.memory_space<vmem>>, vector<1x16xi32>,
    %add3A_1335 = arith.constant 112 : i32
    %add3A_1336 = arith.addi %rem3A_1187, %add3A_1335 : i32
    %add3A_1337 = vector.broadcast %add3A_1336 : i32 to vector<16xi32>
    %add3A_1338 = arith.addi %add3A_1337, %iota3A : vector<16xi32>
    %add3A_1339 = arith.constant 112 : i32
    %add3A_1340 = arith.addi %rem3A_1187, %add3A_1339 : i32
    %get3A_1341 = arith.index_cast %add3A_1340 : i32 to index
    %get3A_1342 = tpu.vector_load %arg5[%get3A_1341] {strides = array<i32>} : memref<256xi32, #tpu.memory_space<vmem>>, vector<16xi32>,
    %get3A_1343 = vector.shape_cast %get3A_1342 : vector<16xi32> to vector<16xi32>
    %mul3A_1344 = arith.constant 4096 : i32
    %mul3A_1345 = vector.broadcast %mul3A_1344 : i32 to vector<16xi32>
    %mul3A_1346 = arith.muli %add3A_1338, %mul3A_1345 : vector<16xi32>
    %add3A_1347 = arith.addi %mul3A_1346, %get3A_1343 : vector<16xi32>
    %add3A_1348 = vector.broadcast %div3A_1185 : i32 to vector<16xi32>
    %add3A_1349 = arith.addi %add3A_1347, %add3A_1348 : vector<16xi32>
    %swap3A_1350 = arith.constant 0 : i32
    %swap3A_1351 = arith.index_cast %swap3A_1350 : i32 to index
    %swap3A_1352 = arith.constant 112 : index
    %swap3A_1353 = tpu.vector_load %arg6[%swap3A_1351, %swap3A_1352] {strides = array<i32>} : memref<2x128xi32, #tpu.memory_space<vmem>>, vector<1x16xi32>,
    %swap3A_1354 = vector.shape_cast %swap3A_1353 : vector<1x16xi32> to vector<16xi32>
    %swap3A_1355 = vector.shape_cast %add3A_1349 : vector<16xi32> to vector<1x16xi32>
    tpu.vector_store %arg6[%swap3A_1351, %swap3A_1352], %swap3A_1355 {strides = array<i32>} : memref<2x128xi32, #tpu.memory_space<vmem>>, vector<1x16xi32>,
    %add3A_1356 = arith.constant 3840 : i32
    %add3A_1357 = arith.addi %mul3A_4, %add3A_1356 : i32
    %add3A_1358 = arith.constant 128 : i32
    %add3A_1359 = arith.addi %add3A_1357, %add3A_1358 : i32
    %div3A_1360 = arith.constant 256 : i32
    %div3A_1361 = arith.divsi %add3A_1359, %div3A_1360 : i32
    %rem3A_1362 = arith.constant 256 : i32
    %rem3A_1363 = arith.remsi %add3A_1359, %rem3A_1362 : i32
    %add3A_1364 = arith.constant 0 : i32
    %add3A_1365 = arith.addi %rem3A_1363, %add3A_1364 : i32
    %add3A_1366 = vector.broadcast %add3A_1365 : i32 to vector<16xi32>
    %add3A_1367 = arith.addi %add3A_1366, %iota3A : vector<16xi32>
    %add3A_1368 = arith.constant 0 : i32
    %add3A_1369 = arith.addi %rem3A_1363, %add3A_1368 : i32
    %get3A_1370 = arith.index_cast %add3A_1369 : i32 to index
    %get3A_1371 = tpu.vector_load %arg5[%get3A_1370] {strides = array<i32>} : memref<256xi32, #tpu.memory_space<vmem>>, vector<16xi32>,
    %get3A_1372 = vector.shape_cast %get3A_1371 : vector<16xi32> to vector<16xi32>
    %mul3A_1373 = arith.constant 4096 : i32
    %mul3A_1374 = vector.broadcast %mul3A_1373 : i32 to vector<16xi32>
    %mul3A_1375 = arith.muli %add3A_1367, %mul3A_1374 : vector<16xi32>
    %add3A_1376 = arith.addi %mul3A_1375, %get3A_1372 : vector<16xi32>
    %add3A_1377 = vector.broadcast %div3A_1361 : i32 to vector<16xi32>
    %add3A_1378 = arith.addi %add3A_1376, %add3A_1377 : vector<16xi32>
    %swap3A_1379 = arith.constant 1 : i32
    %swap3A_1380 = arith.index_cast %swap3A_1379 : i32 to index
    %swap3A_1381 = arith.constant 0 : index
    %swap3A_1382 = tpu.vector_load %arg6[%swap3A_1380, %swap3A_1381] {strides = array<i32>} : memref<2x128xi32, #tpu.memory_space<vmem>>, vector<1x16xi32>,
    %swap3A_1383 = vector.shape_cast %swap3A_1382 : vector<1x16xi32> to vector<16xi32>
    %swap3A_1384 = vector.shape_cast %add3A_1378 : vector<16xi32> to vector<1x16xi32>
    tpu.vector_store %arg6[%swap3A_1380, %swap3A_1381], %swap3A_1384 {strides = array<i32>} : memref<2x128xi32, #tpu.memory_space<vmem>>, vector<1x16xi32>,
    %add3A_1385 = arith.constant 16 : i32
    %add3A_1386 = arith.addi %rem3A_1363, %add3A_1385 : i32
    %add3A_1387 = vector.broadcast %add3A_1386 : i32 to vector<16xi32>
    %add3A_1388 = arith.addi %add3A_1387, %iota3A : vector<16xi32>
    %add3A_1389 = arith.constant 16 : i32
    %add3A_1390 = arith.addi %rem3A_1363, %add3A_1389 : i32
    %get3A_1391 = arith.index_cast %add3A_1390 : i32 to index
    %get3A_1392 = tpu.vector_load %arg5[%get3A_1391] {strides = array<i32>} : memref<256xi32, #tpu.memory_space<vmem>>, vector<16xi32>,
    %get3A_1393 = vector.shape_cast %get3A_1392 : vector<16xi32> to vector<16xi32>
    %mul3A_1394 = arith.constant 4096 : i32
    %mul3A_1395 = vector.broadcast %mul3A_1394 : i32 to vector<16xi32>
    %mul3A_1396 = arith.muli %add3A_1388, %mul3A_1395 : vector<16xi32>
    %add3A_1397 = arith.addi %mul3A_1396, %get3A_1393 : vector<16xi32>
    %add3A_1398 = vector.broadcast %div3A_1361 : i32 to vector<16xi32>
    %add3A_1399 = arith.addi %add3A_1397, %add3A_1398 : vector<16xi32>
    %swap3A_1400 = arith.constant 1 : i32
    %swap3A_1401 = arith.index_cast %swap3A_1400 : i32 to index
    %swap3A_1402 = arith.constant 16 : index
    %swap3A_1403 = tpu.vector_load %arg6[%swap3A_1401, %swap3A_1402] {strides = array<i32>} : memref<2x128xi32, #tpu.memory_space<vmem>>, vector<1x16xi32>,
    %swap3A_1404 = vector.shape_cast %swap3A_1403 : vector<1x16xi32> to vector<16xi32>
    %swap3A_1405 = vector.shape_cast %add3A_1399 : vector<16xi32> to vector<1x16xi32>
    tpu.vector_store %arg6[%swap3A_1401, %swap3A_1402], %swap3A_1405 {strides = array<i32>} : memref<2x128xi32, #tpu.memory_space<vmem>>, vector<1x16xi32>,
    %add3A_1406 = arith.constant 32 : i32
    %add3A_1407 = arith.addi %rem3A_1363, %add3A_1406 : i32
    %add3A_1408 = vector.broadcast %add3A_1407 : i32 to vector<16xi32>
    %add3A_1409 = arith.addi %add3A_1408, %iota3A : vector<16xi32>
    %add3A_1410 = arith.constant 32 : i32
    %add3A_1411 = arith.addi %rem3A_1363, %add3A_1410 : i32
    %get3A_1412 = arith.index_cast %add3A_1411 : i32 to index
    %get3A_1413 = tpu.vector_load %arg5[%get3A_1412] {strides = array<i32>} : memref<256xi32, #tpu.memory_space<vmem>>, vector<16xi32>,
    %get3A_1414 = vector.shape_cast %get3A_1413 : vector<16xi32> to vector<16xi32>
    %mul3A_1415 = arith.constant 4096 : i32
    %mul3A_1416 = vector.broadcast %mul3A_1415 : i32 to vector<16xi32>
    %mul3A_1417 = arith.muli %add3A_1409, %mul3A_1416 : vector<16xi32>
    %add3A_1418 = arith.addi %mul3A_1417, %get3A_1414 : vector<16xi32>
    %add3A_1419 = vector.broadcast %div3A_1361 : i32 to vector<16xi32>
    %add3A_1420 = arith.addi %add3A_1418, %add3A_1419 : vector<16xi32>
    %swap3A_1421 = arith.constant 1 : i32
    %swap3A_1422 = arith.index_cast %swap3A_1421 : i32 to index
    %swap3A_1423 = arith.constant 32 : index
    %swap3A_1424 = tpu.vector_load %arg6[%swap3A_1422, %swap3A_1423] {strides = array<i32>} : memref<2x128xi32, #tpu.memory_space<vmem>>, vector<1x16xi32>,
    %swap3A_1425 = vector.shape_cast %swap3A_1424 : vector<1x16xi32> to vector<16xi32>
    %swap3A_1426 = vector.shape_cast %add3A_1420 : vector<16xi32> to vector<1x16xi32>
    tpu.vector_store %arg6[%swap3A_1422, %swap3A_1423], %swap3A_1426 {strides = array<i32>} : memref<2x128xi32, #tpu.memory_space<vmem>>, vector<1x16xi32>,
    %add3A_1427 = arith.constant 48 : i32
    %add3A_1428 = arith.addi %rem3A_1363, %add3A_1427 : i32
    %add3A_1429 = vector.broadcast %add3A_1428 : i32 to vector<16xi32>
    %add3A_1430 = arith.addi %add3A_1429, %iota3A : vector<16xi32>
    %add3A_1431 = arith.constant 48 : i32
    %add3A_1432 = arith.addi %rem3A_1363, %add3A_1431 : i32
    %get3A_1433 = arith.index_cast %add3A_1432 : i32 to index
    %get3A_1434 = tpu.vector_load %arg5[%get3A_1433] {strides = array<i32>} : memref<256xi32, #tpu.memory_space<vmem>>, vector<16xi32>,
    %get3A_1435 = vector.shape_cast %get3A_1434 : vector<16xi32> to vector<16xi32>
    %mul3A_1436 = arith.constant 4096 : i32
    %mul3A_1437 = vector.broadcast %mul3A_1436 : i32 to vector<16xi32>
    %mul3A_1438 = arith.muli %add3A_1430, %mul3A_1437 : vector<16xi32>
    %add3A_1439 = arith.addi %mul3A_1438, %get3A_1435 : vector<16xi32>
    %add3A_1440 = vector.broadcast %div3A_1361 : i32 to vector<16xi32>
    %add3A_1441 = arith.addi %add3A_1439, %add3A_1440 : vector<16xi32>
    %swap3A_1442 = arith.constant 1 : i32
    %swap3A_1443 = arith.index_cast %swap3A_1442 : i32 to index
    %swap3A_1444 = arith.constant 48 : index
    %swap3A_1445 = tpu.vector_load %arg6[%swap3A_1443, %swap3A_1444] {strides = array<i32>} : memref<2x128xi32, #tpu.memory_space<vmem>>, vector<1x16xi32>,
    %swap3A_1446 = vector.shape_cast %swap3A_1445 : vector<1x16xi32> to vector<16xi32>
    %swap3A_1447 = vector.shape_cast %add3A_1441 : vector<16xi32> to vector<1x16xi32>
    tpu.vector_store %arg6[%swap3A_1443, %swap3A_1444], %swap3A_1447 {strides = array<i32>} : memref<2x128xi32, #tpu.memory_space<vmem>>, vector<1x16xi32>,
    %add3A_1448 = arith.constant 64 : i32
    %add3A_1449 = arith.addi %rem3A_1363, %add3A_1448 : i32
    %add3A_1450 = vector.broadcast %add3A_1449 : i32 to vector<16xi32>
    %add3A_1451 = arith.addi %add3A_1450, %iota3A : vector<16xi32>
    %add3A_1452 = arith.constant 64 : i32
    %add3A_1453 = arith.addi %rem3A_1363, %add3A_1452 : i32
    %get3A_1454 = arith.index_cast %add3A_1453 : i32 to index
    %get3A_1455 = tpu.vector_load %arg5[%get3A_1454] {strides = array<i32>} : memref<256xi32, #tpu.memory_space<vmem>>, vector<16xi32>,
    %get3A_1456 = vector.shape_cast %get3A_1455 : vector<16xi32> to vector<16xi32>
    %mul3A_1457 = arith.constant 4096 : i32
    %mul3A_1458 = vector.broadcast %mul3A_1457 : i32 to vector<16xi32>
    %mul3A_1459 = arith.muli %add3A_1451, %mul3A_1458 : vector<16xi32>
    %add3A_1460 = arith.addi %mul3A_1459, %get3A_1456 : vector<16xi32>
    %add3A_1461 = vector.broadcast %div3A_1361 : i32 to vector<16xi32>
    %add3A_1462 = arith.addi %add3A_1460, %add3A_1461 : vector<16xi32>
    %swap3A_1463 = arith.constant 1 : i32
    %swap3A_1464 = arith.index_cast %swap3A_1463 : i32 to index
    %swap3A_1465 = arith.constant 64 : index
    %swap3A_1466 = tpu.vector_load %arg6[%swap3A_1464, %swap3A_1465] {strides = array<i32>} : memref<2x128xi32, #tpu.memory_space<vmem>>, vector<1x16xi32>,
    %swap3A_1467 = vector.shape_cast %swap3A_1466 : vector<1x16xi32> to vector<16xi32>
    %swap3A_1468 = vector.shape_cast %add3A_1462 : vector<16xi32> to vector<1x16xi32>
    tpu.vector_store %arg6[%swap3A_1464, %swap3A_1465], %swap3A_1468 {strides = array<i32>} : memref<2x128xi32, #tpu.memory_space<vmem>>, vector<1x16xi32>,
    %add3A_1469 = arith.constant 80 : i32
    %add3A_1470 = arith.addi %rem3A_1363, %add3A_1469 : i32
    %add3A_1471 = vector.broadcast %add3A_1470 : i32 to vector<16xi32>
    %add3A_1472 = arith.addi %add3A_1471, %iota3A : vector<16xi32>
    %add3A_1473 = arith.constant 80 : i32
    %add3A_1474 = arith.addi %rem3A_1363, %add3A_1473 : i32
    %get3A_1475 = arith.index_cast %add3A_1474 : i32 to index
    %get3A_1476 = tpu.vector_load %arg5[%get3A_1475] {strides = array<i32>} : memref<256xi32, #tpu.memory_space<vmem>>, vector<16xi32>,
    %get3A_1477 = vector.shape_cast %get3A_1476 : vector<16xi32> to vector<16xi32>
    %mul3A_1478 = arith.constant 4096 : i32
    %mul3A_1479 = vector.broadcast %mul3A_1478 : i32 to vector<16xi32>
    %mul3A_1480 = arith.muli %add3A_1472, %mul3A_1479 : vector<16xi32>
    %add3A_1481 = arith.addi %mul3A_1480, %get3A_1477 : vector<16xi32>
    %add3A_1482 = vector.broadcast %div3A_1361 : i32 to vector<16xi32>
    %add3A_1483 = arith.addi %add3A_1481, %add3A_1482 : vector<16xi32>
    %swap3A_1484 = arith.constant 1 : i32
    %swap3A_1485 = arith.index_cast %swap3A_1484 : i32 to index
    %swap3A_1486 = arith.constant 80 : index
    %swap3A_1487 = tpu.vector_load %arg6[%swap3A_1485, %swap3A_1486] {strides = array<i32>} : memref<2x128xi32, #tpu.memory_space<vmem>>, vector<1x16xi32>,
    %swap3A_1488 = vector.shape_cast %swap3A_1487 : vector<1x16xi32> to vector<16xi32>
    %swap3A_1489 = vector.shape_cast %add3A_1483 : vector<16xi32> to vector<1x16xi32>
    tpu.vector_store %arg6[%swap3A_1485, %swap3A_1486], %swap3A_1489 {strides = array<i32>} : memref<2x128xi32, #tpu.memory_space<vmem>>, vector<1x16xi32>,
    %add3A_1490 = arith.constant 96 : i32
    %add3A_1491 = arith.addi %rem3A_1363, %add3A_1490 : i32
    %add3A_1492 = vector.broadcast %add3A_1491 : i32 to vector<16xi32>
    %add3A_1493 = arith.addi %add3A_1492, %iota3A : vector<16xi32>
    %add3A_1494 = arith.constant 96 : i32
    %add3A_1495 = arith.addi %rem3A_1363, %add3A_1494 : i32
    %get3A_1496 = arith.index_cast %add3A_1495 : i32 to index
    %get3A_1497 = tpu.vector_load %arg5[%get3A_1496] {strides = array<i32>} : memref<256xi32, #tpu.memory_space<vmem>>, vector<16xi32>,
    %get3A_1498 = vector.shape_cast %get3A_1497 : vector<16xi32> to vector<16xi32>
    %mul3A_1499 = arith.constant 4096 : i32
    %mul3A_1500 = vector.broadcast %mul3A_1499 : i32 to vector<16xi32>
    %mul3A_1501 = arith.muli %add3A_1493, %mul3A_1500 : vector<16xi32>
    %add3A_1502 = arith.addi %mul3A_1501, %get3A_1498 : vector<16xi32>
    %add3A_1503 = vector.broadcast %div3A_1361 : i32 to vector<16xi32>
    %add3A_1504 = arith.addi %add3A_1502, %add3A_1503 : vector<16xi32>
    %swap3A_1505 = arith.constant 1 : i32
    %swap3A_1506 = arith.index_cast %swap3A_1505 : i32 to index
    %swap3A_1507 = arith.constant 96 : index
    %swap3A_1508 = tpu.vector_load %arg6[%swap3A_1506, %swap3A_1507] {strides = array<i32>} : memref<2x128xi32, #tpu.memory_space<vmem>>, vector<1x16xi32>,
    %swap3A_1509 = vector.shape_cast %swap3A_1508 : vector<1x16xi32> to vector<16xi32>
    %swap3A_1510 = vector.shape_cast %add3A_1504 : vector<16xi32> to vector<1x16xi32>
    tpu.vector_store %arg6[%swap3A_1506, %swap3A_1507], %swap3A_1510 {strides = array<i32>} : memref<2x128xi32, #tpu.memory_space<vmem>>, vector<1x16xi32>,
    %add3A_1511 = arith.constant 112 : i32
    %add3A_1512 = arith.addi %rem3A_1363, %add3A_1511 : i32
    %add3A_1513 = vector.broadcast %add3A_1512 : i32 to vector<16xi32>
    %add3A_1514 = arith.addi %add3A_1513, %iota3A : vector<16xi32>
    %add3A_1515 = arith.constant 112 : i32
    %add3A_1516 = arith.addi %rem3A_1363, %add3A_1515 : i32
    %get3A_1517 = arith.index_cast %add3A_1516 : i32 to index
    %get3A_1518 = tpu.vector_load %arg5[%get3A_1517] {strides = array<i32>} : memref<256xi32, #tpu.memory_space<vmem>>, vector<16xi32>,
    %get3A_1519 = vector.shape_cast %get3A_1518 : vector<16xi32> to vector<16xi32>
    %mul3A_1520 = arith.constant 4096 : i32
    %mul3A_1521 = vector.broadcast %mul3A_1520 : i32 to vector<16xi32>
    %mul3A_1522 = arith.muli %add3A_1514, %mul3A_1521 : vector<16xi32>
    %add3A_1523 = arith.addi %mul3A_1522, %get3A_1519 : vector<16xi32>
    %add3A_1524 = vector.broadcast %div3A_1361 : i32 to vector<16xi32>
    %add3A_1525 = arith.addi %add3A_1523, %add3A_1524 : vector<16xi32>
    %swap3A_1526 = arith.constant 1 : i32
    %swap3A_1527 = arith.index_cast %swap3A_1526 : i32 to index
    %swap3A_1528 = arith.constant 112 : index
    %swap3A_1529 = tpu.vector_load %arg6[%swap3A_1527, %swap3A_1528] {strides = array<i32>} : memref<2x128xi32, #tpu.memory_space<vmem>>, vector<1x16xi32>,
    %swap3A_1530 = vector.shape_cast %swap3A_1529 : vector<1x16xi32> to vector<16xi32>
    %swap3A_1531 = vector.shape_cast %add3A_1525 : vector<16xi32> to vector<1x16xi32>
    tpu.vector_store %arg6[%swap3A_1527, %swap3A_1528], %swap3A_1531 {strides = array<i32>} : memref<2x128xi32, #tpu.memory_space<vmem>>, vector<1x16xi32>,
    %add3A_1532 = arith.constant 12 : i32
    %add3A_1533 = arith.addi %mul3A_2, %add3A_1532 : i32
    %dma_wait3A_1534 = arith.constant 0 : i32
    %dma_wait3A_1535 = arith.constant 0 : i32
    %dma_wait3A_1536 = tpu.memref_slice %arg4[%add3A_1533, %dma_wait3A_1534, %dma_wait3A_1535] : memref<512x256x128xf32, #tpu.memory_space<hbm>> -> memref<1x256x128xf32, #tpu.memory_space<hbm>>
    %dma_wait3A_1537 = tpu.memref_squeeze %dma_wait3A_1536 : memref<1x256x128xf32, #tpu.memory_space<hbm>> -> memref<256x128xf32, #tpu.memory_space<hbm>>
    %dma_wait3A_1538 = arith.constant 0 : i32
    %dma_wait3A_1539 = arith.constant 0 : i32
    %dma_wait3A_1540 = tpu.memref_slice %arg4[%add3A_1533, %dma_wait3A_1538, %dma_wait3A_1539] : memref<512x256x128xf32, #tpu.memory_space<hbm>> -> memref<1x256x128xf32, #tpu.memory_space<hbm>>
    %dma_wait3A_1541 = tpu.memref_squeeze %dma_wait3A_1540 : memref<1x256x128xf32, #tpu.memory_space<hbm>> -> memref<256x128xf32, #tpu.memory_space<hbm>>
    tpu.wait_dma2 semaphore(%arg15 : memref<!tpu.dma_semaphore, #tpu.memory_space<semaphore_mem>>) src(%arg9 : memref<256x128xf32, #tpu.memory_space<vmem>>) dst(%dma_wait3A_1541 : memref<256x128xf32, #tpu.memory_space<hbm>>)
    %dma_start3A_1542 = arith.constant 0 : i32
    %dma_start3A_1543 = arith.constant 0 : i32
    %dma_start3A_1544 = arith.constant 0 : i32
    %dma_start3A_1545 = tpu.memref_slice %arg9[%dma_start3A_1543, %dma_start3A_1544] : memref<256x128xf32, #tpu.memory_space<vmem>> -> memref<128x128xf32, #tpu.memory_space<vmem>>
    %dma_start3A_1546 = arith.constant 0 : i32
    %dma_start3A_1547 = tpu.memref_slice %arg6[%dma_start3A_1542, %dma_start3A_1546] : memref<2x128xi32, #tpu.memory_space<vmem>> -> memref<1x128xi32, #tpu.memory_space<vmem>>
    %dma_start3A_1548 = tpu.memref_squeeze %dma_start3A_1547 : memref<1x128xi32, #tpu.memory_space<vmem>> -> memref<128xi32, #tpu.memory_space<vmem>>
    %dma_start3A_1549 = arith.constant 0 : i32
    %dma_start3A_1550 = arith.constant 0 : i32
    %dma_start3A_1551 = tpu.memref_slice %arg2[%dma_start3A_1549, %dma_start3A_1550] : memref<1048576x128xf32, #tpu.memory_space<hbm>> -> memref<1048576x128xf32, #tpu.memory_space<hbm>>
    tpu.enqueue_indirect_dma source(%dma_start3A_1551 : memref<1048576x128xf32, #tpu.memory_space<hbm>>) target(%dma_start3A_1545 : memref<128x128xf32, #tpu.memory_space<vmem>>) offsets(%dma_start3A_1548 : memref<128xi32, #tpu.memory_space<vmem>>) semaphore(%arg12 : memref<!tpu.dma_semaphore, #tpu.memory_space<semaphore_mem>>)
    %dma_start3A_1552 = arith.constant 1 : i32
    %dma_start3A_1553 = arith.constant 128 : i32
    %dma_start3A_1554 = arith.constant 0 : i32
    %dma_start3A_1555 = tpu.memref_slice %arg9[%dma_start3A_1553, %dma_start3A_1554] : memref<256x128xf32, #tpu.memory_space<vmem>> -> memref<128x128xf32, #tpu.memory_space<vmem>>
    %dma_start3A_1556 = arith.constant 0 : i32
    %dma_start3A_1557 = tpu.memref_slice %arg6[%dma_start3A_1552, %dma_start3A_1556] : memref<2x128xi32, #tpu.memory_space<vmem>> -> memref<1x128xi32, #tpu.memory_space<vmem>>
    %dma_start3A_1558 = tpu.memref_squeeze %dma_start3A_1557 : memref<1x128xi32, #tpu.memory_space<vmem>> -> memref<128xi32, #tpu.memory_space<vmem>>
    %dma_start3A_1559 = arith.constant 0 : i32
    %dma_start3A_1560 = arith.constant 0 : i32
    %dma_start3A_1561 = tpu.memref_slice %arg2[%dma_start3A_1559, %dma_start3A_1560] : memref<1048576x128xf32, #tpu.memory_space<hbm>> -> memref<1048576x128xf32, #tpu.memory_space<hbm>>
    tpu.enqueue_indirect_dma source(%dma_start3A_1561 : memref<1048576x128xf32, #tpu.memory_space<hbm>>) target(%dma_start3A_1555 : memref<128x128xf32, #tpu.memory_space<vmem>>) offsets(%dma_start3A_1558 : memref<128xi32, #tpu.memory_space<vmem>>) semaphore(%arg12 : memref<!tpu.dma_semaphore, #tpu.memory_space<semaphore_mem>>)
    %dma_wait3A_1562 = arith.constant 0 : i32
    %dma_wait3A_1563 = arith.constant 0 : i32
    %dma_wait3A_1564 = arith.constant 0 : i32
    %dma_wait3A_1565 = tpu.memref_slice %arg11[%dma_wait3A_1563, %dma_wait3A_1564] : memref<256x128xf32, #tpu.memory_space<vmem>> -> memref<128x128xf32, #tpu.memory_space<vmem>>
    %dma_wait3A_1566 = arith.constant 0 : i32
    %dma_wait3A_1567 = tpu.memref_slice %arg8[%dma_wait3A_1562, %dma_wait3A_1566] : memref<2x128xi32, #tpu.memory_space<vmem>> -> memref<1x128xi32, #tpu.memory_space<vmem>>
    %dma_wait3A_1568 = tpu.memref_squeeze %dma_wait3A_1567 : memref<1x128xi32, #tpu.memory_space<vmem>> -> memref<128xi32, #tpu.memory_space<vmem>>
    %dma_wait3A_1569 = arith.constant 0 : i32
    %dma_wait3A_1570 = arith.constant 0 : i32
    %dma_wait3A_1571 = tpu.memref_slice %arg2[%dma_wait3A_1569, %dma_wait3A_1570] : memref<1048576x128xf32, #tpu.memory_space<hbm>> -> memref<1048576x128xf32, #tpu.memory_space<hbm>>
    tpu.wait_indirect_dma semaphore(%arg14 : memref<!tpu.dma_semaphore, #tpu.memory_space<semaphore_mem>>) src(%dma_wait3A_1571 : memref<1048576x128xf32, #tpu.memory_space<hbm>>) dst(%dma_wait3A_1565 : memref<128x128xf32, #tpu.memory_space<vmem>>)
    %dma_wait3A_1572 = arith.constant 1 : i32
    %dma_wait3A_1573 = arith.constant 128 : i32
    %dma_wait3A_1574 = arith.constant 0 : i32
    %dma_wait3A_1575 = tpu.memref_slice %arg11[%dma_wait3A_1573, %dma_wait3A_1574] : memref<256x128xf32, #tpu.memory_space<vmem>> -> memref<128x128xf32, #tpu.memory_space<vmem>>
    %dma_wait3A_1576 = arith.constant 0 : i32
    %dma_wait3A_1577 = tpu.memref_slice %arg8[%dma_wait3A_1572, %dma_wait3A_1576] : memref<2x128xi32, #tpu.memory_space<vmem>> -> memref<1x128xi32, #tpu.memory_space<vmem>>
    %dma_wait3A_1578 = tpu.memref_squeeze %dma_wait3A_1577 : memref<1x128xi32, #tpu.memory_space<vmem>> -> memref<128xi32, #tpu.memory_space<vmem>>
    %dma_wait3A_1579 = arith.constant 0 : i32
    %dma_wait3A_1580 = arith.constant 0 : i32
    %dma_wait3A_1581 = tpu.memref_slice %arg2[%dma_wait3A_1579, %dma_wait3A_1580] : memref<1048576x128xf32, #tpu.memory_space<hbm>> -> memref<1048576x128xf32, #tpu.memory_space<hbm>>
    tpu.wait_indirect_dma semaphore(%arg14 : memref<!tpu.dma_semaphore, #tpu.memory_space<semaphore_mem>>) src(%dma_wait3A_1581 : memref<1048576x128xf32, #tpu.memory_space<hbm>>) dst(%dma_wait3A_1575 : memref<128x128xf32, #tpu.memory_space<vmem>>)
    %add3A_1582 = arith.constant 14 : i32
    %add3A_1583 = arith.addi %mul3A_2, %add3A_1582 : i32
    %dma_start3A_1584 = arith.constant 0 : i32
    %dma_start3A_1585 = arith.constant 0 : i32
    %dma_start3A_1586 = tpu.memref_slice %arg4[%add3A_1583, %dma_start3A_1584, %dma_start3A_1585] : memref<512x256x128xf32, #tpu.memory_space<hbm>> -> memref<1x256x128xf32, #tpu.memory_space<hbm>>
    %dma_start3A_1587 = tpu.memref_squeeze %dma_start3A_1586 : memref<1x256x128xf32, #tpu.memory_space<hbm>> -> memref<256x128xf32, #tpu.memory_space<hbm>>
    %dma_start3A_1588 = arith.constant 0 : i32
    %dma_start3A_1589 = arith.constant 0 : i32
    %dma_start3A_1590 = tpu.memref_slice %arg4[%add3A_1583, %dma_start3A_1588, %dma_start3A_1589] : memref<512x256x128xf32, #tpu.memory_space<hbm>> -> memref<1x256x128xf32, #tpu.memory_space<hbm>>
    %dma_start3A_1591 = tpu.memref_squeeze %dma_start3A_1590 : memref<1x256x128xf32, #tpu.memory_space<hbm>> -> memref<256x128xf32, #tpu.memory_space<hbm>>
    tpu.enqueue_dma source(%arg11 : memref<256x128xf32, #tpu.memory_space<vmem>>) target(%dma_start3A_1591 : memref<256x128xf32, #tpu.memory_space<hbm>>) target_semaphore(%arg17 : memref<!tpu.dma_semaphore, #tpu.memory_space<semaphore_mem>>)
    %dma_wait3A_1592 = arith.constant 0 : i32
    %dma_wait3A_1593 = arith.constant 0 : i32
    %dma_wait3A_1594 = arith.constant 0 : i32
    %dma_wait3A_1595 = tpu.memref_slice %arg9[%dma_wait3A_1593, %dma_wait3A_1594] : memref<256x128xf32, #tpu.memory_space<vmem>> -> memref<128x128xf32, #tpu.memory_space<vmem>>
    %dma_wait3A_1596 = arith.constant 0 : i32
    %dma_wait3A_1597 = tpu.memref_slice %arg6[%dma_wait3A_1592, %dma_wait3A_1596] : memref<2x128xi32, #tpu.memory_space<vmem>> -> memref<1x128xi32, #tpu.memory_space<vmem>>
    %dma_wait3A_1598 = tpu.memref_squeeze %dma_wait3A_1597 : memref<1x128xi32, #tpu.memory_space<vmem>> -> memref<128xi32, #tpu.memory_space<vmem>>
    %dma_wait3A_1599 = arith.constant 0 : i32
    %dma_wait3A_1600 = arith.constant 0 : i32
    %dma_wait3A_1601 = tpu.memref_slice %arg2[%dma_wait3A_1599, %dma_wait3A_1600] : memref<1048576x128xf32, #tpu.memory_space<hbm>> -> memref<1048576x128xf32, #tpu.memory_space<hbm>>
    tpu.wait_indirect_dma semaphore(%arg12 : memref<!tpu.dma_semaphore, #tpu.memory_space<semaphore_mem>>) src(%dma_wait3A_1601 : memref<1048576x128xf32, #tpu.memory_space<hbm>>) dst(%dma_wait3A_1595 : memref<128x128xf32, #tpu.memory_space<vmem>>)
    %dma_wait3A_1602 = arith.constant 1 : i32
    %dma_wait3A_1603 = arith.constant 128 : i32
    %dma_wait3A_1604 = arith.constant 0 : i32
    %dma_wait3A_1605 = tpu.memref_slice %arg9[%dma_wait3A_1603, %dma_wait3A_1604] : memref<256x128xf32, #tpu.memory_space<vmem>> -> memref<128x128xf32, #tpu.memory_space<vmem>>
    %dma_wait3A_1606 = arith.constant 0 : i32
    %dma_wait3A_1607 = tpu.memref_slice %arg6[%dma_wait3A_1602, %dma_wait3A_1606] : memref<2x128xi32, #tpu.memory_space<vmem>> -> memref<1x128xi32, #tpu.memory_space<vmem>>
    %dma_wait3A_1608 = tpu.memref_squeeze %dma_wait3A_1607 : memref<1x128xi32, #tpu.memory_space<vmem>> -> memref<128xi32, #tpu.memory_space<vmem>>
    %dma_wait3A_1609 = arith.constant 0 : i32
    %dma_wait3A_1610 = arith.constant 0 : i32
    %dma_wait3A_1611 = tpu.memref_slice %arg2[%dma_wait3A_1609, %dma_wait3A_1610] : memref<1048576x128xf32, #tpu.memory_space<hbm>> -> memref<1048576x128xf32, #tpu.memory_space<hbm>>
    tpu.wait_indirect_dma semaphore(%arg12 : memref<!tpu.dma_semaphore, #tpu.memory_space<semaphore_mem>>) src(%dma_wait3A_1611 : memref<1048576x128xf32, #tpu.memory_space<hbm>>) dst(%dma_wait3A_1605 : memref<128x128xf32, #tpu.memory_space<vmem>>)
    %add3A_1612 = arith.constant 15 : i32
    %add3A_1613 = arith.addi %mul3A_2, %add3A_1612 : i32
    %dma_start3A_1614 = arith.constant 0 : i32
    %dma_start3A_1615 = arith.constant 0 : i32
    %dma_start3A_1616 = tpu.memref_slice %arg4[%add3A_1613, %dma_start3A_1614, %dma_start3A_1615] : memref<512x256x128xf32, #tpu.memory_space<hbm>> -> memref<1x256x128xf32, #tpu.memory_space<hbm>>
    %dma_start3A_1617 = tpu.memref_squeeze %dma_start3A_1616 : memref<1x256x128xf32, #tpu.memory_space<hbm>> -> memref<256x128xf32, #tpu.memory_space<hbm>>
    %dma_start3A_1618 = arith.constant 0 : i32
    %dma_start3A_1619 = arith.constant 0 : i32
    %dma_start3A_1620 = tpu.memref_slice %arg4[%add3A_1613, %dma_start3A_1618, %dma_start3A_1619] : memref<512x256x128xf32, #tpu.memory_space<hbm>> -> memref<1x256x128xf32, #tpu.memory_space<hbm>>
    %dma_start3A_1621 = tpu.memref_squeeze %dma_start3A_1620 : memref<1x256x128xf32, #tpu.memory_space<hbm>> -> memref<256x128xf32, #tpu.memory_space<hbm>>
    tpu.enqueue_dma source(%arg9 : memref<256x128xf32, #tpu.memory_space<vmem>>) target(%dma_start3A_1621 : memref<256x128xf32, #tpu.memory_space<hbm>>) target_semaphore(%arg15 : memref<!tpu.dma_semaphore, #tpu.memory_space<semaphore_mem>>)
    %add3A_1622 = arith.constant 13 : i32
    %add3A_1623 = arith.addi %mul3A_2, %add3A_1622 : i32
    %dma_wait3A_1624 = arith.constant 0 : i32
    %dma_wait3A_1625 = arith.constant 0 : i32
    %dma_wait3A_1626 = tpu.memref_slice %arg4[%add3A_1623, %dma_wait3A_1624, %dma_wait3A_1625] : memref<512x256x128xf32, #tpu.memory_space<hbm>> -> memref<1x256x128xf32, #tpu.memory_space<hbm>>
    %dma_wait3A_1627 = tpu.memref_squeeze %dma_wait3A_1626 : memref<1x256x128xf32, #tpu.memory_space<hbm>> -> memref<256x128xf32, #tpu.memory_space<hbm>>
    %dma_wait3A_1628 = arith.constant 0 : i32
    %dma_wait3A_1629 = arith.constant 0 : i32
    %dma_wait3A_1630 = tpu.memref_slice %arg4[%add3A_1623, %dma_wait3A_1628, %dma_wait3A_1629] : memref<512x256x128xf32, #tpu.memory_space<hbm>> -> memref<1x256x128xf32, #tpu.memory_space<hbm>>
    %dma_wait3A_1631 = tpu.memref_squeeze %dma_wait3A_1630 : memref<1x256x128xf32, #tpu.memory_space<hbm>> -> memref<256x128xf32, #tpu.memory_space<hbm>>
    tpu.wait_dma2 semaphore(%arg16 : memref<!tpu.dma_semaphore, #tpu.memory_space<semaphore_mem>>) src(%arg10 : memref<256x128xf32, #tpu.memory_space<vmem>>) dst(%dma_wait3A_1631 : memref<256x128xf32, #tpu.memory_space<hbm>>)
    %add3A_1632 = arith.constant 14 : i32
    %add3A_1633 = arith.addi %mul3A_2, %add3A_1632 : i32
    %dma_wait3A_1634 = arith.constant 0 : i32
    %dma_wait3A_1635 = arith.constant 0 : i32
    %dma_wait3A_1636 = tpu.memref_slice %arg4[%add3A_1633, %dma_wait3A_1634, %dma_wait3A_1635] : memref<512x256x128xf32, #tpu.memory_space<hbm>> -> memref<1x256x128xf32, #tpu.memory_space<hbm>>
    %dma_wait3A_1637 = tpu.memref_squeeze %dma_wait3A_1636 : memref<1x256x128xf32, #tpu.memory_space<hbm>> -> memref<256x128xf32, #tpu.memory_space<hbm>>
    %dma_wait3A_1638 = arith.constant 0 : i32
    %dma_wait3A_1639 = arith.constant 0 : i32
    %dma_wait3A_1640 = tpu.memref_slice %arg4[%add3A_1633, %dma_wait3A_1638, %dma_wait3A_1639] : memref<512x256x128xf32, #tpu.memory_space<hbm>> -> memref<1x256x128xf32, #tpu.memory_space<hbm>>
    %dma_wait3A_1641 = tpu.memref_squeeze %dma_wait3A_1640 : memref<1x256x128xf32, #tpu.memory_space<hbm>> -> memref<256x128xf32, #tpu.memory_space<hbm>>
    tpu.wait_dma2 semaphore(%arg17 : memref<!tpu.dma_semaphore, #tpu.memory_space<semaphore_mem>>) src(%arg11 : memref<256x128xf32, #tpu.memory_space<vmem>>) dst(%dma_wait3A_1641 : memref<256x128xf32, #tpu.memory_space<hbm>>)
    %add3A_1642 = arith.constant 15 : i32
    %add3A_1643 = arith.addi %mul3A_2, %add3A_1642 : i32
    %dma_wait3A_1644 = arith.constant 0 : i32
    %dma_wait3A_1645 = arith.constant 0 : i32
    %dma_wait3A_1646 = tpu.memref_slice %arg4[%add3A_1643, %dma_wait3A_1644, %dma_wait3A_1645] : memref<512x256x128xf32, #tpu.memory_space<hbm>> -> memref<1x256x128xf32, #tpu.memory_space<hbm>>
    %dma_wait3A_1647 = tpu.memref_squeeze %dma_wait3A_1646 : memref<1x256x128xf32, #tpu.memory_space<hbm>> -> memref<256x128xf32, #tpu.memory_space<hbm>>
    %dma_wait3A_1648 = arith.constant 0 : i32
    %dma_wait3A_1649 = arith.constant 0 : i32
    %dma_wait3A_1650 = tpu.memref_slice %arg4[%add3A_1643, %dma_wait3A_1648, %dma_wait3A_1649] : memref<512x256x128xf32, #tpu.memory_space<hbm>> -> memref<1x256x128xf32, #tpu.memory_space<hbm>>
    %dma_wait3A_1651 = tpu.memref_squeeze %dma_wait3A_1650 : memref<1x256x128xf32, #tpu.memory_space<hbm>> -> memref<256x128xf32, #tpu.memory_space<hbm>>
    tpu.wait_dma2 semaphore(%arg15 : memref<!tpu.dma_semaphore, #tpu.memory_space<semaphore_mem>>) src(%arg9 : memref<256x128xf32, #tpu.memory_space<vmem>>) dst(%dma_wait3A_1651 : memref<256x128xf32, #tpu.memory_space<hbm>>)
    return
  }
}

</mosaic_0001>

<sc_bundles>
// kernel: kernel.3.cloned.1.call-start
scs
__scs_entry_jumppad:
0x0: {  	(pc) =	sbr.rel $0x88, $3  }
0x1: {  	(tag) =	ssettag $0x0;
	lr =	simm.s32 $0x1  }
0x2: {  	[smem:$0x3F9F] =	sst lr;
	_ =	strace $0xD0000000  }
0x3: {  	_ = 	snop  }
0x4: {  	_ = 	snop  }
0x5: {  	_ = 	snop  }
0x6: {  	_ = 	snop  }
0x7: {  	_ = 	snop  }
__scs_overlays_trampoline_lowered:
0x8: {  	[smem:$0x3FAE] =	sst s0  }
0x9: {  	[smem:$0x3FAF] =	sst s1  }
0xa: {  	[smem:$0x3FB0] =	sst s2  }
0xb: {  	[smem:$0x3FB1] =	sst s3  }
0xc: {  	[smem:$0x3FB2] =	sst s4  }
0xd: {  	[smem:$0x3FB3] =	sst s5  }
0xe: {  	[smem:$0x3FB4] =	sst s6  }
0xf: {  	[smem:$0x3FB5] =	sst s7  }
0x10: {  	[smem:$0x3FB6] =	sst s8  }
0x11: {  	[smem:$0x3FB7] =	sst s9;
	s0 =	simm.s32 @!p0 $0x0  }
0x12: {  	s1 =	sld [smem:$0x3F9D];
	s0 =	simm.s32 @p0 $0x1  }
0x13: {  	[smem:$0x3FB8] =	sst s0;
	s0 =	simm.s32 @!p1 $0x0  }
0x14: {  	s2 =	sld [smem:$0x3F9C];
	s0 =	simm.s32 @p1 $0x1  }
0x15: {  	[smem:$0x3FB9] =	sst s0;
	s0 =	simm.s32 @!p2 $0x0  }
0x16: {  	s3 =	sld [smem:$0x3FDB];
	s0 =	simm.s32 @p2 $0x1  }
0x17: {  	s4 =	simm.s32 $0x1BF5;
	[smem:$0x3FBB] =	sst s0  }
0x18: {  	s0 =	sld [smem:$0x3F9E];
	_ =	swait.ge [sflag:s4], $0x0  }
0x19: {  	s7 =	sld [smem:$0x3F9F]  }
0x1a: {  	s8 =	sadd.s32 $0xFFFFE003, lr  }
0x1b: {  	s9 =	sadd.s32 $0xFFFFFEF7, lr;
	s5 =	simm.s32 $0xFFFFFFFF;
	p2 =	slt.u32 s8, $0xFFFFF086  }
0x1c: {  	p1 =	slt.u32 s9, $0xF7A;
	s5 =	simm.s32 @!p2 $0x0  }
0x1d: {  	s5 =	simm.s32 @p1 $0x1;
	p0 =	seq.s32 s7, s2  }
0x1e: {  	s7 =	smul.u32 @!p0 $0xF7A, s2;
	p2 =	seq.s32 @!p0 s5, $0x0  }
0x1f: {  	s9 =	smul.u32 $0xF7A, s1;
	s8 =	simm.s32 @!p0 $0x1BF5;
	p2 =	por !p2, p0  }
0x20: {  	[sflag:s8] =	ssyncset.s32 @!p0 $0xFFFFF086;
	s6 =	sadd.s32 @!p0 s3, s7;
	s7 =	simm.s32 @!p0 $0x108  }
0x21: {  	s3 =	sadd.s32 s3, s9;
	s6 =	sadd.s32 @!p0 $0x88, s6;
	s7 =	simm.s32 @p2 $0x1082  }
0x22: {  	[simem:s7], [sflag:s8] =	dma.local @!p0 [hbm:s6], $0xF7A  }
0x23: {  	s9 =	sor.u32 $0xD0000000, s2;
	s6 =	simm.s32 $0x108;
	_ =	swait.ge @!p0 [sflag:s8], $0x0  }
0x24: {  	s3 =	sadd.s32 $0x88, s3;
	s6 =	simm.s32 @!p1 $0x1082;
	[sflag:s4] =	ssyncset.s32 $0xFFFFF086  }
0x25: {  	[simem:s6], [sflag:s4] =	dma.local [hbm:s3], $0xF7A  }
0x26: {  	[smem:$0x3F9F] =	sst s1;
	(tag) =	ssettag s2;
	_ =	strace s9  }
0x27: {  	s1 =	sld [smem:$0x3FAF]  }
0x28: {  	s2 =	sld [smem:$0x3FB0]  }
0x29: {  	s4 =	sld [smem:$0x3FB2]  }
0x2a: {  	p0 =	seq.s32 s5, $0x0;
	s5 =	sld [smem:$0x3FB3]  }
0x2b: {  	s6 =	sld [smem:$0x3FB4]  }
0x2c: {  	s7 =	sld [smem:$0x3FB5]  }
0x2d: {  	s3 =	simm.s32 $0x108;
	s8 =	sld [smem:$0x3FB6]  }
0x2e: {  	s3 =	simm.s32 @!p0 $0x1082;
	s9 =	sld [smem:$0x3FB7]  }
0x2f: {  	lr =	sadd.s32 s0, s3;
	s0 =	sld [smem:$0x3FAE]  }
0x30: {  	s3 =	sld [smem:$0x3FB1]  }
0x31: {  	[smem:$0x3FBA] =	sst s10  }
0x32: {  	s10 =	sld [smem:$0x3FB8];
	_ =	sdelay $0x3  }
0x33: {  	p0 =	seq.s32 s10, $0x1;
	s10 =	sld [smem:$0x3FBA];
	_ =	sdelay $0x3  }
0x34: {  	[smem:$0x3FBA] =	sst s10  }
0x35: {  	s10 =	sld [smem:$0x3FB9];
	_ =	sdelay $0x3  }
0x36: {  	p1 =	seq.s32 s10, $0x1;
	s10 =	sld [smem:$0x3FBA];
	_ =	sdelay $0x3  }
0x37: {  	[smem:$0x3FBA] =	sst s10  }
0x38: {  	s10 =	sld [smem:$0x3FBB]  }
0x39: {  	_ = 	snop;
	(pc) =	sbr.ind lr, $3  }
0x3a: {  	_ = 	snop  }
0x3b: {  	_ = 	snop  }
0x3c: {  	p2 =	seq.s32 s10, $0x1;
	s10 =	sld [smem:$0x3FBA]  }
0x3d: {  	_ =	shalt  }
0x3e: {  	_ =	shalt  }
0x3f: {  	_ =	shalt  }
0x40: {  	_ =	shalt  }
0x41: {  	_ =	shalt  }
0x42: {  	_ =	shalt  }
0x43: {  	_ =	shalt  }
0x44: {  	_ =	shalt  }
0x45: {  	_ =	shalt  }
0x46: {  	_ =	shalt  }
0x47: {  	_ =	shalt  }
0x48: {  	_ =	shalt  }
0x49: {  	_ =	shalt  }
0x4a: {  	_ =	shalt  }
0x4b: {  	_ =	shalt  }
0x4c: {  	_ =	shalt  }
0x4d: {  	_ =	shalt  }
0x4e: {  	_ =	shalt  }
0x4f: {  	_ =	shalt  }
0x50: {  	_ =	shalt  }
0x51: {  	_ =	shalt  }
0x52: {  	_ =	shalt  }
0x53: {  	_ =	shalt  }
0x54: {  	_ =	shalt  }
0x55: {  	_ =	shalt  }
0x56: {  	_ =	shalt  }
0x57: {  	_ =	shalt  }
0x58: {  	_ =	shalt  }
0x59: {  	_ =	shalt  }
0x5a: {  	_ =	shalt  }
0x5b: {  	_ =	shalt  }
0x5c: {  	_ =	shalt  }
0x5d: {  	_ =	shalt  }
0x5e: {  	_ =	shalt  }
0x5f: {  	_ =	shalt  }
0x60: {  	_ =	shalt  }
0x61: {  	_ =	shalt  }
0x62: {  	_ =	shalt  }
0x63: {  	_ =	shalt  }
0x64: {  	_ =	shalt  }
0x65: {  	_ =	shalt  }
0x66: {  	_ =	shalt  }
0x67: {  	_ =	shalt  }
0x68: {  	_ =	shalt  }
0x69: {  	_ =	shalt  }
0x6a: {  	_ =	shalt  }
0x6b: {  	_ =	shalt  }
0x6c: {  	_ =	shalt  }
0x6d: {  	_ =	shalt  }
0x6e: {  	_ =	shalt  }
0x6f: {  	_ =	shalt  }
0x70: {  	_ =	shalt  }
0x71: {  	_ =	shalt  }
0x72: {  	_ =	shalt  }
0x73: {  	_ =	shalt  }
0x74: {  	_ =	shalt  }
0x75: {  	_ =	shalt  }
0x76: {  	_ =	shalt  }
0x77: {  	_ =	shalt  }
0x78: {  	_ =	shalt  }
0x79: {  	_ =	shalt  }
0x7a: {  	_ =	shalt  }
0x7b: {  	_ =	shalt  }
0x7c: {  	_ =	shalt  }
0x7d: {  	_ =	shalt  }
0x7e: {  	_ =	shalt  }
0x7f: {  	_ =	shalt  }
0x80: {  	_ =	shalt  }
0x81: {  	_ =	shalt  }
0x82: {  	_ =	shalt  }
0x83: {  	_ =	shalt  }
0x84: {  	_ =	shalt  }
0x85: {  	_ =	shalt  }
0x86: {  	_ =	shalt  }
0x87: {  	_ =	shalt  }
.Lfunc_end0:
.L_simem_size_0:
called_computation_lowered:
.L_overlay_start_0:
0x88: {  	s2 =	sld [smem:$0x3FD9]  }
0x89: {  	s3 =	sld [smem:$0x3FFE];
	_ =	sdelay $0x1  }
0x8a: {  	s1 =	srdreg.scid  }
0x8b: {  	s0 =	sand.u32 $0x1, s1  }
0x8c: {  	s18 =	sshll.u32 s0, $0xA;
	s2 =	sadd.s32 s3, s2  }
0x8d: {  	s2 =	sadd.s32 s2, s18  }
0x8e: {  	[smem:$0x3FC6] =	sst s2  }
0x8f: {  	_ = 	snop  }
0x90: {  	s2 =	sld [smem:$0x3FC9]  }
0x91: {  	s19 =	sld [smem:$0x3FC8]  }
0x92: {  	s4 =	sld [smem:$0x3FD0];
	(tm) =	ssettm $0x1  }
0x93: {  	s5 =	sld [smem:$0x3FFB];
	_ =	sdelay $0x3  }
0x94: {  	_ =	strace s5  }
0x95: {  	s5 =	sld [smem:$0x3FFC];
	_ =	sdelay $0x3  }
0x96: {  	_ =	strace s5  }
0x97: {  	s5 =	sld [smem:$0x3FFD];
	_ =	sdelay $0x3  }
0x98: {  	_ =	strace s5  }
0x99: {  	_ =	strace $0x8FFFFFFF  }
0x9a: {  	s20 =	sld [smem:$0x3FDB];
	_ =	sdelay $0x1  }
0x9b: {  	s6 =	simm.s32 $_scs_section_size  }
0x9c: {  	s7 =	simm.s32 $_size__tile_overlayer_lowered;
	s8 =	simm.s32 $_tile_overlayer_lowered  }
0x9d: {  	s23 =	simm.s32 $0x1BFF;
	s22 =	sshll.u32 s8, $0x1;
	s5 =	sadd.s32 s6, s20  }
0x9e: {  	s9 =	simm.s32 $0x0;
	s21 =	sshll.u32 s7, $0x1;
	s7 =	sadd.s32 s22, s5  }
0x9f: {  	[timem:s9], [sflag:s23] =	dma.local [hbm:s7], s21  }
0xa0: {  	_ =	swait.ge [sflag:s23], s21  }
0xa1: {  	s6 =	ssub.s32 $0x0, s21;
	[sflag:s23] =	ssyncset.done $0x0  }
0xa2: {  	[sflag:s23] =	ssyncadd.s32 s6;
	_ =	sdelay $0x1  }
0xa3: {  	s24 =	simm.s32 $0x1B8B  }
0xa4: {  	_ =	swait.ge [sflag:s24], $0x1  }
0xa5: {  	[sflag:s24] =	ssyncset.done $0x0  }
0xa6: {  	s25 =	simm.s32 $0x1B8E;
	[sflag:s24] =	ssyncadd.s32 $0xFFFFFFFF  }
0xa7: {  	s26 =	simm.s32 $execute0_lowered;
	[smem:$0x3FD2] =	sst s25  }
0xa8: {  	s6 =	sshll.u32 s26, $0x1;
	_ =	strace $0x80000046;
	[dreg:$0x1] =	wrdreg $0xFFFFFFFF  }
0xa9: {  	s28 =	simm.s32 $_size_execute0_lowered;
	s5 =	sadd.s32 s5, s6;
	[dreg:$0x0] =	wrdreg $0x0  }
0xaa: {  	s6 =	sshll.u32 s28, $0x1;
	[dreg:$0x2] =	wrdreg s5  }
0xab: {  	[dreg:$0x3] =	wrdreg s6  }
0xac: {  	[dreg:$0x4] =	wrdreg $0xC0  }
0xad: {  	_ =	task [dreg:s9], $0x5FFFF  }
0xae: {  	[dreg:$0x1] =	wrdreg $0xFFFFFFFF  }
0xaf: {  	[dreg:$0x0] =	wrdreg $0x60  }
0xb0: {  	[dreg:$0x2] =	wrdreg s2  }
0xb1: {  	[dreg:$0x3] =	wrdreg s19  }
0xb2: {  	[dreg:$0x4] =	wrdreg s4  }
0xb3: {  	[dreg:$0x5] =	wrdreg $0x9  }
0xb4: {  	_ =	task.clear_ibuf [dreg:s9], $0x6FFFF;
	_ =	strace $0x90000046  }
0xb5: {  	s29 =	simm.s32 $0x9;
	_ =	strace $0x80000048  }
0xb6: {  	_ =	swait.ge [sflag:s29], $0x1  }
0xb7: {  	[sflag:s29] =	ssyncadd.s32 $0xFFFFFFFF  }
0xb8: {  	_ =	strace $0x90000048  }
0xb9: {  	_ =	sfence  }
0xba: {  	s30 =	sld [smem:$0x0];
	_ =	sdelay $0x2  }
0xbb: {  	s31 =	sshll.u32 s1, $0xD;
	s1 =	sshrl.u32 s1, $0x2  }
0xbc: {  	s3 =	sand.u32 $0x4000, s31;
	s1 =	sadd.s32 s1, s30  }
0xbd: {  	s0 =	sor.u32 s3, s0;
	s1 =	sshll.u32 s1, $0x11  }
0xbe: {  	s0 =	sor.u32 s1, s0  }
0xbf: {  	s0 =	sadd.s32 $0x8F2B, s0  }
0xc0: {  	[sflag:s0] =	ssyncadd.remote.s32 $0x1  }
0xc1: {  	_ =	sfence.sel $0xFFFF  }
0xc2: {  	[dreg:$0x0] =	wrdreg $0xFFFFFFFF;
	(pc) =	sbr.abs _section_cstart, $3  }
0xc3: {  	[dreg:$0x1] =	wrdreg $0xFFFFFFFF  }
0xc4: {  	_ =	task.clear_ibuf [dreg:s9], $0x2FFFF;
	_ =	strace $0x9FFFFFFF  }
0xc5: {  	(tm) =	ssettm $0x7FFFFFFF  }
tec
execute0_lowered:
.L_overlay_start_1:
0x0: {  	(tag) =	ssettag $0x1  }
0x1: {  	s0 =	srdreg.scid;
	s12 =	stileid.u32;
	v0 =	vlaneseq.u32  }
0x2: {  	s2 =	sand.u32 $0x1, s0;
	s17 =	sshll.u32 s12, $0x1;
	v0 =	vmul.u32 $0x1000, v0  }
0x3: {  	s0 =	sor.u32 s2, s17  }
0x4: {  	s3 =	sshll.u32 s0, $0x4;
	v2 =	vor.u32 $0x10000, v0  }
0x5: {  	v3 =	vor.u32 $0x20000, v0;
	v4 =	vor.u32 $0x30000, v0;
	v1 =	vor.u32 s3, v0  }
0x6: {  	v8 =	vor.u32 $0x40000, v0;
	v9 =	vor.u32 $0x50000, v0;
	[tilespmem:$0x1FE90] =	vst v1;
	v1 =	vor.u32 s3, v2  }
0x7: {  	v10 =	vor.u32 $0x60000, v0;
	v14 =	vor.u32 $0x70000, v0;
	[tilespmem:$0x1FEA0] =	vst v1;
	v1 =	vor.u32 s3, v3  }
0x8: {  	v15 =	vor.u32 $0x80000, v0;
	v16 =	vor.u32 $0x90000, v0;
	[tilespmem:$0x1FEB0] =	vst v1;
	v1 =	vor.u32 s3, v4  }
0x9: {  	v20 =	vor.u32 $0xA0000, v0;
	v21 =	vor.u32 $0xB0000, v0;
	[tilespmem:$0x1FEC0] =	vst v1;
	v1 =	vor.u32 s3, v8  }
0xa: {  	v22 =	vor.u32 $0xC0000, v0;
	v26 =	vor.u32 $0xD0000, v0;
	[tilespmem:$0x1FED0] =	vst v1;
	v1 =	vor.u32 s3, v9  }
0xb: {  	v27 =	vor.u32 $0xE0000, v0;
	v28 =	vor.u32 $0xF0000, v0;
	s9 =	sshll.u32 s0, $0x10;
	s0 =	sshllo.u32 s0, $0x4;
	[tilespmem:$0x1FEE0] =	vst v1;
	v1 =	vor.u32 s3, v10  }
0xc: {  	s1 =	rddreg [dreg:$0x0];
	v5 =	vor.u32 s0, v2;
	v6 =	vor.u32 s0, v3;
	[tilespmem:$0x1FEF0] =	vst v1;
	v1 =	vor.u32 s3, v14  }
0xd: {  	s6 =	rddreg [dreg:$0x2];
	s4 =	simm.s32 $0x0;
	v7 =	vor.u32 s0, v4;
	v11 =	vor.u32 s0, v8;
	[tilespmem:$0x1FF00] =	vst v1;
	v1 =	vor.u32 s3, v15  }
0xe: {  	s13 =	simm.s32 $0x7;
	s14 =	simm.s32 $0x80;
	s15 =	simm.s32 $0x100;
	v12 =	vor.u32 s0, v9;
	v13 =	vor.u32 s0, v10;
	[tilespmem:$0x1FF10] =	vst v1;
	v1 =	vor.u32 s3, v16  }
0xf: {  	s16 =	simm.s32 $0x400;
	s28 =	simm.s32 $0x14400;
	s29 =	simm.s32 $0x2;
	v17 =	vor.u32 s0, v14;
	v18 =	vor.u32 s0, v15;
	[tilespmem:$0x1FF20] =	vst v1;
	v1 =	vor.u32 s3, v20  }
0x10: {  	s30 =	simm.s32 $0x4;
	s31 =	simm.s32 $0x3;
	[smem:$0x7FF] =	sst s4;
	v19 =	vor.u32 s0, v16;
	v23 =	vor.u32 s0, v20;
	[tilespmem:$0x1FF30] =	vst v1;
	v1 =	vor.u32 s3, v21  }
0x11: {  	s20 =	sshll.u32 s12, $0xD;
	s22 =	sshll.u32 s12, $0x5;
	s7 =	sor.u32 $0x1, s3;
	v24 =	vor.u32 s0, v21;
	v25 =	vor.u32 s0, v22;
	[tilespmem:$0x1FF40] =	vst v1;
	v1 =	vor.u32 s3, v22  }
0x12: {  	s5 =	ssub.s32 $0x2, s2;
	s21 =	sshll.u32 s2, $0xC;
	s2 =	sshll.u32 s2, $0x4;
	v29 =	vor.u32 s0, v26;
	v39 =	vor.u32 s7, v14;
	[tilespmem:$0x1FF50] =	vst v1;
	v1 =	vor.u32 s3, v26  }
0x13: {  	s17 =	simm.s32 $0x180;
	s8 =	sshrl.u32 s5, $0x1;
	s11 =	sor.u32 s21, s20;
	v40 =	vor.u32 s7, v15;
	v41 =	vor.u32 s7, v16;
	[tilespmem:$0x1FF60] =	vst v1;
	v1 =	vor.u32 s3, v27  }
0x14: {  	s2 =	sor.u32 s2, s22;
	s20 =	simm.s32 $0x8400;
	s21 =	simm.s32 $0x280;
	v42 =	vor.u32 s7, v20;
	v43 =	vor.u32 s7, v21;
	[tilespmem:$0x1FF70] =	vst v1;
	v1 =	vor.u32 s3, v28  }
0x15: {  	s22 =	simm.s32 $0xC400;
	s10 =	ssub.s32 s5, s8;
	v44 =	vor.u32 s7, v22;
	v45 =	vor.u32 s7, v26;
	s3 =	sor.u32 $0x2, s3;
	[tilespmem:$0x1FF80] =	vst v1;
	v1 =	vor.u32 s7, v0  }
0x16: {  	s5 =	sadd.s32 s6, s9;
	s24 =	sor.u32 $0x500, s11;
	s25 =	sshll.u32 s2, $0xC;
	v48 =	vor.u32 s3, v0;
	v49 =	vor.u32 s3, v2;
	v50 =	vor.u32 s3, v3  }
0x17: {  	s26 =	sor.u32 $0x400, s11;
	s11 =	sor.u32 $0x3, s2;
	s2 =	simm.s32 $0x0;
	v51 =	vor.u32 s3, v4;
	v52 =	vor.u32 s3, v8;
	[tilespmem:$0x1FF90] =	vst v1;
	v1 =	vor.u32 s7, v2  }
0x18: {  	s18 =	sadd.s32 $0xD000, s5;
	s19 =	sadd.s32 $0xE000, s5;
	s23 =	sadd.s32 $0xF000, s5;
	v53 =	vor.u32 s3, v9;
	v54 =	vor.u32 s3, v10;
	[tilespmem:$0x1FFA0] =	vst v1;
	v1 =	vor.u32 s7, v3  }
0x19: {  	s9 =	smax.u32 s10, $0x1;
	s6 =	sadd.s32 s25, s6;
	s10 =	sshrl.u32 s26, $0x8;
	v55 =	vor.u32 s3, v14;
	v56 =	vor.u32 s3, v15;
	v57 =	vor.u32 s3, v16;
	[tilespmem:$0x1FFB0] =	vst v1  }
0x1a: {  	s25 =	simm.s32 $0x10400;
	v58 =	vor.u32 s3, v20;
	v59 =	vor.u32 s3, v21;
	v1 =	vor.u32 s7, v4;
	_ =	strace $0x80000047;
	[dreg:$0x5] =	wrdreg s18  }
0x1b: {  	s26 =	simm.s32 $0x380;
	s6 =	sadd.s32 $0x3000, s6;
	v60 =	vor.u32 s3, v22;
	v61 =	vor.u32 s3, v26;
	[tilespmem:$0x1FFC0] =	vst v1;
	v1 =	vor.u32 s7, v8;
	[dreg:$0x6] =	wrdreg s19  }
0x1c: {  	v62 =	vor.u32 s3, v27;
	v63 =	vor.u32 s3, v28;
	s3 =	simm.s32 $0x5;
	[dreg:$0x7] =	wrdreg s23;
	s18 =	simm.s32 $0x4400;
	[tilespmem:$0x1FFD0] =	vst v1;
	v1 =	vor.u32 s7, v9  }
0x1d: {  	v46 =	vor.u32 s7, v27;
	v47 =	vor.u32 s7, v28;
	s19 =	simm.s32 $0x200;
	s23 =	simm.s32 $0x1;
	[tilespmem:$0x1FFE0] =	vst v1;
	v1 =	vor.u32 s7, v10;
	s7 =	sshrl.u32 s24, $0x8  }
0x1e: {  	v30 =	vor.u32 s0, v27;
	v31 =	vor.u32 s0, v28;
	s24 =	simm.s32 $0x300;
	[tilespmem:$0x1FFF0] =	vst v1;
	[dreg:$0x4] =	wrdreg s7;
	v1 =	vor.u32 s0, v0;
	s0 =	simm.s32 $0x6  }
.LBB2_1:
0x1f: {  	s7 =	rddreg [dreg:$0x1]  }
0x20: {  	[tilespmem:s4], [sflag:$0x7] =	stream.linear.gather [hbm4b:s7+s4], $0x100, $0x38;
	[tilespmem:$0x18400] =	vst v63  }
0x21: {  	_ =	swait.ge [sflag:s13], $0x100  }
0x22: {  	[sflag:s13] =	ssyncset.done $0x0;
	v37 =	vld [tilespmem:$0x1FE90]  }
0x23: {  	v38 =	vld [tilespmem:$0x1FEA0];
	[sflag:s13] =	ssyncadd.s32 $0xFFFFFF00  }
0x24: {  	v32 =	vld [tilespmem:$0x0]  }
0x25: {  	v33 =	vld [tilespmem:$0x10];
	_ =	sdelay $0x3  }
0x26: {  	v34 =	vld [tilespmem:$0x20];
	v32 =	vadd.s32 v32, v37  }
0x27: {  	[tilespmem:$0x100] =	vst v32;
	v32 =	vadd.s32 v33, v38;
	v38 =	vld [tilespmem:$0x1FEB0];
	_ =	sdelay $0x3  }
0x28: {  	v35 =	vld [tilespmem:$0x30]  }
0x29: {  	[tilespmem:$0x110] =	vst v32;
	v32 =	vadd.s32 v34, v38;
	v38 =	vld [tilespmem:$0x1FEC0];
	_ =	sdelay $0x3  }
0x2a: {  	v36 =	vld [tilespmem:$0x40]  }
0x2b: {  	[tilespmem:$0x120] =	vst v32;
	v32 =	vadd.s32 v35, v38;
	v38 =	vld [tilespmem:$0x1FED0];
	_ =	sdelay $0x3  }
0x2c: {  	v37 =	vld [tilespmem:$0x50]  }
0x2d: {  	[tilespmem:$0x130] =	vst v32;
	v32 =	vadd.s32 v36, v38;
	v38 =	vld [tilespmem:$0x1FEE0];
	_ =	sdelay $0x3  }
0x2e: {  	v33 =	vld [tilespmem:$0x60]  }
0x2f: {  	[tilespmem:$0x140] =	vst v32;
	v32 =	vadd.s32 v37, v38;
	v38 =	vld [tilespmem:$0x1FEF0];
	_ =	sdelay $0x3  }
0x30: {  	v34 =	vld [tilespmem:$0x70]  }
0x31: {  	[tilespmem:$0x150] =	vst v32;
	v32 =	vadd.s32 v33, v38;
	v38 =	vld [tilespmem:$0x1FF00];
	_ =	sdelay $0x3  }
0x32: {  	v35 =	vld [tilespmem:$0x80]  }
0x33: {  	[tilespmem:$0x160] =	vst v32;
	v32 =	vadd.s32 v34, v38;
	v38 =	vld [tilespmem:$0x1FF10];
	_ =	sdelay $0x3  }
0x34: {  	v36 =	vld [tilespmem:$0x90]  }
0x35: {  	[tilespmem:$0x170] =	vst v32;
	v32 =	vadd.s32 v35, v38;
	v38 =	vld [tilespmem:$0x1FF20];
	_ =	sdelay $0x3  }
0x36: {  	v37 =	vld [tilespmem:$0xA0]  }
0x37: {  	[tilespmem:$0x180] =	vst v32;
	v32 =	vadd.s32 v36, v38;
	v38 =	vld [tilespmem:$0x1FF30];
	_ =	sdelay $0x3  }
0x38: {  	v33 =	vld [tilespmem:$0xB0]  }
0x39: {  	[tilespmem:$0x190] =	vst v32;
	v32 =	vadd.s32 v37, v38;
	v38 =	vld [tilespmem:$0x1FF40];
	_ =	sdelay $0x3  }
0x3a: {  	v34 =	vld [tilespmem:$0xC0]  }
0x3b: {  	[tilespmem:$0x1A0] =	vst v32;
	v32 =	vadd.s32 v33, v38;
	v38 =	vld [tilespmem:$0x1FF50];
	_ =	sdelay $0x3  }
0x3c: {  	v35 =	vld [tilespmem:$0xD0]  }
0x3d: {  	[tilespmem:$0x1B0] =	vst v32;
	v32 =	vadd.s32 v34, v38;
	v38 =	vld [tilespmem:$0x1FF60];
	_ =	sdelay $0x3  }
0x3e: {  	v36 =	vld [tilespmem:$0xE0]  }
0x3f: {  	[tilespmem:$0x1C0] =	vst v32;
	v32 =	vadd.s32 v35, v38;
	v38 =	vld [tilespmem:$0x1FF70];
	_ =	sdelay $0x3  }
0x40: {  	v37 =	vld [tilespmem:$0xF0]  }
0x41: {  	[tilespmem:$0x1D0] =	vst v32;
	v32 =	vadd.s32 v36, v38;
	v36 =	vld [tilespmem:$0x1FF80];
	_ =	sdelay $0x4  }
0x42: {  	[tilespmem:$0x1E0] =	vst v32;
	v32 =	vadd.s32 v37, v36  }
0x43: {  	[tilespmem:$0x1F0] =	vst v32  }
0x44: {  	[tilespmem:s16], [sflag:$0x1] =	stream.indirect.gather [hbm4b:s1+s14], $0x80, s15, s14, $0xb8;
	[tilespmem:$0x18400] =	vst v63  }
0x45: {  	v38 =	vld [tilespmem:$0x1FFA0]  }
0x46: {  	v37 =	vld [tilespmem:$0x1FF90];
	[tilespmem:s18], [sflag:$0x1] =	stream.indirect.gather [hbm4b:s1+s14], $0x80, s17, s14, $0xb8  }
0x47: {  	v32 =	vld [tilespmem:$0x0]  }
0x48: {  	v33 =	vld [tilespmem:$0x10];
	_ =	sdelay $0x3  }
0x49: {  	v34 =	vld [tilespmem:$0x20];
	v32 =	vadd.s32 v32, v37  }
0x4a: {  	[tilespmem:$0x200] =	vst v32;
	v32 =	vadd.s32 v33, v38;
	v38 =	vld [tilespmem:$0x1FFB0];
	_ =	sdelay $0x3  }
0x4b: {  	v35 =	vld [tilespmem:$0x30]  }
0x4c: {  	[tilespmem:$0x210] =	vst v32;
	v32 =	vadd.s32 v34, v38;
	v38 =	vld [tilespmem:$0x1FFC0];
	_ =	sdelay $0x3  }
0x4d: {  	v36 =	vld [tilespmem:$0x40]  }
0x4e: {  	[tilespmem:$0x220] =	vst v32;
	v32 =	vadd.s32 v35, v38;
	v38 =	vld [tilespmem:$0x1FFD0];
	_ =	sdelay $0x3  }
0x4f: {  	v37 =	vld [tilespmem:$0x50]  }
0x50: {  	[tilespmem:$0x230] =	vst v32;
	v32 =	vadd.s32 v36, v38;
	v38 =	vld [tilespmem:$0x1FFE0];
	_ =	sdelay $0x2  }
0x51: {  	v33 =	vld [tilespmem:$0x60]  }
0x52: {  	v34 =	vld [tilespmem:$0x70]  }
0x53: {  	[tilespmem:$0x240] =	vst v32;
	v32 =	vadd.s32 v37, v38;
	v38 =	vld [tilespmem:$0x1FFF0]  }
0x54: {  	v35 =	vld [tilespmem:$0x80]  }
0x55: {  	v36 =	vld [tilespmem:$0x90];
	_ =	sdelay $0x1  }
0x56: {  	v37 =	vld [tilespmem:$0xA0]  }
0x57: {  	[tilespmem:$0x250] =	vst v32;
	v32 =	vadd.s32 v33, v38;
	v33 =	vld [tilespmem:$0xB0]  }
0x58: {  	v38 =	vadd.s32 v34, v39;
	v34 =	vld [tilespmem:$0xC0];
	[tilespmem:$0x260] =	vst v32  }
0x59: {  	[tilespmem:$0x270] =	vst v38;
	v38 =	vadd.s32 v35, v40;
	v32 =	vadd.s32 v36, v41;
	v36 =	vld [tilespmem:$0xE0]  }
0x5a: {  	v35 =	vld [tilespmem:$0xD0];
	[tilespmem:$0x280] =	vst v38  }
0x5b: {  	[tilespmem:$0x290] =	vst v32;
	v32 =	vadd.s32 v37, v42;
	v37 =	vld [tilespmem:$0xF0]  }
0x5c: {  	[tilespmem:$0x2A0] =	vst v32;
	v38 =	vadd.s32 v33, v43  }
0x5d: {  	[tilespmem:$0x2B0] =	vst v38;
	v38 =	vadd.s32 v34, v44  }
0x5e: {  	v36 =	vadd.s32 v36, v46;
	[tilespmem:$0x2C0] =	vst v38  }
0x5f: {  	v38 =	vadd.s32 v35, v45;
	[tilespmem:$0x2E0] =	vst v36  }
0x60: {  	v37 =	vadd.s32 v37, v47;
	[tilespmem:$0x2D0] =	vst v38  }
0x61: {  	[tilespmem:$0x2F0] =	vst v37  }
0x62: {  	[tilespmem:s20], [sflag:$0x2] =	stream.indirect.gather [hbm4b:s1+s14], $0x80, s19, s14, $0xb8;
	[tilespmem:$0x18400] =	vst v63  }
0x63: {  	_ = 	snop  }
0x64: {  	[tilespmem:s22], [sflag:$0x2] =	stream.indirect.gather [hbm4b:s1+s14], $0x80, s21, s14, $0xb8;
	[tilespmem:$0x18400] =	vst v63  }
0x65: {  	_ =	swait.ge [sflag:s23], $0x4000  }
0x66: {  	[sflag:s23] =	ssyncset.done $0x0  }
0x67: {  	[sflag:s23] =	ssyncadd.s32 $0xFFFFC000  }
0x68: {  	_ =	swait.ge [sflag:s23], $0x4000  }
0x69: {  	[sflag:s23] =	ssyncset.done $0x0  }
0x6a: {  	[sflag:s23] =	ssyncadd.s32 $0xFFFFC000  }
0x6b: {  	[hbm4b:s5+s4] =	stream.linear.scatter [tilespmem:s16], [sflag:$0x4], $0x8000, $0x38;
	[tilespmem:$0x18400] =	vst v63  }
0x6c: {  	v32 =	vld [tilespmem:$0x0]  }
0x6d: {  	v33 =	vld [tilespmem:$0x10]  }
0x6e: {  	v34 =	vld [tilespmem:$0x20]  }
0x6f: {  	v36 =	vld [tilespmem:$0x40]  }
0x70: {  	v35 =	vld [tilespmem:$0x30]  }
0x71: {  	v37 =	vld [tilespmem:$0x50];
	v32 =	vadd.s32 v32, v48  }
0x72: {  	v38 =	vadd.s32 v33, v49;
	v33 =	vld [tilespmem:$0x60];
	[tilespmem:$0x300] =	vst v32  }
0x73: {  	[tilespmem:$0x310] =	vst v38;
	v38 =	vadd.s32 v34, v50;
	v34 =	vld [tilespmem:$0x70]  }
0x74: {  	v32 =	vadd.s32 v36, v52;
	v36 =	vld [tilespmem:$0x90];
	[tilespmem:$0x320] =	vst v38  }
0x75: {  	v38 =	vadd.s32 v35, v51;
	v35 =	vld [tilespmem:$0x80];
	[tilespmem:$0x340] =	vst v32  }
0x76: {  	v32 =	vadd.s32 v37, v53;
	v37 =	vld [tilespmem:$0xA0];
	[tilespmem:$0x330] =	vst v38  }
0x77: {  	[tilespmem:$0x350] =	vst v32;
	v38 =	vadd.s32 v33, v54;
	v33 =	vld [tilespmem:$0xB0]  }
0x78: {  	[tilespmem:$0x360] =	vst v38;
	v38 =	vadd.s32 v34, v55;
	v34 =	vld [tilespmem:$0xC0]  }
0x79: {  	v32 =	vadd.s32 v36, v57;
	v36 =	vld [tilespmem:$0xE0];
	[tilespmem:$0x370] =	vst v38  }
0x7a: {  	v38 =	vadd.s32 v35, v56;
	v35 =	vld [tilespmem:$0xD0];
	[tilespmem:$0x390] =	vst v32  }
0x7b: {  	v32 =	vadd.s32 v37, v58;
	v37 =	vld [tilespmem:$0xF0];
	[tilespmem:$0x380] =	vst v38  }
0x7c: {  	[tilespmem:$0x3A0] =	vst v32;
	v38 =	vadd.s32 v33, v59  }
0x7d: {  	[tilespmem:$0x3B0] =	vst v38;
	v38 =	vadd.s32 v34, v60  }
0x7e: {  	v36 =	vadd.s32 v36, v62;
	[tilespmem:$0x3C0] =	vst v38  }
0x7f: {  	v38 =	vadd.s32 v35, v61;
	[tilespmem:$0x3E0] =	vst v36  }
0x80: {  	[tilespmem:$0x3D0] =	vst v38;
	v38 =	vadd.s32 v37, v63  }
0x81: {  	[tilespmem:$0x3F0] =	vst v38  }
0x82: {  	[tilespmem:s25], [sflag:$0x3] =	stream.indirect.gather [hbm4b:s1+s14], $0x80, s24, s14, $0xb8;
	[tilespmem:$0x18400] =	vst v63  }
0x83: {  	s12 =	smov.u32 s6;
	s7 =	simm.s32 $0x0  }
0x84: {  	[tilespmem:s28], [sflag:$0x3] =	stream.indirect.gather [hbm4b:s1+s14], $0x80, s26, s14, $0xb8;
	[tilespmem:$0x18400] =	vst v63  }
.LBB2_2:
0x85: {  	_ =	swait.ge [sflag:s29], $0x4000  }
0x86: {  	[sflag:s29] =	ssyncset.done $0x0  }
0x87: {  	[sflag:s29] =	ssyncadd.s32 $0xFFFFC000  }
0x88: {  	_ =	swait.ge [sflag:s29], $0x4000  }
0x89: {  	[sflag:s29] =	ssyncset.done $0x0  }
0x8a: {  	s8 =	sadd.s32 $0xFFFFE000, s12;
	[sflag:s29] =	ssyncadd.s32 $0xFFFFC000  }
0x8b: {  	[hbm4b:s8+s4] =	stream.linear.scatter [tilespmem:s20], [sflag:$0x5], $0x8000, $0x38;
	[tilespmem:$0x18400] =	vst v63  }
0x8c: {  	v32 =	vld [tilespmem:$0x0]  }
0x8d: {  	v33 =	vld [tilespmem:$0x10]  }
0x8e: {  	v34 =	vld [tilespmem:$0x20]  }
0x8f: {  	v35 =	vld [tilespmem:$0x30]  }
0x90: {  	s8 =	sadd.s32 s7, s11;
	v36 =	vld [tilespmem:$0x40]  }
0x91: {  	v37 =	vld [tilespmem:$0x50];
	v32 =	vadd.s32 s8, v32  }
0x92: {  	v38 =	vld [tilespmem:$0x60];
	v33 =	vadd.s32 s8, v33;
	v32 =	vadd.s32 v0, v32  }
0x93: {  	[tilespmem:$0x100] =	vst v32;
	v32 =	vadd.s32 v2, v33;
	v33 =	vadd.s32 s8, v34;
	v34 =	vld [tilespmem:$0x70]  }
0x94: {  	[tilespmem:$0x110] =	vst v32;
	v32 =	vadd.s32 v3, v33;
	v33 =	vadd.s32 s8, v35;
	v35 =	vld [tilespmem:$0x80]  }
0x95: {  	[tilespmem:$0x120] =	vst v32;
	v32 =	vadd.s32 v4, v33;
	v33 =	vadd.s32 s8, v36;
	v36 =	vld [tilespmem:$0x90]  }
0x96: {  	[tilespmem:$0x130] =	vst v32;
	v32 =	vadd.s32 v8, v33;
	v33 =	vadd.s32 s8, v37;
	v37 =	vld [tilespmem:$0xA0]  }
0x97: {  	[tilespmem:$0x140] =	vst v32;
	v32 =	vadd.s32 v9, v33;
	v33 =	vadd.s32 s8, v38;
	v38 =	vld [tilespmem:$0xB0]  }
0x98: {  	[tilespmem:$0x150] =	vst v32;
	v32 =	vadd.s32 v10, v33;
	v33 =	vadd.s32 s8, v34;
	v34 =	vld [tilespmem:$0xC0]  }
0x99: {  	[tilespmem:$0x160] =	vst v32;
	v32 =	vadd.s32 v14, v33;
	v33 =	vadd.s32 s8, v35;
	v35 =	vld [tilespmem:$0xD0]  }
0x9a: {  	[tilespmem:$0x170] =	vst v32;
	v32 =	vadd.s32 v15, v33;
	v33 =	vadd.s32 s8, v36;
	v36 =	vld [tilespmem:$0xE0]  }
0x9b: {  	[tilespmem:$0x180] =	vst v32;
	v32 =	vadd.s32 v16, v33;
	v33 =	vadd.s32 s8, v37;
	v37 =	vld [tilespmem:$0xF0]  }
0x9c: {  	[tilespmem:$0x190] =	vst v32;
	v32 =	vadd.s32 v20, v33;
	v38 =	vadd.s32 s8, v38  }
0x9d: {  	[tilespmem:$0x1A0] =	vst v32;
	v32 =	vadd.s32 v21, v38;
	v38 =	vadd.s32 s8, v34  }
0x9e: {  	[tilespmem:$0x1B0] =	vst v32;
	v32 =	vadd.s32 v22, v38;
	v38 =	vadd.s32 s8, v35  }
0x9f: {  	[tilespmem:$0x1C0] =	vst v32;
	v38 =	vadd.s32 v26, v38;
	v36 =	vadd.s32 s8, v36  }
0xa0: {  	[tilespmem:$0x1D0] =	vst v38;
	v38 =	vadd.s32 v27, v36;
	v36 =	vadd.s32 s8, v37  }
0xa1: {  	[tilespmem:$0x1E0] =	vst v38;
	v37 =	vadd.s32 v28, v36  }
0xa2: {  	[tilespmem:$0x1F0] =	vst v37  }
0xa3: {  	_ =	swait.ge [sflag:s30], $0x8000  }
0xa4: {  	[sflag:s30] =	ssyncset.done $0x0  }
0xa5: {  	[sflag:s30] =	ssyncadd.s32 $0xFFFF8000  }
0xa6: {  	[tilespmem:s16], [sflag:$0x1] =	stream.indirect.gather [hbm4b:s1+s14], $0x80, s15, s14, $0xb8;
	[tilespmem:$0x18400] =	vst v63  }
0xa7: {  	_ = 	snop  }
0xa8: {  	[tilespmem:s18], [sflag:$0x1] =	stream.indirect.gather [hbm4b:s1+s14], $0x80, s17, s14, $0xb8;
	[tilespmem:$0x18400] =	vst v63  }
0xa9: {  	_ =	swait.ge [sflag:s31], $0x4000  }
0xaa: {  	[sflag:s31] =	ssyncset.done $0x0  }
0xab: {  	[sflag:s31] =	ssyncadd.s32 $0xFFFFC000  }
0xac: {  	_ =	swait.ge [sflag:s31], $0x4000  }
0xad: {  	[sflag:s31] =	ssyncset.done $0x0  }
0xae: {  	s8 =	sadd.s32 $0xFFFFF000, s12;
	[sflag:s31] =	ssyncadd.s32 $0xFFFFC000  }
0xaf: {  	[hbm4b:s8+s4] =	stream.linear.scatter [tilespmem:s25], [sflag:$0x6], $0x8000, $0x38;
	[tilespmem:$0x18400] =	vst v63  }
0xb0: {  	v32 =	vld [tilespmem:$0x0]  }
0xb1: {  	v33 =	vld [tilespmem:$0x10]  }
0xb2: {  	v34 =	vld [tilespmem:$0x20]  }
0xb3: {  	v35 =	vld [tilespmem:$0x30]  }
0xb4: {  	s8 =	sadd.s32 s7, s10;
	v36 =	vld [tilespmem:$0x40]  }
0xb5: {  	v37 =	vld [tilespmem:$0x50];
	v32 =	vadd.s32 s8, v32  }
0xb6: {  	v38 =	vld [tilespmem:$0x60];
	v33 =	vadd.s32 s8, v33;
	v32 =	vadd.s32 v0, v32  }
0xb7: {  	[tilespmem:$0x200] =	vst v32;
	v32 =	vadd.s32 v2, v33;
	v33 =	vadd.s32 s8, v34;
	v34 =	vld [tilespmem:$0x70]  }
0xb8: {  	[tilespmem:$0x210] =	vst v32;
	v32 =	vadd.s32 v3, v33;
	v33 =	vadd.s32 s8, v35;
	v35 =	vld [tilespmem:$0x80]  }
0xb9: {  	[tilespmem:$0x220] =	vst v32;
	v32 =	vadd.s32 v4, v33;
	v33 =	vadd.s32 s8, v36;
	v36 =	vld [tilespmem:$0x90]  }
0xba: {  	[tilespmem:$0x230] =	vst v32;
	v32 =	vadd.s32 v8, v33;
	v33 =	vadd.s32 s8, v37;
	v37 =	vld [tilespmem:$0xA0]  }
0xbb: {  	[tilespmem:$0x240] =	vst v32;
	v32 =	vadd.s32 v9, v33;
	v33 =	vadd.s32 s8, v38;
	v38 =	vld [tilespmem:$0xB0]  }
0xbc: {  	[tilespmem:$0x250] =	vst v32;
	v32 =	vadd.s32 v10, v33;
	v33 =	vadd.s32 s8, v34;
	v34 =	vld [tilespmem:$0xC0]  }
0xbd: {  	[tilespmem:$0x260] =	vst v32;
	v32 =	vadd.s32 v14, v33;
	v33 =	vadd.s32 s8, v35;
	v35 =	vld [tilespmem:$0xD0]  }
0xbe: {  	[tilespmem:$0x270] =	vst v32;
	v32 =	vadd.s32 v15, v33;
	v33 =	vadd.s32 s8, v36;
	v36 =	vld [tilespmem:$0xE0]  }
0xbf: {  	[tilespmem:$0x280] =	vst v32;
	v32 =	vadd.s32 v16, v33;
	v33 =	vadd.s32 s8, v37;
	v37 =	vld [tilespmem:$0xF0]  }
0xc0: {  	[tilespmem:$0x290] =	vst v32;
	v32 =	vadd.s32 v20, v33;
	v38 =	vadd.s32 s8, v38  }
0xc1: {  	[tilespmem:$0x2A0] =	vst v32;
	v32 =	vadd.s32 v21, v38;
	v38 =	vadd.s32 s8, v34  }
0xc2: {  	[tilespmem:$0x2B0] =	vst v32;
	v32 =	vadd.s32 v22, v38;
	v38 =	vadd.s32 s8, v35  }
0xc3: {  	[tilespmem:$0x2C0] =	vst v32;
	v38 =	vadd.s32 v26, v38;
	v36 =	vadd.s32 s8, v36  }
0xc4: {  	[tilespmem:$0x2D0] =	vst v38;
	v38 =	vadd.s32 v27, v36;
	v36 =	vadd.s32 s8, v37  }
0xc5: {  	[tilespmem:$0x2E0] =	vst v38;
	v37 =	vadd.s32 v28, v36  }
0xc6: {  	[tilespmem:$0x2F0] =	vst v37  }
0xc7: {  	_ =	swait.ge [sflag:s3], $0x8000  }
0xc8: {  	[sflag:s3] =	ssyncset.done $0x0  }
0xc9: {  	[sflag:s3] =	ssyncadd.s32 $0xFFFF8000  }
0xca: {  	[tilespmem:s20], [sflag:$0x2] =	stream.indirect.gather [hbm4b:s1+s14], $0x80, s19, s14, $0xb8;
	[tilespmem:$0x18400] =	vst v63  }
0xcb: {  	_ = 	snop  }
0xcc: {  	[tilespmem:s22], [sflag:$0x2] =	stream.indirect.gather [hbm4b:s1+s14], $0x80, s21, s14, $0xb8;
	[tilespmem:$0x18400] =	vst v63  }
0xcd: {  	_ =	swait.ge [sflag:s23], $0x4000  }
0xce: {  	[sflag:s23] =	ssyncset.done $0x0  }
0xcf: {  	[sflag:s23] =	ssyncadd.s32 $0xFFFFC000  }
0xd0: {  	_ =	swait.ge [sflag:s23], $0x4000  }
0xd1: {  	[sflag:s23] =	ssyncset.done $0x0  }
0xd2: {  	[sflag:s23] =	ssyncadd.s32 $0xFFFFC000  }
0xd3: {  	[hbm4b:s12+s4] =	stream.linear.scatter [tilespmem:s16], [sflag:$0x4], $0x8000, $0x38;
	[tilespmem:$0x18400] =	vst v63  }
0xd4: {  	v32 =	vld [tilespmem:$0x0]  }
0xd5: {  	v33 =	vld [tilespmem:$0x10]  }
0xd6: {  	v34 =	vld [tilespmem:$0x20]  }
0xd7: {  	s8 =	rddreg [dreg:$0x4];
	v35 =	vld [tilespmem:$0x30]  }
0xd8: {  	s8 =	sadd.s32 s7, s8;
	v36 =	vld [tilespmem:$0x40]  }
0xd9: {  	v37 =	vld [tilespmem:$0x50];
	v32 =	vadd.s32 s8, v32  }
0xda: {  	v38 =	vld [tilespmem:$0x60];
	v33 =	vadd.s32 s8, v33;
	v32 =	vadd.s32 v0, v32  }
0xdb: {  	[tilespmem:$0x300] =	vst v32;
	v32 =	vadd.s32 v2, v33;
	v33 =	vadd.s32 s8, v34;
	v34 =	vld [tilespmem:$0x70]  }
0xdc: {  	[tilespmem:$0x310] =	vst v32;
	v32 =	vadd.s32 v3, v33;
	v33 =	vadd.s32 s8, v35;
	v35 =	vld [tilespmem:$0x80]  }
0xdd: {  	[tilespmem:$0x320] =	vst v32;
	v32 =	vadd.s32 v4, v33;
	v33 =	vadd.s32 s8, v36;
	v36 =	vld [tilespmem:$0x90]  }
0xde: {  	[tilespmem:$0x330] =	vst v32;
	v32 =	vadd.s32 v8, v33;
	v33 =	vadd.s32 s8, v37;
	v37 =	vld [tilespmem:$0xA0]  }
0xdf: {  	[tilespmem:$0x340] =	vst v32;
	v32 =	vadd.s32 v9, v33;
	v33 =	vadd.s32 s8, v38;
	v38 =	vld [tilespmem:$0xB0]  }
0xe0: {  	[tilespmem:$0x350] =	vst v32;
	v32 =	vadd.s32 v10, v33;
	v33 =	vadd.s32 s8, v34;
	v34 =	vld [tilespmem:$0xC0]  }
0xe1: {  	[tilespmem:$0x360] =	vst v32;
	v32 =	vadd.s32 v14, v33;
	v33 =	vadd.s32 s8, v35;
	v35 =	vld [tilespmem:$0xD0]  }
0xe2: {  	[tilespmem:$0x370] =	vst v32;
	v32 =	vadd.s32 v15, v33;
	v33 =	vadd.s32 s8, v36;
	v36 =	vld [tilespmem:$0xE0]  }
0xe3: {  	[tilespmem:$0x380] =	vst v32;
	v32 =	vadd.s32 v16, v33;
	v33 =	vadd.s32 s8, v37;
	v37 =	vld [tilespmem:$0xF0]  }
0xe4: {  	[tilespmem:$0x390] =	vst v32;
	v32 =	vadd.s32 v20, v33;
	v38 =	vadd.s32 s8, v38  }
0xe5: {  	[tilespmem:$0x3A0] =	vst v32;
	v32 =	vadd.s32 v21, v38;
	v38 =	vadd.s32 s8, v34  }
0xe6: {  	[tilespmem:$0x3B0] =	vst v32;
	v32 =	vadd.s32 v22, v38;
	v38 =	vadd.s32 s8, v35  }
0xe7: {  	[tilespmem:$0x3C0] =	vst v32;
	v32 =	vadd.s32 v26, v38;
	v38 =	vadd.s32 s8, v36  }
0xe8: {  	[tilespmem:$0x3D0] =	vst v32;
	v36 =	vadd.s32 v27, v38;
	v37 =	vadd.s32 s8, v37  }
0xe9: {  	[tilespmem:$0x3E0] =	vst v36;
	v38 =	vadd.s32 v28, v37  }
0xea: {  	[tilespmem:$0x3F0] =	vst v38  }
0xeb: {  	p0 =	sne.s32 s7, $0x9;
	_ =	swait.ge [sflag:s0], $0x8000  }
.Ltmp0:
0xec: {  	[sflag:s0] =	ssyncset.done $0x0;
	(pc) =	sbr.rel @p0 .LBB2_2-.Ltmp0, $4  }
0xed: {  	[sflag:s0] =	ssyncadd.s32 $0xFFFF8000  }
0xee: {  	[tilespmem:s25], [sflag:$0x3] =	stream.indirect.gather [hbm4b:s1+s14], $0x80, s24, s14, $0xb8;
	[tilespmem:$0x18400] =	vst v63  }
0xef: {  	s7 =	sadd.s32 $0x3, s7;
	s12 =	sadd.s32 $0x3000, s12  }
0xf0: {  	[tilespmem:s28], [sflag:$0x3] =	stream.indirect.gather [hbm4b:s1+s14], $0x80, s26, s14, $0xb8;
	[tilespmem:$0x18400] =	vst v63  }
0xf1: {  	_ =	swait.ge [sflag:s29], $0x4000  }
0xf2: {  	[sflag:s29] =	ssyncset.done $0x0  }
0xf3: {  	[sflag:s29] =	ssyncadd.s32 $0xFFFFC000  }
0xf4: {  	_ =	swait.ge [sflag:s29], $0x4000  }
0xf5: {  	[sflag:s29] =	ssyncset.done $0x0  }
0xf6: {  	s7 =	rddreg [dreg:$0x5];
	[sflag:s29] =	ssyncadd.s32 $0xFFFFC000  }
0xf7: {  	[hbm4b:s7+s4] =	stream.linear.scatter [tilespmem:s20], [sflag:$0x5], $0x8000, $0x38;
	[tilespmem:$0x18400] =	vst v63  }
0xf8: {  	v32 =	vld [tilespmem:$0x0]  }
0xf9: {  	v33 =	vld [tilespmem:$0x10]  }
0xfa: {  	v34 =	vld [tilespmem:$0x20]  }
0xfb: {  	v36 =	vld [tilespmem:$0x40]  }
0xfc: {  	v35 =	vld [tilespmem:$0x30]  }
0xfd: {  	v37 =	vld [tilespmem:$0x50];
	v32 =	vadd.s32 v32, v1  }
0xfe: {  	v38 =	vadd.s32 v33, v5;
	v33 =	vld [tilespmem:$0x60];
	[tilespmem:$0x100] =	vst v32  }
0xff: {  	[tilespmem:$0x110] =	vst v38;
	v38 =	vadd.s32 v34, v6;
	v34 =	vld [tilespmem:$0x70]  }
0x100: {  	v32 =	vadd.s32 v36, v11;
	v36 =	vld [tilespmem:$0x90];
	[tilespmem:$0x120] =	vst v38  }
0x101: {  	v38 =	vadd.s32 v35, v7;
	v35 =	vld [tilespmem:$0x80];
	[tilespmem:$0x140] =	vst v32  }
0x102: {  	v32 =	vadd.s32 v37, v12;
	v37 =	vld [tilespmem:$0xA0];
	[tilespmem:$0x130] =	vst v38  }
0x103: {  	[tilespmem:$0x150] =	vst v32;
	v38 =	vadd.s32 v33, v13;
	v33 =	vld [tilespmem:$0xB0]  }
0x104: {  	[tilespmem:$0x160] =	vst v38;
	v38 =	vadd.s32 v34, v17;
	v34 =	vld [tilespmem:$0xC0]  }
0x105: {  	v32 =	vadd.s32 v36, v19;
	v36 =	vld [tilespmem:$0xE0];
	[tilespmem:$0x170] =	vst v38  }
0x106: {  	v38 =	vadd.s32 v35, v18;
	v35 =	vld [tilespmem:$0xD0];
	[tilespmem:$0x190] =	vst v32  }
0x107: {  	v32 =	vadd.s32 v37, v23;
	v37 =	vld [tilespmem:$0xF0];
	[tilespmem:$0x180] =	vst v38  }
0x108: {  	[tilespmem:$0x1A0] =	vst v32;
	v38 =	vadd.s32 v33, v24  }
0x109: {  	[tilespmem:$0x1B0] =	vst v38;
	v38 =	vadd.s32 v34, v25  }
0x10a: {  	v36 =	vadd.s32 v36, v30;
	[tilespmem:$0x1C0] =	vst v38  }
0x10b: {  	v38 =	vadd.s32 v35, v29;
	[tilespmem:$0x1E0] =	vst v36  }
0x10c: {  	[tilespmem:$0x1D0] =	vst v38;
	v38 =	vadd.s32 v37, v31  }
0x10d: {  	[tilespmem:$0x1F0] =	vst v38  }
0x10e: {  	_ =	swait.ge [sflag:s30], $0x8000  }
0x10f: {  	[sflag:s30] =	ssyncset.done $0x0  }
0x110: {  	[sflag:s30] =	ssyncadd.s32 $0xFFFF8000  }
0x111: {  	[tilespmem:s16], [sflag:$0x1] =	stream.indirect.gather [hbm4b:s1+s14], $0x80, s15, s14, $0xb8;
	[tilespmem:$0x18400] =	vst v63  }
0x112: {  	_ = 	snop  }
0x113: {  	[tilespmem:s18], [sflag:$0x1] =	stream.indirect.gather [hbm4b:s1+s14], $0x80, s17, s14, $0xb8;
	[tilespmem:$0x18400] =	vst v63  }
0x114: {  	_ =	swait.ge [sflag:s31], $0x4000  }
0x115: {  	[sflag:s31] =	ssyncset.done $0x0  }
0x116: {  	[sflag:s31] =	ssyncadd.s32 $0xFFFFC000  }
0x117: {  	_ =	swait.ge [sflag:s31], $0x4000  }
0x118: {  	[sflag:s31] =	ssyncset.done $0x0  }
0x119: {  	s8 =	rddreg [dreg:$0x6];
	[sflag:s31] =	ssyncadd.s32 $0xFFFFC000  }
0x11a: {  	[hbm4b:s8+s4] =	stream.linear.scatter [tilespmem:s25], [sflag:$0x6], $0x8000, $0x38;
	[tilespmem:$0x18400] =	vst v63  }
0x11b: {  	_ =	swait.ge [sflag:s23], $0x4000  }
0x11c: {  	[sflag:s23] =	ssyncset.done $0x0  }
0x11d: {  	[sflag:s23] =	ssyncadd.s32 $0xFFFFC000  }
0x11e: {  	_ =	swait.ge [sflag:s23], $0x4000  }
0x11f: {  	[sflag:s23] =	ssyncset.done $0x0  }
0x120: {  	s12 =	rddreg [dreg:$0x7];
	[sflag:s23] =	ssyncadd.s32 $0xFFFFC000  }
0x121: {  	[hbm4b:s12+s4] =	stream.linear.scatter [tilespmem:s16], [sflag:$0x4], $0x8000, $0x38;
	[tilespmem:$0x18400] =	vst v63  }
0x122: {  	_ =	swait.ge [sflag:s3], $0x8000  }
0x123: {  	[sflag:s3] =	ssyncset.done $0x0  }
0x124: {  	s2 =	sadd.s32 $0x1, s2;
	[sflag:s3] =	ssyncadd.s32 $0xFFFF8000  }
0x125: {  	p0 =	sne.s32 s2, s9;
	_ =	swait.ge [sflag:s0], $0x8000  }
.Ltmp1:
0x126: {  	[sflag:s0] =	ssyncset.done $0x0;
	(pc) =	sbr.rel @p0 .LBB2_1-.Ltmp1, $4  }
0x127: {  	[sflag:s0] =	ssyncadd.s32 $0xFFFF8000  }
0x128: {  	_ =	swait.ge [sflag:s30], $0x8000  }
0x129: {  	[sflag:s30] =	ssyncset.done $0x0  }
0x12a: {  	[sflag:s30] =	ssyncadd.s32 $0xFFFF8000  }
0x12b: {  	_ =	sfence.sel $0x180000  }
0x12c: {  	[bflag:$0x0] =	sbarrier.arrive $0xFFFF  }
0x12d: {  	_ =	strace $0x90000047  }
0x12e: {  	s0 =	stileid.u32;
	[bflag:$0x2] =	sbarrier.arrive $0xFFFF  }
0x12f: {  	p0 =	sne.s32 s0, $0x0;
	s0 =	rddreg [dreg:$0x3]  }
0x130: {  	s0 =	sadd.s32 @!p0 $0x100000, s0  }
0x131: {  	[sflag:s0] =	ssyncadd.tile.s32 @!p0 $0x1;
	_ =	shalt  }
.Lfunc_end2:
_tile_overlayer_lowered:
.L_overlay_start_2:
0x132: {  	(tag) =	ssettag $0x2  }
0x133: {  	s0 =	rddreg [dreg:$0x0];
	s2 =	stileid.u32  }
0x134: {  	s1 =	rddreg [dreg:$0x1];
	p0 =	sne.s32 s2, $0x0  }
0x135: {  	s3 =	rddreg [dreg:$0x2];
	[bflag:$0x3] =	sbarrier.arrive $0xFFFF;
	s2 =	simm.s32 @!p0 $0x1C07  }
0x136: {  	[timem:s3], [sflag:s2] =	dma.local @!p0 [hbm:s0], s1  }
0x137: {  	s0 =	simm.s32 @!p0 $0x7  }
0x138: {  	_ =	swait.ge @!p0 [sflag:s0], s1  }
0x139: {  	s1 =	ssub.s32 @!p0 $0x0, s1;
	[sflag:s0] =	ssyncset.done @!p0 $0x0  }
0x13a: {  	[sflag:s0] =	ssyncadd.s32 @!p0 s1  }
0x13b: {  	[bflag:$0x3] =	sbarrier.arrive $0xFFFF  }
0x13c: {  	_ =	shalt  }

</sc_bundles>
